<compile_context>
chip_gen: v7x
topology: tpu7x:2x2x1
jax: 0.10.2.dev20260603
libtpu: 0.0.44.dev20260713+nightly
codegen_flags: <defaults>
</compile_context>

<pallas_src>
import functools

import jax
import jax.numpy as jnp
from jax import lax
from jax.experimental import pallas as pl
from jax.experimental.pallas import tpu as pltpu
from jax.experimental.pallas import tpu_sc as plsc

_NC, _NS, _L = 2, 16, 16
_NW = _NC * _NS
_CH = 128
_CPT = 80
_CPS = 160
_BNA, _BNB = 3, 2
_EPAD = _NW * _CPT * _CH
_NACC = 10240
_DUMMY = 10016


def _mesh():
    return plsc.VectorSubcoreMesh(core_axis_name="c", subcore_axis_name="s",
                                  num_cores=_NC, num_subcores=_NS)


def _sc_degree(dst3, ones_row, zeros_col):
    n_tile = _NACC // _NS

    @functools.partial(
        pl.kernel,
        out_type=jax.ShapeDtypeStruct((_NC, _NACC), jnp.float32),
        mesh=_mesh(),
        scratch_types=[
            pltpu.VMEM((_CPT, _CH), jnp.int32),
            pltpu.VMEM((_CH,), jnp.float32),
            pltpu.VMEM((n_tile,), jnp.float32),
            pltpu.VMEM_SHARED((_NACC,), jnp.float32),
        ],
    )
    def k(dst_hbm, ones_hbm, zeros_hbm, out_hbm, idx_v, ones_v, stage_v, acc_sh):
        cid = lax.axis_index("c")
        sid = lax.axis_index("s")
        wid = cid * _NS + sid
        pltpu.sync_copy(ones_hbm, ones_v)
        pltpu.sync_copy(zeros_hbm, stage_v)
        pltpu.sync_copy(stage_v, acc_sh.at[pl.ds(sid * n_tile, n_tile)])
        pltpu.sync_copy(dst_hbm.at[wid], idx_v)
        plsc.subcore_barrier()

        def body(c, carry):
            pltpu.sync_copy(ones_v, acc_sh.at[idx_v.at[c]], add=True)
            return carry

        lax.fori_loop(0, _CPT, body, 0)
        plsc.subcore_barrier()
        pltpu.sync_copy(acc_sh.at[pl.ds(sid * n_tile, n_tile)], stage_v)
        pltpu.sync_copy(stage_v, out_hbm.at[cid, pl.ds(sid * n_tile, n_tile)])

    return k(dst3, ones_row, zeros_col)


def _sc_scatter(pstk, src3s, dst3s, zeros_blk):
    n_tile = _NACC // _NS
    n_stride = _BNA + _BNB
    n_grp = _CPS // n_stride

    @functools.partial(
        pl.kernel,
        out_type=jax.ShapeDtypeStruct((_NACC, 128), jnp.float32),
        mesh=_mesh(),
        compiler_params=pltpu.CompilerParams(use_tc_tiling_on_sc=False),
        scratch_types=[
            [pltpu.VMEM((_BNA, _CH), jnp.int32), pltpu.VMEM((_BNA, _CH), jnp.int32),
             pltpu.VMEM((_BNB, _CH), jnp.int32), pltpu.VMEM((_BNB, _CH), jnp.int32)],
            [pltpu.VMEM((_CH, 64), jnp.float32) for _ in range(_BNA + _BNB)],
            pltpu.VMEM_SHARED((_NACC, 64), jnp.float32),
            pltpu.VMEM_SHARED((_NACC, 64), jnp.float32),
            [pltpu.SemaphoreType.DMA for _ in range(6)],
        ],
    )
    def k(p_hbm, src_hbm, dst_hbm, zeros_hbm, out_hbm,
          idx_v, bufs, acc_sh, p_sh, sems):
        cid = lax.axis_index("c")
        sid = lax.axis_index("s")
        src_a, dst_a, src_b, dst_b = idx_v
        gsem_a, ssem_a, gsem_b, ssem_b, isem_a, isem_b = sems
        bufs_a, bufs_b = bufs[:_BNA], bufs[_BNA:]
        pltpu.sync_copy(zeros_hbm, acc_sh.at[pl.ds(sid * n_tile, n_tile)])
        pltpu.sync_copy(p_hbm.at[pl.ds(sid * n_tile, n_tile),
                                 pl.ds(cid * 64, 64)],
                        p_sh.at[pl.ds(sid * n_tile, n_tile)])
        plsc.subcore_barrier()

        def stage(g, off, nb, src_v, dst_v):
            pltpu.sync_copy(src_hbm.at[sid, pl.ds(g * n_stride + off, nb)],
                            src_v)
            pltpu.sync_copy(dst_hbm.at[sid, pl.ds(g * n_stride + off, nb)],
                            dst_v)

        def stage_async(g, off, nb, hbm, dst_v, sem):
            pltpu.async_copy(hbm.at[sid, pl.ds(g * n_stride + off, nb)],
                             dst_v, sem)

        def stage_wait(g, off, nb, hbm, dst_v, sem):
            pltpu.make_async_copy(hbm.at[sid, pl.ds(g * n_stride + off, nb)],
                                  dst_v, sem).wait()

        def fire_g(src_v, bank, sem):
            return [pltpu.async_copy(p_sh.at[src_v.at[kk]], bank[kk], sem)
                    for kk in range(len(bank))]

        def fire_s(dst_v, bank, sem):
            return [pltpu.async_copy(bank[kk], acc_sh.at[dst_v.at[kk]], sem,
                                     add=True)
                    for kk in range(len(bank))]

        def wait_g(src_v, bank, sem):
            for kk in range(len(bank)):
                pltpu.make_async_copy(p_sh.at[src_v.at[kk]], bank[kk],
                                      sem).wait()

        def drain(ds):
            for d in ds:
                d.wait()

        stage(0, 0, _BNA, src_a, dst_a)
        stage_async(0, _BNA, _BNB, src_hbm, src_b, isem_b)
        stage_async(0, _BNA, _BNB, dst_hbm, dst_b, isem_b)
        fire_g(src_a, bufs_a, gsem_a)

        def group(g, carry):
            stage_wait(g, _BNA, _BNB, src_hbm, src_b, isem_b)
            stage_wait(g, _BNA, _BNB, dst_hbm, dst_b, isem_b)
            gb = fire_g(src_b, bufs_b, gsem_b)
            wait_g(src_a, bufs_a, gsem_a)
            stage_async(g + 1, 0, _BNA, src_hbm, src_a, isem_a)
            drain(fire_s(dst_a, bufs_a, ssem_a))
            stage_async(g + 1, 0, _BNA, dst_hbm, dst_a, isem_a)
            stage_wait(g + 1, 0, _BNA, src_hbm, src_a, isem_a)
            stage_wait(g + 1, 0, _BNA, dst_hbm, dst_a, isem_a)
            fire_g(src_a, bufs_a, gsem_a)
            drain(gb)
            drain(fire_s(dst_b, bufs_b, ssem_b))
            stage_async(g + 1, _BNA, _BNB, src_hbm, src_b, isem_b)
            stage_async(g + 1, _BNA, _BNB, dst_hbm, dst_b, isem_b)
            return carry

        lax.fori_loop(0, n_grp - 1, group, 0)
        stage_wait(n_grp - 1, _BNA, _BNB, src_hbm, src_b, isem_b)
        stage_wait(n_grp - 1, _BNA, _BNB, dst_hbm, dst_b, isem_b)
        gb = fire_g(src_b, bufs_b, gsem_b)
        wait_g(src_a, bufs_a, gsem_a)
        drain(fire_s(dst_a, bufs_a, ssem_a))
        drain(gb)
        drain(fire_s(dst_b, bufs_b, ssem_b))
        plsc.subcore_barrier()
        pltpu.sync_copy(acc_sh.at[pl.ds(sid * n_tile, n_tile)],
                        out_hbm.at[pl.ds(sid * n_tile, n_tile),
                                   pl.ds(cid * 64, 64)])

    return k(pstk, src3s, dst3s, zeros_blk)


def _bn(h, g, b):
    m = jnp.mean(h, axis=0, keepdims=True)
    c = h - m
    v = jnp.mean(c * c, axis=0, keepdims=True)
    return c / jnp.sqrt(v + 1e-5) * g[None, :] + b[None, :]


def _matT(h, w):
    return lax.dot_general(h, w, (((1,), (1,)), ((), ())),
                           precision=lax.Precision.HIGHEST,
                           preferred_element_type=jnp.float32)


def _tc_pre0(x, bng, bnb, wp, bp, w1, *, interpret=False):
    n = x.shape[0]

    def body(x_ref, bng_ref, bnb_ref, wp_ref, bp_ref, w1_ref, q1_ref):
        h = _bn(x_ref[...], bng_ref[...], bnb_ref[...])
        h = jnp.maximum(_matT(h, wp_ref[...]) + bp_ref[...][None, :], 0.0)
        q1_ref[...] = _matT(h, w1_ref[...])

    return pl.pallas_call(
        body,
        out_shape=jax.ShapeDtypeStruct((n, 128), jnp.float32),
        compiler_params=pltpu.CompilerParams(vmem_limit_bytes=100 * 1024 * 1024),
        interpret=interpret,
    )(x, bng, bnb, wp, bp, w1)


def _tc_pre1(q1, degp, *, interpret=False):
    n = q1.shape[0]

    def body(q1_ref, degp_ref, p1_ref, dinv_ref):
        deg = degp_ref[0:1, :] + degp_ref[1:2, :] + 1.0
        dinv = (1.0 / jnp.sqrt(deg)).reshape(_NACC, 1)[:n]
        p1_ref[0:n, :] = dinv * q1_ref[...]
        dinv_ref[...] = dinv

    return pl.pallas_call(
        body,
        out_shape=[jax.ShapeDtypeStruct((_NACC, 128), jnp.float32),
                   jax.ShapeDtypeStruct((n, 1), jnp.float32)],
        compiler_params=pltpu.CompilerParams(vmem_limit_bytes=100 * 1024 * 1024),
        interpret=interpret,
    )(q1, degp)


def _tc_mid(sp, p1, dinv, b1, bng, bnb, w2, *, interpret=False):
    n = dinv.shape[0]

    def body(sp_ref, p1_ref, dinv_ref, b1_ref, bng_ref, bnb_ref, w2_ref, p2_ref):
        dinv = dinv_ref[...]
        out1 = dinv * (sp_ref[0:n, :] + p1_ref[0:n, :]) + b1_ref[...][None, :]
        h1 = jnp.maximum(_bn(out1, bng_ref[...], bnb_ref[...]), 0.0)
        p2_ref[0:n, :] = dinv * _matT(h1, w2_ref[...])

    return pl.pallas_call(
        body,
        out_shape=jax.ShapeDtypeStruct((_NACC, 128), jnp.float32),
        compiler_params=pltpu.CompilerParams(vmem_limit_bytes=100 * 1024 * 1024),
        interpret=interpret,
    )(sp, p1, dinv, b1, bng, bnb, w2)


def _tc_post(sp, p2, dinv, b2, bng, bnb, *, interpret=False):
    n = dinv.shape[0]

    def body(sp_ref, p2_ref, dinv_ref, b2_ref, bng_ref, bnb_ref, out_ref):
        out2 = dinv_ref[...] * (sp_ref[0:n, :] + p2_ref[0:n, :]) + b2_ref[...][None, :]
        out_ref[...] = _bn(out2, bng_ref[...], bnb_ref[...])

    return pl.pallas_call(
        body,
        out_shape=jax.ShapeDtypeStruct((n, 128), jnp.float32),
        compiler_params=pltpu.CompilerParams(vmem_limit_bytes=100 * 1024 * 1024),
        interpret=interpret,
    )(sp, p2, dinv, b2, bng, bnb)


def kernel(x, edge_index, bn_in_g, bn_in_b, W_proj, b_proj, W1, b1,
           bn1_g, bn1_b, W2, b2, bn2_g, bn2_b):
    n = x.shape[0]
    e = edge_index.shape[1]
    pad = _EPAD - e
    src_p = jnp.concatenate([edge_index[0], jnp.zeros((pad,), edge_index.dtype)])
    dst_p = jnp.concatenate([edge_index[1], jnp.full((pad,), _DUMMY, edge_index.dtype)])
    src3 = src_p.reshape(_NW, _CPT, _CH)
    dst3 = dst_p.reshape(_NW, _CPT, _CH)
    src3s = src_p.reshape(_NS, _CPS, _CH)
    dst3s = dst_p.reshape(_NS, _CPS, _CH)
    ones_row = jnp.ones((_CH,), jnp.float32)
    zeros_col = jnp.zeros((_NACC // _NS,), jnp.float32)
    zeros_blk = jnp.zeros((_NACC // _NS, 64), jnp.float32)

    degp = _sc_degree(dst3, ones_row, zeros_col)
    q1 = _tc_pre0(x, bn_in_g, bn_in_b, W_proj, b_proj, W1)
    p1, dinv = _tc_pre1(q1, degp)
    s1p = _sc_scatter(p1, src3s, dst3s, zeros_blk)
    p2 = _tc_mid(s1p, p1, dinv, b1, bn1_g, bn1_b, W2)
    s2p = _sc_scatter(p2, src3s, dst3s, zeros_blk)
    return _tc_post(s2p, p2, dinv, b2, bn2_g, bn2_b)

# --- scband reference (transcript-rebuilt; emitter-appended) ---
"""Pipeline reference for scband-gcnencoder-8873402434235 (READ-ONLY COPY).

The authoritative reference and input builder live on the scoring server;
editing this copy changes nothing except your own understanding.
"""

import jax, jax.numpy as jnp
import numpy as np

N = 10000
E = 320000
D = 128
H = 128
OUT = 128

def setup_inputs(seed: int = 0):
    key = jax.random.key(seed)
    ks = jax.random.split(key, 8)
    x = jax.random.normal(ks[0], (N, D), dtype=jnp.float32)
    edge_index = jax.random.randint(ks[1], (2, E), 0, N, dtype=jnp.int32)
    W_proj = jax.random.normal(ks[2], (H, D), dtype=jnp.float32) * 0.05
    b_proj = jnp.zeros((H,), dtype=jnp.float32)
    W1 = jax.random.normal(ks[3], (H, H), dtype=jnp.float32) * 0.05
    b1 = jnp.zeros((H,), dtype=jnp.float32)
    W2 = jax.random.normal(ks[4], (OUT, H), dtype=jnp.float32) * 0.05
    b2 = jnp.zeros((OUT,), dtype=jnp.float32)
    bn_in_g = jnp.ones((D,), jnp.float32); bn_in_b = jnp.zeros((D,), jnp.float32)
    bn1_g = jnp.ones((H,), jnp.float32); bn1_b = jnp.zeros((H,), jnp.float32)
    bn2_g = jnp.ones((OUT,), jnp.float32); bn2_b = jnp.zeros((OUT,), jnp.float32)
    return {"x": x, "edge_index": edge_index, "bn_in_g": bn_in_g, "bn_in_b": bn_in_b, "W_proj": W_proj, "b_proj": b_proj, "W1": W1, "b1": b1, "bn1_g": bn1_g, "bn1_b": bn1_b, "W2": W2, "b2": b2, "bn2_g": bn2_g, "bn2_b": bn2_b}

def _batchnorm(x, g, b):
    m = jnp.mean(x, axis=0)
    v = jnp.var(x, axis=0)
    return (x - m) / jnp.sqrt(v + 1e-5) * g + b

def _gcn_conv(x, src, dst, norm, W, b):
    h = x @ W.T
    msg = h[src] * norm[:, None]
    out = jnp.zeros((x.shape[0], W.shape[0]), dtype=x.dtype).at[dst].add(msg)
    return out + b

def reference(x, edge_index, bn_in_g, bn_in_b, W_proj, b_proj, W1, b1, bn1_g, bn1_b, W2, b2, bn2_g, bn2_b):
    n = x.shape[0]
    loop = jnp.arange(n, dtype=edge_index.dtype)
    src = jnp.concatenate([edge_index[0], loop])
    dst = jnp.concatenate([edge_index[1], loop])
    deg = jnp.zeros((n,), jnp.float32).at[dst].add(1.0)
    dinv = jnp.where(deg > 0, 1.0 / jnp.sqrt(deg), 0.0)
    norm = dinv[src] * dinv[dst]
    h = _batchnorm(x, bn_in_g, bn_in_b)
    h = jax.nn.relu(h @ W_proj.T + b_proj)
    res = h[:, :min(h.shape[1], 64)]
    h = jax.nn.relu(_batchnorm(_gcn_conv(h, src, dst, norm, W1, b1), bn1_g, bn1_b))
    h = _batchnorm(_gcn_conv(h, src, dst, norm, W2, b2), bn2_g, bn2_b)
    return h

if __name__ == "__main__":
    import jax
    _d = setup_inputs()
    print(jax.jit(kernel)(*tuple(_d.values())))

</pallas_src>

<mosaic_0001>
#map = affine_map<(d0, d1) -> (0, 0, 0)>
#map1 = affine_map<(d0, d1) -> (0)>
#map2 = affine_map<(d0, d1) -> (0, 0)>
module attributes {stable_mosaic.version = 14 : i64} {
  func.func @k(%arg0: i32, %arg1: i32, %arg2: memref<32x80x128xi32, #tpu.memory_space<hbm>>, %arg3: memref<128xf32, #tpu.memory_space<hbm>>, %arg4: memref<640xf32, #tpu.memory_space<hbm>>, %arg5: memref<2x10240xf32, #tpu.memory_space<hbm>>, %arg6: memref<80x128xi32, #tpu.memory_space<vmem>>, %arg7: memref<128xf32, #tpu.memory_space<vmem>>, %arg8: memref<640xf32, #tpu.memory_space<vmem>>, %arg9: memref<10240xf32, #tpu.memory_space<vmem_shared>>) attributes {dimension_semantics = [#tpu.dimension_semantics<core_parallel>, #tpu.dimension_semantics<subcore_parallel>], iteration_bounds = array<i64: 2, 16>, scalar_prefetch = 0 : i64, scratch_operands = 4 : i64, tpu.core_type = #tpu.core_type<sc_vector_subcore>, window_params = [{transform_indices = #map}, {transform_indices = #map1}, {transform_indices = #map1}, {transform_indices = #map2}]} {
    %mul3A = arith.constant 16 : i32
    %mul3A_0 = arith.muli %arg0, %mul3A : i32
    %add3A = arith.addi %mul3A_0, %arg1 : i32
    "tpu.region"() ({
      %run_scoped3A = tpu.sem_alloc : memref<!tpu.dma_semaphore, #tpu.memory_space<semaphore_mem>>
      tpu.enqueue_dma source(%arg3 : memref<128xf32, #tpu.memory_space<hbm>>) target(%arg7 : memref<128xf32, #tpu.memory_space<vmem>>) target_semaphore(%run_scoped3A : memref<!tpu.dma_semaphore, #tpu.memory_space<semaphore_mem>>)
      tpu.wait_dma2 semaphore(%run_scoped3A : memref<!tpu.dma_semaphore, #tpu.memory_space<semaphore_mem>>) src(%arg3 : memref<128xf32, #tpu.memory_space<hbm>>) dst(%arg7 : memref<128xf32, #tpu.memory_space<vmem>>)
      tpu.yield
    }) : () -> ()
    "tpu.region"() ({
      %run_scoped3A = tpu.sem_alloc : memref<!tpu.dma_semaphore, #tpu.memory_space<semaphore_mem>>
      tpu.enqueue_dma source(%arg4 : memref<640xf32, #tpu.memory_space<hbm>>) target(%arg8 : memref<640xf32, #tpu.memory_space<vmem>>) target_semaphore(%run_scoped3A : memref<!tpu.dma_semaphore, #tpu.memory_space<semaphore_mem>>)
      tpu.wait_dma2 semaphore(%run_scoped3A : memref<!tpu.dma_semaphore, #tpu.memory_space<semaphore_mem>>) src(%arg4 : memref<640xf32, #tpu.memory_space<hbm>>) dst(%arg8 : memref<640xf32, #tpu.memory_space<vmem>>)
      tpu.yield
    }) : () -> ()
    %mul3A_1 = arith.constant 640 : i32
    %mul3A_2 = arith.muli %arg1, %mul3A_1 : i32
    "tpu.region"() ({
      %run_scoped3A = tpu.sem_alloc : memref<!tpu.dma_semaphore, #tpu.memory_space<semaphore_mem>>
      %dma_start3A = tpu.memref_slice %arg9[%mul3A_2] : memref<10240xf32, #tpu.memory_space<vmem_shared>> -> memref<640xf32, #tpu.memory_space<vmem_shared>>
      %dma_start3A_13 = tpu.memref_slice %arg9[%mul3A_2] : memref<10240xf32, #tpu.memory_space<vmem_shared>> -> memref<640xf32, #tpu.memory_space<vmem_shared>>
      tpu.enqueue_dma source(%arg8 : memref<640xf32, #tpu.memory_space<vmem>>) target(%dma_start3A_13 : memref<640xf32, #tpu.memory_space<vmem_shared>>) target_semaphore(%run_scoped3A : memref<!tpu.dma_semaphore, #tpu.memory_space<semaphore_mem>>)
      %dma_wait3A = tpu.memref_slice %arg9[%mul3A_2] : memref<10240xf32, #tpu.memory_space<vmem_shared>> -> memref<640xf32, #tpu.memory_space<vmem_shared>>
      %dma_wait3A_14 = tpu.memref_slice %arg9[%mul3A_2] : memref<10240xf32, #tpu.memory_space<vmem_shared>> -> memref<640xf32, #tpu.memory_space<vmem_shared>>
      tpu.wait_dma2 semaphore(%run_scoped3A : memref<!tpu.dma_semaphore, #tpu.memory_space<semaphore_mem>>) src(%arg8 : memref<640xf32, #tpu.memory_space<vmem>>) dst(%dma_wait3A_14 : memref<640xf32, #tpu.memory_space<vmem_shared>>)
      tpu.yield
    }) : () -> ()
    "tpu.region"() ({
      %run_scoped3A = tpu.sem_alloc : memref<!tpu.dma_semaphore, #tpu.memory_space<semaphore_mem>>
      %dma_start3A = arith.constant 0 : i32
      %dma_start3A_13 = arith.constant 0 : i32
      %dma_start3A_14 = tpu.memref_slice %arg2[%add3A, %dma_start3A, %dma_start3A_13] : memref<32x80x128xi32, #tpu.memory_space<hbm>> -> memref<1x80x128xi32, #tpu.memory_space<hbm>>
      %dma_start3A_15 = tpu.memref_squeeze %dma_start3A_14 : memref<1x80x128xi32, #tpu.memory_space<hbm>> -> memref<80x128xi32, #tpu.memory_space<hbm>>
      %dma_start3A_16 = arith.constant 0 : i32
      %dma_start3A_17 = arith.constant 0 : i32
      %dma_start3A_18 = tpu.memref_slice %arg2[%add3A, %dma_start3A_16, %dma_start3A_17] : memref<32x80x128xi32, #tpu.memory_space<hbm>> -> memref<1x80x128xi32, #tpu.memory_space<hbm>>
      %dma_start3A_19 = tpu.memref_squeeze %dma_start3A_18 : memref<1x80x128xi32, #tpu.memory_space<hbm>> -> memref<80x128xi32, #tpu.memory_space<hbm>>
      tpu.enqueue_dma source(%dma_start3A_19 : memref<80x128xi32, #tpu.memory_space<hbm>>) target(%arg6 : memref<80x128xi32, #tpu.memory_space<vmem>>) target_semaphore(%run_scoped3A : memref<!tpu.dma_semaphore, #tpu.memory_space<semaphore_mem>>)
      %dma_wait3A = arith.constant 0 : i32
      %dma_wait3A_20 = arith.constant 0 : i32
      %dma_wait3A_21 = tpu.memref_slice %arg2[%add3A, %dma_wait3A, %dma_wait3A_20] : memref<32x80x128xi32, #tpu.memory_space<hbm>> -> memref<1x80x128xi32, #tpu.memory_space<hbm>>
      %dma_wait3A_22 = tpu.memref_squeeze %dma_wait3A_21 : memref<1x80x128xi32, #tpu.memory_space<hbm>> -> memref<80x128xi32, #tpu.memory_space<hbm>>
      %dma_wait3A_23 = arith.constant 0 : i32
      %dma_wait3A_24 = arith.constant 0 : i32
      %dma_wait3A_25 = tpu.memref_slice %arg2[%add3A, %dma_wait3A_23, %dma_wait3A_24] : memref<32x80x128xi32, #tpu.memory_space<hbm>> -> memref<1x80x128xi32, #tpu.memory_space<hbm>>
      %dma_wait3A_26 = tpu.memref_squeeze %dma_wait3A_25 : memref<1x80x128xi32, #tpu.memory_space<hbm>> -> memref<80x128xi32, #tpu.memory_space<hbm>>
      tpu.wait_dma2 semaphore(%run_scoped3A : memref<!tpu.dma_semaphore, #tpu.memory_space<semaphore_mem>>) src(%dma_wait3A_26 : memref<80x128xi32, #tpu.memory_space<hbm>>) dst(%arg6 : memref<80x128xi32, #tpu.memory_space<vmem>>)
      tpu.yield
    }) : () -> ()
    %barrier3A = arith.constant 0 : index
    tpu.barrier barrier_id(%barrier3A)
    %scan3A = arith.constant 0 : i32
    %scan3A_3 = arith.constant 0 : i32
    %scan3A_4 = arith.constant 80 : i32
    %scan3A_5 = arith.addi %scan3A_3, %scan3A_4 : i32
    %scan3A_6 = arith.constant 1 : i32
    scf.for %scan3A_13 = %scan3A_3 to %scan3A_5 step %scan3A_6  : i32 {
      "tpu.region"() ({
        %run_scoped3A = tpu.sem_alloc : memref<!tpu.dma_semaphore, #tpu.memory_space<semaphore_mem>>
        %dma_start3A = arith.constant 0 : i32
        %dma_start3A_14 = tpu.memref_slice %arg6[%scan3A_13, %dma_start3A] : memref<80x128xi32, #tpu.memory_space<vmem>> -> memref<1x128xi32, #tpu.memory_space<vmem>>
        %dma_start3A_15 = tpu.memref_squeeze %dma_start3A_14 : memref<1x128xi32, #tpu.memory_space<vmem>> -> memref<128xi32, #tpu.memory_space<vmem>>
        %dma_start3A_16 = arith.constant 0 : i32
        %dma_start3A_17 = tpu.memref_slice %arg9[%dma_start3A_16] : memref<10240xf32, #tpu.memory_space<vmem_shared>> -> memref<10240xf32, #tpu.memory_space<vmem_shared>>
        tpu.enqueue_indirect_dma source(%arg7 : memref<128xf32, #tpu.memory_space<vmem>>) target(%dma_start3A_17 : memref<10240xf32, #tpu.memory_space<vmem_shared>>) offsets(%dma_start3A_15 : memref<128xi32, #tpu.memory_space<vmem>>) semaphore(%run_scoped3A : memref<!tpu.dma_semaphore, #tpu.memory_space<semaphore_mem>>) {add = true}
        %dma_wait3A = arith.constant 0 : i32
        %dma_wait3A_18 = tpu.memref_slice %arg6[%scan3A_13, %dma_wait3A] : memref<80x128xi32, #tpu.memory_space<vmem>> -> memref<1x128xi32, #tpu.memory_space<vmem>>
        %dma_wait3A_19 = tpu.memref_squeeze %dma_wait3A_18 : memref<1x128xi32, #tpu.memory_space<vmem>> -> memref<128xi32, #tpu.memory_space<vmem>>
        %dma_wait3A_20 = arith.constant 0 : i32
        %dma_wait3A_21 = tpu.memref_slice %arg9[%dma_wait3A_20] : memref<10240xf32, #tpu.memory_space<vmem_shared>> -> memref<10240xf32, #tpu.memory_space<vmem_shared>>
        tpu.wait_indirect_dma semaphore(%run_scoped3A : memref<!tpu.dma_semaphore, #tpu.memory_space<semaphore_mem>>) src(%arg7 : memref<128xf32, #tpu.memory_space<vmem>>) dst(%dma_wait3A_21 : memref<10240xf32, #tpu.memory_space<vmem_shared>>)
        tpu.yield
      }) : () -> ()
    }
    %scan3A_7 = arith.constant 80 : i32
    %barrier3A_8 = arith.constant 0 : index
    tpu.barrier barrier_id(%barrier3A_8)
    %mul3A_9 = arith.constant 640 : i32
    %mul3A_10 = arith.muli %arg1, %mul3A_9 : i32
    "tpu.region"() ({
      %run_scoped3A = tpu.sem_alloc : memref<!tpu.dma_semaphore, #tpu.memory_space<semaphore_mem>>
      %dma_start3A = tpu.memref_slice %arg9[%mul3A_10] : memref<10240xf32, #tpu.memory_space<vmem_shared>> -> memref<640xf32, #tpu.memory_space<vmem_shared>>
      %dma_start3A_13 = tpu.memref_slice %arg9[%mul3A_10] : memref<10240xf32, #tpu.memory_space<vmem_shared>> -> memref<640xf32, #tpu.memory_space<vmem_shared>>
      tpu.enqueue_dma source(%dma_start3A_13 : memref<640xf32, #tpu.memory_space<vmem_shared>>) target(%arg8 : memref<640xf32, #tpu.memory_space<vmem>>) target_semaphore(%run_scoped3A : memref<!tpu.dma_semaphore, #tpu.memory_space<semaphore_mem>>)
      %dma_wait3A = tpu.memref_slice %arg9[%mul3A_10] : memref<10240xf32, #tpu.memory_space<vmem_shared>> -> memref<640xf32, #tpu.memory_space<vmem_shared>>
      %dma_wait3A_14 = tpu.memref_slice %arg9[%mul3A_10] : memref<10240xf32, #tpu.memory_space<vmem_shared>> -> memref<640xf32, #tpu.memory_space<vmem_shared>>
      tpu.wait_dma2 semaphore(%run_scoped3A : memref<!tpu.dma_semaphore, #tpu.memory_space<semaphore_mem>>) src(%dma_wait3A_14 : memref<640xf32, #tpu.memory_space<vmem_shared>>) dst(%arg8 : memref<640xf32, #tpu.memory_space<vmem>>)
      tpu.yield
    }) : () -> ()
    %mul3A_11 = arith.constant 640 : i32
    %mul3A_12 = arith.muli %arg1, %mul3A_11 : i32
    "tpu.region"() ({
      %run_scoped3A = tpu.sem_alloc : memref<!tpu.dma_semaphore, #tpu.memory_space<semaphore_mem>>
      %dma_start3A = tpu.memref_slice %arg5[%arg0, %mul3A_12] : memref<2x10240xf32, #tpu.memory_space<hbm>> -> memref<1x640xf32, #tpu.memory_space<hbm>>
      %dma_start3A_13 = tpu.memref_squeeze %dma_start3A : memref<1x640xf32, #tpu.memory_space<hbm>> -> memref<640xf32, #tpu.memory_space<hbm>>
      %dma_start3A_14 = tpu.memref_slice %arg5[%arg0, %mul3A_12] : memref<2x10240xf32, #tpu.memory_space<hbm>> -> memref<1x640xf32, #tpu.memory_space<hbm>>
      %dma_start3A_15 = tpu.memref_squeeze %dma_start3A_14 : memref<1x640xf32, #tpu.memory_space<hbm>> -> memref<640xf32, #tpu.memory_space<hbm>>
      tpu.enqueue_dma source(%arg8 : memref<640xf32, #tpu.memory_space<vmem>>) target(%dma_start3A_15 : memref<640xf32, #tpu.memory_space<hbm>>) target_semaphore(%run_scoped3A : memref<!tpu.dma_semaphore, #tpu.memory_space<semaphore_mem>>)
      %dma_wait3A = tpu.memref_slice %arg5[%arg0, %mul3A_12] : memref<2x10240xf32, #tpu.memory_space<hbm>> -> memref<1x640xf32, #tpu.memory_space<hbm>>
      %dma_wait3A_16 = tpu.memref_squeeze %dma_wait3A : memref<1x640xf32, #tpu.memory_space<hbm>> -> memref<640xf32, #tpu.memory_space<hbm>>
      %dma_wait3A_17 = tpu.memref_slice %arg5[%arg0, %mul3A_12] : memref<2x10240xf32, #tpu.memory_space<hbm>> -> memref<1x640xf32, #tpu.memory_space<hbm>>
      %dma_wait3A_18 = tpu.memref_squeeze %dma_wait3A_17 : memref<1x640xf32, #tpu.memory_space<hbm>> -> memref<640xf32, #tpu.memory_space<hbm>>
      tpu.wait_dma2 semaphore(%run_scoped3A : memref<!tpu.dma_semaphore, #tpu.memory_space<semaphore_mem>>) src(%arg8 : memref<640xf32, #tpu.memory_space<vmem>>) dst(%dma_wait3A_18 : memref<640xf32, #tpu.memory_space<hbm>>)
      tpu.yield
    }) : () -> ()
    return
  }
}

#map = affine_map<(d0, d1) -> (0, 0)>
#map1 = affine_map<(d0, d1) -> (0, 0, 0)>
module attributes {stable_mosaic.version = 14 : i64} {
  func.func @k(%arg0: i32, %arg1: i32, %arg2: memref<10240x128xf32, #tpu.memory_space<hbm>>, %arg3: memref<16x160x128xi32, #tpu.memory_space<hbm>>, %arg4: memref<16x160x128xi32, #tpu.memory_space<hbm>>, %arg5: memref<640x64xf32, #tpu.memory_space<hbm>>, %arg6: memref<10240x128xf32, #tpu.memory_space<hbm>>, %arg7: memref<3x128xi32, #tpu.memory_space<vmem>>, %arg8: memref<3x128xi32, #tpu.memory_space<vmem>>, %arg9: memref<2x128xi32, #tpu.memory_space<vmem>>, %arg10: memref<2x128xi32, #tpu.memory_space<vmem>>, %arg11: memref<128x64xf32, #tpu.memory_space<vmem>>, %arg12: memref<128x64xf32, #tpu.memory_space<vmem>>, %arg13: memref<128x64xf32, #tpu.memory_space<vmem>>, %arg14: memref<128x64xf32, #tpu.memory_space<vmem>>, %arg15: memref<128x64xf32, #tpu.memory_space<vmem>>, %arg16: memref<10240x64xf32, #tpu.memory_space<vmem_shared>>, %arg17: memref<10240x64xf32, #tpu.memory_space<vmem_shared>>, %arg18: memref<!tpu.dma_semaphore, #tpu.memory_space<semaphore_mem>>, %arg19: memref<!tpu.dma_semaphore, #tpu.memory_space<semaphore_mem>>, %arg20: memref<!tpu.dma_semaphore, #tpu.memory_space<semaphore_mem>>, %arg21: memref<!tpu.dma_semaphore, #tpu.memory_space<semaphore_mem>>, %arg22: memref<!tpu.dma_semaphore, #tpu.memory_space<semaphore_mem>>, %arg23: memref<!tpu.dma_semaphore, #tpu.memory_space<semaphore_mem>>) attributes {dimension_semantics = [#tpu.dimension_semantics<core_parallel>, #tpu.dimension_semantics<subcore_parallel>], iteration_bounds = array<i64: 2, 16>, scalar_prefetch = 0 : i64, scratch_operands = 17 : i64, tpu.core_type = #tpu.core_type<sc_vector_subcore>, window_params = [{transform_indices = #map}, {transform_indices = #map1}, {transform_indices = #map1}, {transform_indices = #map}, {transform_indices = #map}]} {
    %mul3A = arith.constant 640 : i32
    %mul3A_0 = arith.muli %arg1, %mul3A : i32
    "tpu.region"() ({
      %run_scoped3A = tpu.sem_alloc : memref<!tpu.dma_semaphore, #tpu.memory_space<semaphore_mem>>
      %dma_start3A_189 = arith.constant 0 : i32
      %dma_start3A_190 = tpu.memref_slice %arg16[%mul3A_0, %dma_start3A_189] : memref<10240x64xf32, #tpu.memory_space<vmem_shared>> -> memref<640x64xf32, #tpu.memory_space<vmem_shared>>
      tpu.enqueue_dma source(%arg5 : memref<640x64xf32, #tpu.memory_space<hbm>>) target(%dma_start3A_190 : memref<640x64xf32, #tpu.memory_space<vmem_shared>>) target_semaphore(%run_scoped3A : memref<!tpu.dma_semaphore, #tpu.memory_space<semaphore_mem>>)
      %dma_wait3A_191 = arith.constant 0 : i32
      %dma_wait3A_192 = tpu.memref_slice %arg16[%mul3A_0, %dma_wait3A_191] : memref<10240x64xf32, #tpu.memory_space<vmem_shared>> -> memref<640x64xf32, #tpu.memory_space<vmem_shared>>
      tpu.wait_dma2 semaphore(%run_scoped3A : memref<!tpu.dma_semaphore, #tpu.memory_space<semaphore_mem>>) src(%arg5 : memref<640x64xf32, #tpu.memory_space<hbm>>) dst(%dma_wait3A_192 : memref<640x64xf32, #tpu.memory_space<vmem_shared>>)
      tpu.yield
    }) : () -> ()
    %mul3A_1 = arith.constant 640 : i32
    %mul3A_2 = arith.muli %arg1, %mul3A_1 : i32
    %mul3A_3 = arith.constant 64 : i32
    %mul3A_4 = arith.muli %arg0, %mul3A_3 : i32
    %mul3A_5 = arith.constant 640 : i32
    %mul3A_6 = arith.muli %arg1, %mul3A_5 : i32
    "tpu.region"() ({
      %run_scoped3A = tpu.sem_alloc : memref<!tpu.dma_semaphore, #tpu.memory_space<semaphore_mem>>
      %dma_start3A_189 = arith.constant 0 : i32
      %dma_start3A_190 = tpu.memref_slice %arg17[%mul3A_6, %dma_start3A_189] : memref<10240x64xf32, #tpu.memory_space<vmem_shared>> -> memref<640x64xf32, #tpu.memory_space<vmem_shared>>
      %dma_start3A_191 = tpu.memref_slice %arg2[%mul3A_2, %mul3A_4] : memref<10240x128xf32, #tpu.memory_space<hbm>> -> memref<640x64xf32, #tpu.memory_space<hbm>>
      tpu.enqueue_dma source(%dma_start3A_191 : memref<640x64xf32, #tpu.memory_space<hbm>>) target(%dma_start3A_190 : memref<640x64xf32, #tpu.memory_space<vmem_shared>>) target_semaphore(%run_scoped3A : memref<!tpu.dma_semaphore, #tpu.memory_space<semaphore_mem>>)
      %dma_wait3A_192 = arith.constant 0 : i32
      %dma_wait3A_193 = tpu.memref_slice %arg17[%mul3A_6, %dma_wait3A_192] : memref<10240x64xf32, #tpu.memory_space<vmem_shared>> -> memref<640x64xf32, #tpu.memory_space<vmem_shared>>
      %dma_wait3A_194 = tpu.memref_slice %arg2[%mul3A_2, %mul3A_4] : memref<10240x128xf32, #tpu.memory_space<hbm>> -> memref<640x64xf32, #tpu.memory_space<hbm>>
      tpu.wait_dma2 semaphore(%run_scoped3A : memref<!tpu.dma_semaphore, #tpu.memory_space<semaphore_mem>>) src(%dma_wait3A_194 : memref<640x64xf32, #tpu.memory_space<hbm>>) dst(%dma_wait3A_193 : memref<640x64xf32, #tpu.memory_space<vmem_shared>>)
      tpu.yield
    }) : () -> ()
    %barrier3A = arith.constant 0 : index
    tpu.barrier barrier_id(%barrier3A)
    "tpu.region"() ({
      %run_scoped3A = tpu.sem_alloc : memref<!tpu.dma_semaphore, #tpu.memory_space<semaphore_mem>>
      %dma_start3A_189 = arith.constant 0 : i32
      %dma_start3A_190 = arith.constant 0 : i32
      %dma_start3A_191 = tpu.memref_slice %arg3[%arg1, %dma_start3A_189, %dma_start3A_190] : memref<16x160x128xi32, #tpu.memory_space<hbm>> -> memref<1x3x128xi32, #tpu.memory_space<hbm>>
      %dma_start3A_192 = tpu.memref_squeeze %dma_start3A_191 : memref<1x3x128xi32, #tpu.memory_space<hbm>> -> memref<3x128xi32, #tpu.memory_space<hbm>>
      %dma_start3A_193 = arith.constant 0 : i32
      %dma_start3A_194 = arith.constant 0 : i32
      %dma_start3A_195 = tpu.memref_slice %arg3[%arg1, %dma_start3A_193, %dma_start3A_194] : memref<16x160x128xi32, #tpu.memory_space<hbm>> -> memref<1x3x128xi32, #tpu.memory_space<hbm>>
      %dma_start3A_196 = tpu.memref_squeeze %dma_start3A_195 : memref<1x3x128xi32, #tpu.memory_space<hbm>> -> memref<3x128xi32, #tpu.memory_space<hbm>>
      tpu.enqueue_dma source(%dma_start3A_196 : memref<3x128xi32, #tpu.memory_space<hbm>>) target(%arg7 : memref<3x128xi32, #tpu.memory_space<vmem>>) target_semaphore(%run_scoped3A : memref<!tpu.dma_semaphore, #tpu.memory_space<semaphore_mem>>)
      %dma_wait3A_197 = arith.constant 0 : i32
      %dma_wait3A_198 = arith.constant 0 : i32
      %dma_wait3A_199 = tpu.memref_slice %arg3[%arg1, %dma_wait3A_197, %dma_wait3A_198] : memref<16x160x128xi32, #tpu.memory_space<hbm>> -> memref<1x3x128xi32, #tpu.memory_space<hbm>>
      %dma_wait3A_200 = tpu.memref_squeeze %dma_wait3A_199 : memref<1x3x128xi32, #tpu.memory_space<hbm>> -> memref<3x128xi32, #tpu.memory_space<hbm>>
      %dma_wait3A_201 = arith.constant 0 : i32
      %dma_wait3A_202 = arith.constant 0 : i32
      %dma_wait3A_203 = tpu.memref_slice %arg3[%arg1, %dma_wait3A_201, %dma_wait3A_202] : memref<16x160x128xi32, #tpu.memory_space<hbm>> -> memref<1x3x128xi32, #tpu.memory_space<hbm>>
      %dma_wait3A_204 = tpu.memref_squeeze %dma_wait3A_203 : memref<1x3x128xi32, #tpu.memory_space<hbm>> -> memref<3x128xi32, #tpu.memory_space<hbm>>
      tpu.wait_dma2 semaphore(%run_scoped3A : memref<!tpu.dma_semaphore, #tpu.memory_space<semaphore_mem>>) src(%dma_wait3A_204 : memref<3x128xi32, #tpu.memory_space<hbm>>) dst(%arg7 : memref<3x128xi32, #tpu.memory_space<vmem>>)
      tpu.yield
    }) : () -> ()
    "tpu.region"() ({
      %run_scoped3A = tpu.sem_alloc : memref<!tpu.dma_semaphore, #tpu.memory_space<semaphore_mem>>
      %dma_start3A_189 = arith.constant 0 : i32
      %dma_start3A_190 = arith.constant 0 : i32
      %dma_start3A_191 = tpu.memref_slice %arg4[%arg1, %dma_start3A_189, %dma_start3A_190] : memref<16x160x128xi32, #tpu.memory_space<hbm>> -> memref<1x3x128xi32, #tpu.memory_space<hbm>>
      %dma_start3A_192 = tpu.memref_squeeze %dma_start3A_191 : memref<1x3x128xi32, #tpu.memory_space<hbm>> -> memref<3x128xi32, #tpu.memory_space<hbm>>
      %dma_start3A_193 = arith.constant 0 : i32
      %dma_start3A_194 = arith.constant 0 : i32
      %dma_start3A_195 = tpu.memref_slice %arg4[%arg1, %dma_start3A_193, %dma_start3A_194] : memref<16x160x128xi32, #tpu.memory_space<hbm>> -> memref<1x3x128xi32, #tpu.memory_space<hbm>>
      %dma_start3A_196 = tpu.memref_squeeze %dma_start3A_195 : memref<1x3x128xi32, #tpu.memory_space<hbm>> -> memref<3x128xi32, #tpu.memory_space<hbm>>
      tpu.enqueue_dma source(%dma_start3A_196 : memref<3x128xi32, #tpu.memory_space<hbm>>) target(%arg8 : memref<3x128xi32, #tpu.memory_space<vmem>>) target_semaphore(%run_scoped3A : memref<!tpu.dma_semaphore, #tpu.memory_space<semaphore_mem>>)
      %dma_wait3A_197 = arith.constant 0 : i32
      %dma_wait3A_198 = arith.constant 0 : i32
      %dma_wait3A_199 = tpu.memref_slice %arg4[%arg1, %dma_wait3A_197, %dma_wait3A_198] : memref<16x160x128xi32, #tpu.memory_space<hbm>> -> memref<1x3x128xi32, #tpu.memory_space<hbm>>
      %dma_wait3A_200 = tpu.memref_squeeze %dma_wait3A_199 : memref<1x3x128xi32, #tpu.memory_space<hbm>> -> memref<3x128xi32, #tpu.memory_space<hbm>>
      %dma_wait3A_201 = arith.constant 0 : i32
      %dma_wait3A_202 = arith.constant 0 : i32
      %dma_wait3A_203 = tpu.memref_slice %arg4[%arg1, %dma_wait3A_201, %dma_wait3A_202] : memref<16x160x128xi32, #tpu.memory_space<hbm>> -> memref<1x3x128xi32, #tpu.memory_space<hbm>>
      %dma_wait3A_204 = tpu.memref_squeeze %dma_wait3A_203 : memref<1x3x128xi32, #tpu.memory_space<hbm>> -> memref<3x128xi32, #tpu.memory_space<hbm>>
      tpu.wait_dma2 semaphore(%run_scoped3A : memref<!tpu.dma_semaphore, #tpu.memory_space<semaphore_mem>>) src(%dma_wait3A_204 : memref<3x128xi32, #tpu.memory_space<hbm>>) dst(%arg8 : memref<3x128xi32, #tpu.memory_space<vmem>>)
      tpu.yield
    }) : () -> ()
    %dma_start3A = arith.constant 3 : i32
    %dma_start3A_7 = arith.constant 0 : i32
    %dma_start3A_8 = tpu.memref_slice %arg3[%arg1, %dma_start3A, %dma_start3A_7] : memref<16x160x128xi32, #tpu.memory_space<hbm>> -> memref<1x2x128xi32, #tpu.memory_space<hbm>>
    %dma_start3A_9 = tpu.memref_squeeze %dma_start3A_8 : memref<1x2x128xi32, #tpu.memory_space<hbm>> -> memref<2x128xi32, #tpu.memory_space<hbm>>
    %dma_start3A_10 = arith.constant 3 : i32
    %dma_start3A_11 = arith.constant 0 : i32
    %dma_start3A_12 = tpu.memref_slice %arg3[%arg1, %dma_start3A_10, %dma_start3A_11] : memref<16x160x128xi32, #tpu.memory_space<hbm>> -> memref<1x2x128xi32, #tpu.memory_space<hbm>>
    %dma_start3A_13 = tpu.memref_squeeze %dma_start3A_12 : memref<1x2x128xi32, #tpu.memory_space<hbm>> -> memref<2x128xi32, #tpu.memory_space<hbm>>
    tpu.enqueue_dma source(%dma_start3A_13 : memref<2x128xi32, #tpu.memory_space<hbm>>) target(%arg9 : memref<2x128xi32, #tpu.memory_space<vmem>>) target_semaphore(%arg23 : memref<!tpu.dma_semaphore, #tpu.memory_space<semaphore_mem>>)
    %dma_start3A_14 = arith.constant 3 : i32
    %dma_start3A_15 = arith.constant 0 : i32
    %dma_start3A_16 = tpu.memref_slice %arg4[%arg1, %dma_start3A_14, %dma_start3A_15] : memref<16x160x128xi32, #tpu.memory_space<hbm>> -> memref<1x2x128xi32, #tpu.memory_space<hbm>>
    %dma_start3A_17 = tpu.memref_squeeze %dma_start3A_16 : memref<1x2x128xi32, #tpu.memory_space<hbm>> -> memref<2x128xi32, #tpu.memory_space<hbm>>
    %dma_start3A_18 = arith.constant 3 : i32
    %dma_start3A_19 = arith.constant 0 : i32
    %dma_start3A_20 = tpu.memref_slice %arg4[%arg1, %dma_start3A_18, %dma_start3A_19] : memref<16x160x128xi32, #tpu.memory_space<hbm>> -> memref<1x2x128xi32, #tpu.memory_space<hbm>>
    %dma_start3A_21 = tpu.memref_squeeze %dma_start3A_20 : memref<1x2x128xi32, #tpu.memory_space<hbm>> -> memref<2x128xi32, #tpu.memory_space<hbm>>
    tpu.enqueue_dma source(%dma_start3A_21 : memref<2x128xi32, #tpu.memory_space<hbm>>) target(%arg10 : memref<2x128xi32, #tpu.memory_space<vmem>>) target_semaphore(%arg23 : memref<!tpu.dma_semaphore, #tpu.memory_space<semaphore_mem>>)
    %dma_start3A_22 = arith.constant 0 : i32
    %dma_start3A_23 = arith.constant 0 : i32
    %dma_start3A_24 = tpu.memref_slice %arg7[%dma_start3A_22, %dma_start3A_23] : memref<3x128xi32, #tpu.memory_space<vmem>> -> memref<1x128xi32, #tpu.memory_space<vmem>>
    %dma_start3A_25 = tpu.memref_squeeze %dma_start3A_24 : memref<1x128xi32, #tpu.memory_space<vmem>> -> memref<128xi32, #tpu.memory_space<vmem>>
    %dma_start3A_26 = arith.constant 0 : i32
    %dma_start3A_27 = arith.constant 0 : i32
    %dma_start3A_28 = tpu.memref_slice %arg17[%dma_start3A_26, %dma_start3A_27] : memref<10240x64xf32, #tpu.memory_space<vmem_shared>> -> memref<10240x64xf32, #tpu.memory_space<vmem_shared>>
    tpu.enqueue_indirect_dma source(%dma_start3A_28 : memref<10240x64xf32, #tpu.memory_space<vmem_shared>>) target(%arg11 : memref<128x64xf32, #tpu.memory_space<vmem>>) offsets(%dma_start3A_25 : memref<128xi32, #tpu.memory_space<vmem>>) semaphore(%arg18 : memref<!tpu.dma_semaphore, #tpu.memory_space<semaphore_mem>>)
    %dma_start3A_29 = arith.constant 1 : i32
    %dma_start3A_30 = arith.constant 0 : i32
    %dma_start3A_31 = tpu.memref_slice %arg7[%dma_start3A_29, %dma_start3A_30] : memref<3x128xi32, #tpu.memory_space<vmem>> -> memref<1x128xi32, #tpu.memory_space<vmem>>
    %dma_start3A_32 = tpu.memref_squeeze %dma_start3A_31 : memref<1x128xi32, #tpu.memory_space<vmem>> -> memref<128xi32, #tpu.memory_space<vmem>>
    %dma_start3A_33 = arith.constant 0 : i32
    %dma_start3A_34 = arith.constant 0 : i32
    %dma_start3A_35 = tpu.memref_slice %arg17[%dma_start3A_33, %dma_start3A_34] : memref<10240x64xf32, #tpu.memory_space<vmem_shared>> -> memref<10240x64xf32, #tpu.memory_space<vmem_shared>>
    tpu.enqueue_indirect_dma source(%dma_start3A_35 : memref<10240x64xf32, #tpu.memory_space<vmem_shared>>) target(%arg12 : memref<128x64xf32, #tpu.memory_space<vmem>>) offsets(%dma_start3A_32 : memref<128xi32, #tpu.memory_space<vmem>>) semaphore(%arg18 : memref<!tpu.dma_semaphore, #tpu.memory_space<semaphore_mem>>)
    %dma_start3A_36 = arith.constant 2 : i32
    %dma_start3A_37 = arith.constant 0 : i32
    %dma_start3A_38 = tpu.memref_slice %arg7[%dma_start3A_36, %dma_start3A_37] : memref<3x128xi32, #tpu.memory_space<vmem>> -> memref<1x128xi32, #tpu.memory_space<vmem>>
    %dma_start3A_39 = tpu.memref_squeeze %dma_start3A_38 : memref<1x128xi32, #tpu.memory_space<vmem>> -> memref<128xi32, #tpu.memory_space<vmem>>
    %dma_start3A_40 = arith.constant 0 : i32
    %dma_start3A_41 = arith.constant 0 : i32
    %dma_start3A_42 = tpu.memref_slice %arg17[%dma_start3A_40, %dma_start3A_41] : memref<10240x64xf32, #tpu.memory_space<vmem_shared>> -> memref<10240x64xf32, #tpu.memory_space<vmem_shared>>
    tpu.enqueue_indirect_dma source(%dma_start3A_42 : memref<10240x64xf32, #tpu.memory_space<vmem_shared>>) target(%arg13 : memref<128x64xf32, #tpu.memory_space<vmem>>) offsets(%dma_start3A_39 : memref<128xi32, #tpu.memory_space<vmem>>) semaphore(%arg18 : memref<!tpu.dma_semaphore, #tpu.memory_space<semaphore_mem>>)
    %scan3A = arith.constant 0 : i32
    %scan3A_43 = arith.constant 0 : i32
    %scan3A_44 = arith.constant 31 : i32
    %scan3A_45 = arith.addi %scan3A_43, %scan3A_44 : i32
    %scan3A_46 = arith.constant 1 : i32
    scf.for %scan3A_189 = %scan3A_43 to %scan3A_45 step %scan3A_46  : i32 {
      %mul3A_190 = arith.constant 5 : i32
      %mul3A_191 = arith.muli %scan3A_189, %mul3A_190 : i32
      %add3A = arith.constant 3 : i32
      %add3A_192 = arith.addi %mul3A_191, %add3A : i32
      %dma_wait3A_193 = arith.constant 0 : i32
      %dma_wait3A_194 = tpu.memref_slice %arg3[%arg1, %add3A_192, %dma_wait3A_193] : memref<16x160x128xi32, #tpu.memory_space<hbm>> -> memref<1x2x128xi32, #tpu.memory_space<hbm>>
      %dma_wait3A_195 = tpu.memref_squeeze %dma_wait3A_194 : memref<1x2x128xi32, #tpu.memory_space<hbm>> -> memref<2x128xi32, #tpu.memory_space<hbm>>
      %dma_wait3A_196 = arith.constant 0 : i32
      %dma_wait3A_197 = tpu.memref_slice %arg3[%arg1, %add3A_192, %dma_wait3A_196] : memref<16x160x128xi32, #tpu.memory_space<hbm>> -> memref<1x2x128xi32, #tpu.memory_space<hbm>>
      %dma_wait3A_198 = tpu.memref_squeeze %dma_wait3A_197 : memref<1x2x128xi32, #tpu.memory_space<hbm>> -> memref<2x128xi32, #tpu.memory_space<hbm>>
      tpu.wait_dma2 semaphore(%arg23 : memref<!tpu.dma_semaphore, #tpu.memory_space<semaphore_mem>>) src(%dma_wait3A_198 : memref<2x128xi32, #tpu.memory_space<hbm>>) dst(%arg9 : memref<2x128xi32, #tpu.memory_space<vmem>>)
      %mul3A_199 = arith.constant 5 : i32
      %mul3A_200 = arith.muli %scan3A_189, %mul3A_199 : i32
      %add3A_201 = arith.constant 3 : i32
      %add3A_202 = arith.addi %mul3A_200, %add3A_201 : i32
      %dma_wait3A_203 = arith.constant 0 : i32
      %dma_wait3A_204 = tpu.memref_slice %arg4[%arg1, %add3A_202, %dma_wait3A_203] : memref<16x160x128xi32, #tpu.memory_space<hbm>> -> memref<1x2x128xi32, #tpu.memory_space<hbm>>
      %dma_wait3A_205 = tpu.memref_squeeze %dma_wait3A_204 : memref<1x2x128xi32, #tpu.memory_space<hbm>> -> memref<2x128xi32, #tpu.memory_space<hbm>>
      %dma_wait3A_206 = arith.constant 0 : i32
      %dma_wait3A_207 = tpu.memref_slice %arg4[%arg1, %add3A_202, %dma_wait3A_206] : memref<16x160x128xi32, #tpu.memory_space<hbm>> -> memref<1x2x128xi32, #tpu.memory_space<hbm>>
      %dma_wait3A_208 = tpu.memref_squeeze %dma_wait3A_207 : memref<1x2x128xi32, #tpu.memory_space<hbm>> -> memref<2x128xi32, #tpu.memory_space<hbm>>
      tpu.wait_dma2 semaphore(%arg23 : memref<!tpu.dma_semaphore, #tpu.memory_space<semaphore_mem>>) src(%dma_wait3A_208 : memref<2x128xi32, #tpu.memory_space<hbm>>) dst(%arg10 : memref<2x128xi32, #tpu.memory_space<vmem>>)
      %dma_start3A_209 = arith.constant 0 : i32
      %dma_start3A_210 = arith.constant 0 : i32
      %dma_start3A_211 = tpu.memref_slice %arg9[%dma_start3A_209, %dma_start3A_210] : memref<2x128xi32, #tpu.memory_space<vmem>> -> memref<1x128xi32, #tpu.memory_space<vmem>>
      %dma_start3A_212 = tpu.memref_squeeze %dma_start3A_211 : memref<1x128xi32, #tpu.memory_space<vmem>> -> memref<128xi32, #tpu.memory_space<vmem>>
      %dma_start3A_213 = arith.constant 0 : i32
      %dma_start3A_214 = arith.constant 0 : i32
      %dma_start3A_215 = tpu.memref_slice %arg17[%dma_start3A_213, %dma_start3A_214] : memref<10240x64xf32, #tpu.memory_space<vmem_shared>> -> memref<10240x64xf32, #tpu.memory_space<vmem_shared>>
      tpu.enqueue_indirect_dma source(%dma_start3A_215 : memref<10240x64xf32, #tpu.memory_space<vmem_shared>>) target(%arg14 : memref<128x64xf32, #tpu.memory_space<vmem>>) offsets(%dma_start3A_212 : memref<128xi32, #tpu.memory_space<vmem>>) semaphore(%arg20 : memref<!tpu.dma_semaphore, #tpu.memory_space<semaphore_mem>>)
      %dma_start3A_216 = arith.constant 1 : i32
      %dma_start3A_217 = arith.constant 0 : i32
      %dma_start3A_218 = tpu.memref_slice %arg9[%dma_start3A_216, %dma_start3A_217] : memref<2x128xi32, #tpu.memory_space<vmem>> -> memref<1x128xi32, #tpu.memory_space<vmem>>
      %dma_start3A_219 = tpu.memref_squeeze %dma_start3A_218 : memref<1x128xi32, #tpu.memory_space<vmem>> -> memref<128xi32, #tpu.memory_space<vmem>>
      %dma_start3A_220 = arith.constant 0 : i32
      %dma_start3A_221 = arith.constant 0 : i32
      %dma_start3A_222 = tpu.memref_slice %arg17[%dma_start3A_220, %dma_start3A_221] : memref<10240x64xf32, #tpu.memory_space<vmem_shared>> -> memref<10240x64xf32, #tpu.memory_space<vmem_shared>>
      tpu.enqueue_indirect_dma source(%dma_start3A_222 : memref<10240x64xf32, #tpu.memory_space<vmem_shared>>) target(%arg15 : memref<128x64xf32, #tpu.memory_space<vmem>>) offsets(%dma_start3A_219 : memref<128xi32, #tpu.memory_space<vmem>>) semaphore(%arg20 : memref<!tpu.dma_semaphore, #tpu.memory_space<semaphore_mem>>)
      %dma_wait3A_223 = arith.constant 0 : i32
      %dma_wait3A_224 = arith.constant 0 : i32
      %dma_wait3A_225 = tpu.memref_slice %arg7[%dma_wait3A_223, %dma_wait3A_224] : memref<3x128xi32, #tpu.memory_space<vmem>> -> memref<1x128xi32, #tpu.memory_space<vmem>>
      %dma_wait3A_226 = tpu.memref_squeeze %dma_wait3A_225 : memref<1x128xi32, #tpu.memory_space<vmem>> -> memref<128xi32, #tpu.memory_space<vmem>>
      %dma_wait3A_227 = arith.constant 0 : i32
      %dma_wait3A_228 = arith.constant 0 : i32
      %dma_wait3A_229 = tpu.memref_slice %arg17[%dma_wait3A_227, %dma_wait3A_228] : memref<10240x64xf32, #tpu.memory_space<vmem_shared>> -> memref<10240x64xf32, #tpu.memory_space<vmem_shared>>
      tpu.wait_indirect_dma semaphore(%arg18 : memref<!tpu.dma_semaphore, #tpu.memory_space<semaphore_mem>>) src(%dma_wait3A_229 : memref<10240x64xf32, #tpu.memory_space<vmem_shared>>) dst(%arg11 : memref<128x64xf32, #tpu.memory_space<vmem>>)
      %dma_wait3A_230 = arith.constant 1 : i32
      %dma_wait3A_231 = arith.constant 0 : i32
      %dma_wait3A_232 = tpu.memref_slice %arg7[%dma_wait3A_230, %dma_wait3A_231] : memref<3x128xi32, #tpu.memory_space<vmem>> -> memref<1x128xi32, #tpu.memory_space<vmem>>
      %dma_wait3A_233 = tpu.memref_squeeze %dma_wait3A_232 : memref<1x128xi32, #tpu.memory_space<vmem>> -> memref<128xi32, #tpu.memory_space<vmem>>
      %dma_wait3A_234 = arith.constant 0 : i32
      %dma_wait3A_235 = arith.constant 0 : i32
      %dma_wait3A_236 = tpu.memref_slice %arg17[%dma_wait3A_234, %dma_wait3A_235] : memref<10240x64xf32, #tpu.memory_space<vmem_shared>> -> memref<10240x64xf32, #tpu.memory_space<vmem_shared>>
      tpu.wait_indirect_dma semaphore(%arg18 : memref<!tpu.dma_semaphore, #tpu.memory_space<semaphore_mem>>) src(%dma_wait3A_236 : memref<10240x64xf32, #tpu.memory_space<vmem_shared>>) dst(%arg12 : memref<128x64xf32, #tpu.memory_space<vmem>>)
      %dma_wait3A_237 = arith.constant 2 : i32
      %dma_wait3A_238 = arith.constant 0 : i32
      %dma_wait3A_239 = tpu.memref_slice %arg7[%dma_wait3A_237, %dma_wait3A_238] : memref<3x128xi32, #tpu.memory_space<vmem>> -> memref<1x128xi32, #tpu.memory_space<vmem>>
      %dma_wait3A_240 = tpu.memref_squeeze %dma_wait3A_239 : memref<1x128xi32, #tpu.memory_space<vmem>> -> memref<128xi32, #tpu.memory_space<vmem>>
      %dma_wait3A_241 = arith.constant 0 : i32
      %dma_wait3A_242 = arith.constant 0 : i32
      %dma_wait3A_243 = tpu.memref_slice %arg17[%dma_wait3A_241, %dma_wait3A_242] : memref<10240x64xf32, #tpu.memory_space<vmem_shared>> -> memref<10240x64xf32, #tpu.memory_space<vmem_shared>>
      tpu.wait_indirect_dma semaphore(%arg18 : memref<!tpu.dma_semaphore, #tpu.memory_space<semaphore_mem>>) src(%dma_wait3A_243 : memref<10240x64xf32, #tpu.memory_space<vmem_shared>>) dst(%arg13 : memref<128x64xf32, #tpu.memory_space<vmem>>)
      %add3A_244 = arith.constant 1 : i32
      %add3A_245 = arith.addi %scan3A_189, %add3A_244 : i32
      %mul3A_246 = arith.constant 5 : i32
      %mul3A_247 = arith.muli %add3A_245, %mul3A_246 : i32
      %add3A_248 = arith.constant 0 : i32
      %add3A_249 = arith.addi %mul3A_247, %add3A_248 : i32
      %dma_start3A_250 = arith.constant 0 : i32
      %dma_start3A_251 = tpu.memref_slice %arg3[%arg1, %add3A_249, %dma_start3A_250] : memref<16x160x128xi32, #tpu.memory_space<hbm>> -> memref<1x3x128xi32, #tpu.memory_space<hbm>>
      %dma_start3A_252 = tpu.memref_squeeze %dma_start3A_251 : memref<1x3x128xi32, #tpu.memory_space<hbm>> -> memref<3x128xi32, #tpu.memory_space<hbm>>
      %dma_start3A_253 = arith.constant 0 : i32
      %dma_start3A_254 = tpu.memref_slice %arg3[%arg1, %add3A_249, %dma_start3A_253] : memref<16x160x128xi32, #tpu.memory_space<hbm>> -> memref<1x3x128xi32, #tpu.memory_space<hbm>>
      %dma_start3A_255 = tpu.memref_squeeze %dma_start3A_254 : memref<1x3x128xi32, #tpu.memory_space<hbm>> -> memref<3x128xi32, #tpu.memory_space<hbm>>
      tpu.enqueue_dma source(%dma_start3A_255 : memref<3x128xi32, #tpu.memory_space<hbm>>) target(%arg7 : memref<3x128xi32, #tpu.memory_space<vmem>>) target_semaphore(%arg22 : memref<!tpu.dma_semaphore, #tpu.memory_space<semaphore_mem>>)
      %dma_start3A_256 = arith.constant 0 : i32
      %dma_start3A_257 = arith.constant 0 : i32
      %dma_start3A_258 = tpu.memref_slice %arg8[%dma_start3A_256, %dma_start3A_257] : memref<3x128xi32, #tpu.memory_space<vmem>> -> memref<1x128xi32, #tpu.memory_space<vmem>>
      %dma_start3A_259 = tpu.memref_squeeze %dma_start3A_258 : memref<1x128xi32, #tpu.memory_space<vmem>> -> memref<128xi32, #tpu.memory_space<vmem>>
      %dma_start3A_260 = arith.constant 0 : i32
      %dma_start3A_261 = arith.constant 0 : i32
      %dma_start3A_262 = tpu.memref_slice %arg16[%dma_start3A_260, %dma_start3A_261] : memref<10240x64xf32, #tpu.memory_space<vmem_shared>> -> memref<10240x64xf32, #tpu.memory_space<vmem_shared>>
      tpu.enqueue_indirect_dma source(%arg11 : memref<128x64xf32, #tpu.memory_space<vmem>>) target(%dma_start3A_262 : memref<10240x64xf32, #tpu.memory_space<vmem_shared>>) offsets(%dma_start3A_259 : memref<128xi32, #tpu.memory_space<vmem>>) semaphore(%arg19 : memref<!tpu.dma_semaphore, #tpu.memory_space<semaphore_mem>>) {add = true}
      %dma_start3A_263 = arith.constant 1 : i32
      %dma_start3A_264 = arith.constant 0 : i32
      %dma_start3A_265 = tpu.memref_slice %arg8[%dma_start3A_263, %dma_start3A_264] : memref<3x128xi32, #tpu.memory_space<vmem>> -> memref<1x128xi32, #tpu.memory_space<vmem>>
      %dma_start3A_266 = tpu.memref_squeeze %dma_start3A_265 : memref<1x128xi32, #tpu.memory_space<vmem>> -> memref<128xi32, #tpu.memory_space<vmem>>
      %dma_start3A_267 = arith.constant 0 : i32
      %dma_start3A_268 = arith.constant 0 : i32
      %dma_start3A_269 = tpu.memref_slice %arg16[%dma_start3A_267, %dma_start3A_268] : memref<10240x64xf32, #tpu.memory_space<vmem_shared>> -> memref<10240x64xf32, #tpu.memory_space<vmem_shared>>
      tpu.enqueue_indirect_dma source(%arg12 : memref<128x64xf32, #tpu.memory_space<vmem>>) target(%dma_start3A_269 : memref<10240x64xf32, #tpu.memory_space<vmem_shared>>) offsets(%dma_start3A_266 : memref<128xi32, #tpu.memory_space<vmem>>) semaphore(%arg19 : memref<!tpu.dma_semaphore, #tpu.memory_space<semaphore_mem>>) {add = true}
      %dma_start3A_270 = arith.constant 2 : i32
      %dma_start3A_271 = arith.constant 0 : i32
      %dma_start3A_272 = tpu.memref_slice %arg8[%dma_start3A_270, %dma_start3A_271] : memref<3x128xi32, #tpu.memory_space<vmem>> -> memref<1x128xi32, #tpu.memory_space<vmem>>
      %dma_start3A_273 = tpu.memref_squeeze %dma_start3A_272 : memref<1x128xi32, #tpu.memory_space<vmem>> -> memref<128xi32, #tpu.memory_space<vmem>>
      %dma_start3A_274 = arith.constant 0 : i32
      %dma_start3A_275 = arith.constant 0 : i32
      %dma_start3A_276 = tpu.memref_slice %arg16[%dma_start3A_274, %dma_start3A_275] : memref<10240x64xf32, #tpu.memory_space<vmem_shared>> -> memref<10240x64xf32, #tpu.memory_space<vmem_shared>>
      tpu.enqueue_indirect_dma source(%arg13 : memref<128x64xf32, #tpu.memory_space<vmem>>) target(%dma_start3A_276 : memref<10240x64xf32, #tpu.memory_space<vmem_shared>>) offsets(%dma_start3A_273 : memref<128xi32, #tpu.memory_space<vmem>>) semaphore(%arg19 : memref<!tpu.dma_semaphore, #tpu.memory_space<semaphore_mem>>) {add = true}
      %dma_wait3A_277 = arith.constant 0 : i32
      %dma_wait3A_278 = arith.constant 0 : i32
      %dma_wait3A_279 = tpu.memref_slice %arg8[%dma_wait3A_277, %dma_wait3A_278] : memref<3x128xi32, #tpu.memory_space<vmem>> -> memref<1x128xi32, #tpu.memory_space<vmem>>
      %dma_wait3A_280 = tpu.memref_squeeze %dma_wait3A_279 : memref<1x128xi32, #tpu.memory_space<vmem>> -> memref<128xi32, #tpu.memory_space<vmem>>
      %dma_wait3A_281 = arith.constant 0 : i32
      %dma_wait3A_282 = arith.constant 0 : i32
      %dma_wait3A_283 = tpu.memref_slice %arg16[%dma_wait3A_281, %dma_wait3A_282] : memref<10240x64xf32, #tpu.memory_space<vmem_shared>> -> memref<10240x64xf32, #tpu.memory_space<vmem_shared>>
      tpu.wait_indirect_dma semaphore(%arg19 : memref<!tpu.dma_semaphore, #tpu.memory_space<semaphore_mem>>) src(%arg11 : memref<128x64xf32, #tpu.memory_space<vmem>>) dst(%dma_wait3A_283 : memref<10240x64xf32, #tpu.memory_space<vmem_shared>>)
      %dma_wait3A_284 = arith.constant 1 : i32
      %dma_wait3A_285 = arith.constant 0 : i32
      %dma_wait3A_286 = tpu.memref_slice %arg8[%dma_wait3A_284, %dma_wait3A_285] : memref<3x128xi32, #tpu.memory_space<vmem>> -> memref<1x128xi32, #tpu.memory_space<vmem>>
      %dma_wait3A_287 = tpu.memref_squeeze %dma_wait3A_286 : memref<1x128xi32, #tpu.memory_space<vmem>> -> memref<128xi32, #tpu.memory_space<vmem>>
      %dma_wait3A_288 = arith.constant 0 : i32
      %dma_wait3A_289 = arith.constant 0 : i32
      %dma_wait3A_290 = tpu.memref_slice %arg16[%dma_wait3A_288, %dma_wait3A_289] : memref<10240x64xf32, #tpu.memory_space<vmem_shared>> -> memref<10240x64xf32, #tpu.memory_space<vmem_shared>>
      tpu.wait_indirect_dma semaphore(%arg19 : memref<!tpu.dma_semaphore, #tpu.memory_space<semaphore_mem>>) src(%arg12 : memref<128x64xf32, #tpu.memory_space<vmem>>) dst(%dma_wait3A_290 : memref<10240x64xf32, #tpu.memory_space<vmem_shared>>)
      %dma_wait3A_291 = arith.constant 2 : i32
      %dma_wait3A_292 = arith.constant 0 : i32
      %dma_wait3A_293 = tpu.memref_slice %arg8[%dma_wait3A_291, %dma_wait3A_292] : memref<3x128xi32, #tpu.memory_space<vmem>> -> memref<1x128xi32, #tpu.memory_space<vmem>>
      %dma_wait3A_294 = tpu.memref_squeeze %dma_wait3A_293 : memref<1x128xi32, #tpu.memory_space<vmem>> -> memref<128xi32, #tpu.memory_space<vmem>>
      %dma_wait3A_295 = arith.constant 0 : i32
      %dma_wait3A_296 = arith.constant 0 : i32
      %dma_wait3A_297 = tpu.memref_slice %arg16[%dma_wait3A_295, %dma_wait3A_296] : memref<10240x64xf32, #tpu.memory_space<vmem_shared>> -> memref<10240x64xf32, #tpu.memory_space<vmem_shared>>
      tpu.wait_indirect_dma semaphore(%arg19 : memref<!tpu.dma_semaphore, #tpu.memory_space<semaphore_mem>>) src(%arg13 : memref<128x64xf32, #tpu.memory_space<vmem>>) dst(%dma_wait3A_297 : memref<10240x64xf32, #tpu.memory_space<vmem_shared>>)
      %add3A_298 = arith.constant 1 : i32
      %add3A_299 = arith.addi %scan3A_189, %add3A_298 : i32
      %mul3A_300 = arith.constant 5 : i32
      %mul3A_301 = arith.muli %add3A_299, %mul3A_300 : i32
      %add3A_302 = arith.constant 0 : i32
      %add3A_303 = arith.addi %mul3A_301, %add3A_302 : i32
      %dma_start3A_304 = arith.constant 0 : i32
      %dma_start3A_305 = tpu.memref_slice %arg4[%arg1, %add3A_303, %dma_start3A_304] : memref<16x160x128xi32, #tpu.memory_space<hbm>> -> memref<1x3x128xi32, #tpu.memory_space<hbm>>
      %dma_start3A_306 = tpu.memref_squeeze %dma_start3A_305 : memref<1x3x128xi32, #tpu.memory_space<hbm>> -> memref<3x128xi32, #tpu.memory_space<hbm>>
      %dma_start3A_307 = arith.constant 0 : i32
      %dma_start3A_308 = tpu.memref_slice %arg4[%arg1, %add3A_303, %dma_start3A_307] : memref<16x160x128xi32, #tpu.memory_space<hbm>> -> memref<1x3x128xi32, #tpu.memory_space<hbm>>
      %dma_start3A_309 = tpu.memref_squeeze %dma_start3A_308 : memref<1x3x128xi32, #tpu.memory_space<hbm>> -> memref<3x128xi32, #tpu.memory_space<hbm>>
      tpu.enqueue_dma source(%dma_start3A_309 : memref<3x128xi32, #tpu.memory_space<hbm>>) target(%arg8 : memref<3x128xi32, #tpu.memory_space<vmem>>) target_semaphore(%arg22 : memref<!tpu.dma_semaphore, #tpu.memory_space<semaphore_mem>>)
      %add3A_310 = arith.constant 1 : i32
      %add3A_311 = arith.addi %scan3A_189, %add3A_310 : i32
      %mul3A_312 = arith.constant 5 : i32
      %mul3A_313 = arith.muli %add3A_311, %mul3A_312 : i32
      %add3A_314 = arith.constant 0 : i32
      %add3A_315 = arith.addi %mul3A_313, %add3A_314 : i32
      %dma_wait3A_316 = arith.constant 0 : i32
      %dma_wait3A_317 = tpu.memref_slice %arg3[%arg1, %add3A_315, %dma_wait3A_316] : memref<16x160x128xi32, #tpu.memory_space<hbm>> -> memref<1x3x128xi32, #tpu.memory_space<hbm>>
      %dma_wait3A_318 = tpu.memref_squeeze %dma_wait3A_317 : memref<1x3x128xi32, #tpu.memory_space<hbm>> -> memref<3x128xi32, #tpu.memory_space<hbm>>
      %dma_wait3A_319 = arith.constant 0 : i32
      %dma_wait3A_320 = tpu.memref_slice %arg3[%arg1, %add3A_315, %dma_wait3A_319] : memref<16x160x128xi32, #tpu.memory_space<hbm>> -> memref<1x3x128xi32, #tpu.memory_space<hbm>>
      %dma_wait3A_321 = tpu.memref_squeeze %dma_wait3A_320 : memref<1x3x128xi32, #tpu.memory_space<hbm>> -> memref<3x128xi32, #tpu.memory_space<hbm>>
      tpu.wait_dma2 semaphore(%arg22 : memref<!tpu.dma_semaphore, #tpu.memory_space<semaphore_mem>>) src(%dma_wait3A_321 : memref<3x128xi32, #tpu.memory_space<hbm>>) dst(%arg7 : memref<3x128xi32, #tpu.memory_space<vmem>>)
      %add3A_322 = arith.constant 1 : i32
      %add3A_323 = arith.addi %scan3A_189, %add3A_322 : i32
      %mul3A_324 = arith.constant 5 : i32
      %mul3A_325 = arith.muli %add3A_323, %mul3A_324 : i32
      %add3A_326 = arith.constant 0 : i32
      %add3A_327 = arith.addi %mul3A_325, %add3A_326 : i32
      %dma_wait3A_328 = arith.constant 0 : i32
      %dma_wait3A_329 = tpu.memref_slice %arg4[%arg1, %add3A_327, %dma_wait3A_328] : memref<16x160x128xi32, #tpu.memory_space<hbm>> -> memref<1x3x128xi32, #tpu.memory_space<hbm>>
      %dma_wait3A_330 = tpu.memref_squeeze %dma_wait3A_329 : memref<1x3x128xi32, #tpu.memory_space<hbm>> -> memref<3x128xi32, #tpu.memory_space<hbm>>
      %dma_wait3A_331 = arith.constant 0 : i32
      %dma_wait3A_332 = tpu.memref_slice %arg4[%arg1, %add3A_327, %dma_wait3A_331] : memref<16x160x128xi32, #tpu.memory_space<hbm>> -> memref<1x3x128xi32, #tpu.memory_space<hbm>>
      %dma_wait3A_333 = tpu.memref_squeeze %dma_wait3A_332 : memref<1x3x128xi32, #tpu.memory_space<hbm>> -> memref<3x128xi32, #tpu.memory_space<hbm>>
      tpu.wait_dma2 semaphore(%arg22 : memref<!tpu.dma_semaphore, #tpu.memory_space<semaphore_mem>>) src(%dma_wait3A_333 : memref<3x128xi32, #tpu.memory_space<hbm>>) dst(%arg8 : memref<3x128xi32, #tpu.memory_space<vmem>>)
      %dma_start3A_334 = arith.constant 0 : i32
      %dma_start3A_335 = arith.constant 0 : i32
      %dma_start3A_336 = tpu.memref_slice %arg7[%dma_start3A_334, %dma_start3A_335] : memref<3x128xi32, #tpu.memory_space<vmem>> -> memref<1x128xi32, #tpu.memory_space<vmem>>
      %dma_start3A_337 = tpu.memref_squeeze %dma_start3A_336 : memref<1x128xi32, #tpu.memory_space<vmem>> -> memref<128xi32, #tpu.memory_space<vmem>>
      %dma_start3A_338 = arith.constant 0 : i32
      %dma_start3A_339 = arith.constant 0 : i32
      %dma_start3A_340 = tpu.memref_slice %arg17[%dma_start3A_338, %dma_start3A_339] : memref<10240x64xf32, #tpu.memory_space<vmem_shared>> -> memref<10240x64xf32, #tpu.memory_space<vmem_shared>>
      tpu.enqueue_indirect_dma source(%dma_start3A_340 : memref<10240x64xf32, #tpu.memory_space<vmem_shared>>) target(%arg11 : memref<128x64xf32, #tpu.memory_space<vmem>>) offsets(%dma_start3A_337 : memref<128xi32, #tpu.memory_space<vmem>>) semaphore(%arg18 : memref<!tpu.dma_semaphore, #tpu.memory_space<semaphore_mem>>)
      %dma_start3A_341 = arith.constant 1 : i32
      %dma_start3A_342 = arith.constant 0 : i32
      %dma_start3A_343 = tpu.memref_slice %arg7[%dma_start3A_341, %dma_start3A_342] : memref<3x128xi32, #tpu.memory_space<vmem>> -> memref<1x128xi32, #tpu.memory_space<vmem>>
      %dma_start3A_344 = tpu.memref_squeeze %dma_start3A_343 : memref<1x128xi32, #tpu.memory_space<vmem>> -> memref<128xi32, #tpu.memory_space<vmem>>
      %dma_start3A_345 = arith.constant 0 : i32
      %dma_start3A_346 = arith.constant 0 : i32
      %dma_start3A_347 = tpu.memref_slice %arg17[%dma_start3A_345, %dma_start3A_346] : memref<10240x64xf32, #tpu.memory_space<vmem_shared>> -> memref<10240x64xf32, #tpu.memory_space<vmem_shared>>
      tpu.enqueue_indirect_dma source(%dma_start3A_347 : memref<10240x64xf32, #tpu.memory_space<vmem_shared>>) target(%arg12 : memref<128x64xf32, #tpu.memory_space<vmem>>) offsets(%dma_start3A_344 : memref<128xi32, #tpu.memory_space<vmem>>) semaphore(%arg18 : memref<!tpu.dma_semaphore, #tpu.memory_space<semaphore_mem>>)
      %dma_start3A_348 = arith.constant 2 : i32
      %dma_start3A_349 = arith.constant 0 : i32
      %dma_start3A_350 = tpu.memref_slice %arg7[%dma_start3A_348, %dma_start3A_349] : memref<3x128xi32, #tpu.memory_space<vmem>> -> memref<1x128xi32, #tpu.memory_space<vmem>>
      %dma_start3A_351 = tpu.memref_squeeze %dma_start3A_350 : memref<1x128xi32, #tpu.memory_space<vmem>> -> memref<128xi32, #tpu.memory_space<vmem>>
      %dma_start3A_352 = arith.constant 0 : i32
      %dma_start3A_353 = arith.constant 0 : i32
      %dma_start3A_354 = tpu.memref_slice %arg17[%dma_start3A_352, %dma_start3A_353] : memref<10240x64xf32, #tpu.memory_space<vmem_shared>> -> memref<10240x64xf32, #tpu.memory_space<vmem_shared>>
      tpu.enqueue_indirect_dma source(%dma_start3A_354 : memref<10240x64xf32, #tpu.memory_space<vmem_shared>>) target(%arg13 : memref<128x64xf32, #tpu.memory_space<vmem>>) offsets(%dma_start3A_351 : memref<128xi32, #tpu.memory_space<vmem>>) semaphore(%arg18 : memref<!tpu.dma_semaphore, #tpu.memory_space<semaphore_mem>>)
      %dma_wait3A_355 = arith.constant 0 : i32
      %dma_wait3A_356 = arith.constant 0 : i32
      %dma_wait3A_357 = tpu.memref_slice %arg9[%dma_wait3A_355, %dma_wait3A_356] : memref<2x128xi32, #tpu.memory_space<vmem>> -> memref<1x128xi32, #tpu.memory_space<vmem>>
      %dma_wait3A_358 = tpu.memref_squeeze %dma_wait3A_357 : memref<1x128xi32, #tpu.memory_space<vmem>> -> memref<128xi32, #tpu.memory_space<vmem>>
      %dma_wait3A_359 = arith.constant 0 : i32
      %dma_wait3A_360 = arith.constant 0 : i32
      %dma_wait3A_361 = tpu.memref_slice %arg17[%dma_wait3A_359, %dma_wait3A_360] : memref<10240x64xf32, #tpu.memory_space<vmem_shared>> -> memref<10240x64xf32, #tpu.memory_space<vmem_shared>>
      tpu.wait_indirect_dma semaphore(%arg20 : memref<!tpu.dma_semaphore, #tpu.memory_space<semaphore_mem>>) src(%dma_wait3A_361 : memref<10240x64xf32, #tpu.memory_space<vmem_shared>>) dst(%arg14 : memref<128x64xf32, #tpu.memory_space<vmem>>)
      %dma_wait3A_362 = arith.constant 1 : i32
      %dma_wait3A_363 = arith.constant 0 : i32
      %dma_wait3A_364 = tpu.memref_slice %arg9[%dma_wait3A_362, %dma_wait3A_363] : memref<2x128xi32, #tpu.memory_space<vmem>> -> memref<1x128xi32, #tpu.memory_space<vmem>>
      %dma_wait3A_365 = tpu.memref_squeeze %dma_wait3A_364 : memref<1x128xi32, #tpu.memory_space<vmem>> -> memref<128xi32, #tpu.memory_space<vmem>>
      %dma_wait3A_366 = arith.constant 0 : i32
      %dma_wait3A_367 = arith.constant 0 : i32
      %dma_wait3A_368 = tpu.memref_slice %arg17[%dma_wait3A_366, %dma_wait3A_367] : memref<10240x64xf32, #tpu.memory_space<vmem_shared>> -> memref<10240x64xf32, #tpu.memory_space<vmem_shared>>
      tpu.wait_indirect_dma semaphore(%arg20 : memref<!tpu.dma_semaphore, #tpu.memory_space<semaphore_mem>>) src(%dma_wait3A_368 : memref<10240x64xf32, #tpu.memory_space<vmem_shared>>) dst(%arg15 : memref<128x64xf32, #tpu.memory_space<vmem>>)
      %dma_start3A_369 = arith.constant 0 : i32
      %dma_start3A_370 = arith.constant 0 : i32
      %dma_start3A_371 = tpu.memref_slice %arg10[%dma_start3A_369, %dma_start3A_370] : memref<2x128xi32, #tpu.memory_space<vmem>> -> memref<1x128xi32, #tpu.memory_space<vmem>>
      %dma_start3A_372 = tpu.memref_squeeze %dma_start3A_371 : memref<1x128xi32, #tpu.memory_space<vmem>> -> memref<128xi32, #tpu.memory_space<vmem>>
      %dma_start3A_373 = arith.constant 0 : i32
      %dma_start3A_374 = arith.constant 0 : i32
      %dma_start3A_375 = tpu.memref_slice %arg16[%dma_start3A_373, %dma_start3A_374] : memref<10240x64xf32, #tpu.memory_space<vmem_shared>> -> memref<10240x64xf32, #tpu.memory_space<vmem_shared>>
      tpu.enqueue_indirect_dma source(%arg14 : memref<128x64xf32, #tpu.memory_space<vmem>>) target(%dma_start3A_375 : memref<10240x64xf32, #tpu.memory_space<vmem_shared>>) offsets(%dma_start3A_372 : memref<128xi32, #tpu.memory_space<vmem>>) semaphore(%arg21 : memref<!tpu.dma_semaphore, #tpu.memory_space<semaphore_mem>>) {add = true}
      %dma_start3A_376 = arith.constant 1 : i32
      %dma_start3A_377 = arith.constant 0 : i32
      %dma_start3A_378 = tpu.memref_slice %arg10[%dma_start3A_376, %dma_start3A_377] : memref<2x128xi32, #tpu.memory_space<vmem>> -> memref<1x128xi32, #tpu.memory_space<vmem>>
      %dma_start3A_379 = tpu.memref_squeeze %dma_start3A_378 : memref<1x128xi32, #tpu.memory_space<vmem>> -> memref<128xi32, #tpu.memory_space<vmem>>
      %dma_start3A_380 = arith.constant 0 : i32
      %dma_start3A_381 = arith.constant 0 : i32
      %dma_start3A_382 = tpu.memref_slice %arg16[%dma_start3A_380, %dma_start3A_381] : memref<10240x64xf32, #tpu.memory_space<vmem_shared>> -> memref<10240x64xf32, #tpu.memory_space<vmem_shared>>
      tpu.enqueue_indirect_dma source(%arg15 : memref<128x64xf32, #tpu.memory_space<vmem>>) target(%dma_start3A_382 : memref<10240x64xf32, #tpu.memory_space<vmem_shared>>) offsets(%dma_start3A_379 : memref<128xi32, #tpu.memory_space<vmem>>) semaphore(%arg21 : memref<!tpu.dma_semaphore, #tpu.memory_space<semaphore_mem>>) {add = true}
      %dma_wait3A_383 = arith.constant 0 : i32
      %dma_wait3A_384 = arith.constant 0 : i32
      %dma_wait3A_385 = tpu.memref_slice %arg10[%dma_wait3A_383, %dma_wait3A_384] : memref<2x128xi32, #tpu.memory_space<vmem>> -> memref<1x128xi32, #tpu.memory_space<vmem>>
      %dma_wait3A_386 = tpu.memref_squeeze %dma_wait3A_385 : memref<1x128xi32, #tpu.memory_space<vmem>> -> memref<128xi32, #tpu.memory_space<vmem>>
      %dma_wait3A_387 = arith.constant 0 : i32
      %dma_wait3A_388 = arith.constant 0 : i32
      %dma_wait3A_389 = tpu.memref_slice %arg16[%dma_wait3A_387, %dma_wait3A_388] : memref<10240x64xf32, #tpu.memory_space<vmem_shared>> -> memref<10240x64xf32, #tpu.memory_space<vmem_shared>>
      tpu.wait_indirect_dma semaphore(%arg21 : memref<!tpu.dma_semaphore, #tpu.memory_space<semaphore_mem>>) src(%arg14 : memref<128x64xf32, #tpu.memory_space<vmem>>) dst(%dma_wait3A_389 : memref<10240x64xf32, #tpu.memory_space<vmem_shared>>)
      %dma_wait3A_390 = arith.constant 1 : i32
      %dma_wait3A_391 = arith.constant 0 : i32
      %dma_wait3A_392 = tpu.memref_slice %arg10[%dma_wait3A_390, %dma_wait3A_391] : memref<2x128xi32, #tpu.memory_space<vmem>> -> memref<1x128xi32, #tpu.memory_space<vmem>>
      %dma_wait3A_393 = tpu.memref_squeeze %dma_wait3A_392 : memref<1x128xi32, #tpu.memory_space<vmem>> -> memref<128xi32, #tpu.memory_space<vmem>>
      %dma_wait3A_394 = arith.constant 0 : i32
      %dma_wait3A_395 = arith.constant 0 : i32
      %dma_wait3A_396 = tpu.memref_slice %arg16[%dma_wait3A_394, %dma_wait3A_395] : memref<10240x64xf32, #tpu.memory_space<vmem_shared>> -> memref<10240x64xf32, #tpu.memory_space<vmem_shared>>
      tpu.wait_indirect_dma semaphore(%arg21 : memref<!tpu.dma_semaphore, #tpu.memory_space<semaphore_mem>>) src(%arg15 : memref<128x64xf32, #tpu.memory_space<vmem>>) dst(%dma_wait3A_396 : memref<10240x64xf32, #tpu.memory_space<vmem_shared>>)
      %add3A_397 = arith.constant 1 : i32
      %add3A_398 = arith.addi %scan3A_189, %add3A_397 : i32
      %mul3A_399 = arith.constant 5 : i32
      %mul3A_400 = arith.muli %add3A_398, %mul3A_399 : i32
      %add3A_401 = arith.constant 3 : i32
      %add3A_402 = arith.addi %mul3A_400, %add3A_401 : i32
      %dma_start3A_403 = arith.constant 0 : i32
      %dma_start3A_404 = tpu.memref_slice %arg3[%arg1, %add3A_402, %dma_start3A_403] : memref<16x160x128xi32, #tpu.memory_space<hbm>> -> memref<1x2x128xi32, #tpu.memory_space<hbm>>
      %dma_start3A_405 = tpu.memref_squeeze %dma_start3A_404 : memref<1x2x128xi32, #tpu.memory_space<hbm>> -> memref<2x128xi32, #tpu.memory_space<hbm>>
      %dma_start3A_406 = arith.constant 0 : i32
      %dma_start3A_407 = tpu.memref_slice %arg3[%arg1, %add3A_402, %dma_start3A_406] : memref<16x160x128xi32, #tpu.memory_space<hbm>> -> memref<1x2x128xi32, #tpu.memory_space<hbm>>
      %dma_start3A_408 = tpu.memref_squeeze %dma_start3A_407 : memref<1x2x128xi32, #tpu.memory_space<hbm>> -> memref<2x128xi32, #tpu.memory_space<hbm>>
      tpu.enqueue_dma source(%dma_start3A_408 : memref<2x128xi32, #tpu.memory_space<hbm>>) target(%arg9 : memref<2x128xi32, #tpu.memory_space<vmem>>) target_semaphore(%arg23 : memref<!tpu.dma_semaphore, #tpu.memory_space<semaphore_mem>>)
      %add3A_409 = arith.constant 1 : i32
      %add3A_410 = arith.addi %scan3A_189, %add3A_409 : i32
      %mul3A_411 = arith.constant 5 : i32
      %mul3A_412 = arith.muli %add3A_410, %mul3A_411 : i32
      %add3A_413 = arith.constant 3 : i32
      %add3A_414 = arith.addi %mul3A_412, %add3A_413 : i32
      %dma_start3A_415 = arith.constant 0 : i32
      %dma_start3A_416 = tpu.memref_slice %arg4[%arg1, %add3A_414, %dma_start3A_415] : memref<16x160x128xi32, #tpu.memory_space<hbm>> -> memref<1x2x128xi32, #tpu.memory_space<hbm>>
      %dma_start3A_417 = tpu.memref_squeeze %dma_start3A_416 : memref<1x2x128xi32, #tpu.memory_space<hbm>> -> memref<2x128xi32, #tpu.memory_space<hbm>>
      %dma_start3A_418 = arith.constant 0 : i32
      %dma_start3A_419 = tpu.memref_slice %arg4[%arg1, %add3A_414, %dma_start3A_418] : memref<16x160x128xi32, #tpu.memory_space<hbm>> -> memref<1x2x128xi32, #tpu.memory_space<hbm>>
      %dma_start3A_420 = tpu.memref_squeeze %dma_start3A_419 : memref<1x2x128xi32, #tpu.memory_space<hbm>> -> memref<2x128xi32, #tpu.memory_space<hbm>>
      tpu.enqueue_dma source(%dma_start3A_420 : memref<2x128xi32, #tpu.memory_space<hbm>>) target(%arg10 : memref<2x128xi32, #tpu.memory_space<vmem>>) target_semaphore(%arg23 : memref<!tpu.dma_semaphore, #tpu.memory_space<semaphore_mem>>)
    }
    %scan3A_47 = arith.constant 31 : i32
    %dma_wait3A = arith.constant 158 : i32
    %dma_wait3A_48 = arith.constant 0 : i32
    %dma_wait3A_49 = tpu.memref_slice %arg3[%arg1, %dma_wait3A, %dma_wait3A_48] : memref<16x160x128xi32, #tpu.memory_space<hbm>> -> memref<1x2x128xi32, #tpu.memory_space<hbm>>
    %dma_wait3A_50 = tpu.memref_squeeze %dma_wait3A_49 : memref<1x2x128xi32, #tpu.memory_space<hbm>> -> memref<2x128xi32, #tpu.memory_space<hbm>>
    %dma_wait3A_51 = arith.constant 158 : i32
    %dma_wait3A_52 = arith.constant 0 : i32
    %dma_wait3A_53 = tpu.memref_slice %arg3[%arg1, %dma_wait3A_51, %dma_wait3A_52] : memref<16x160x128xi32, #tpu.memory_space<hbm>> -> memref<1x2x128xi32, #tpu.memory_space<hbm>>
    %dma_wait3A_54 = tpu.memref_squeeze %dma_wait3A_53 : memref<1x2x128xi32, #tpu.memory_space<hbm>> -> memref<2x128xi32, #tpu.memory_space<hbm>>
    tpu.wait_dma2 semaphore(%arg23 : memref<!tpu.dma_semaphore, #tpu.memory_space<semaphore_mem>>) src(%dma_wait3A_54 : memref<2x128xi32, #tpu.memory_space<hbm>>) dst(%arg9 : memref<2x128xi32, #tpu.memory_space<vmem>>)
    %dma_wait3A_55 = arith.constant 158 : i32
    %dma_wait3A_56 = arith.constant 0 : i32
    %dma_wait3A_57 = tpu.memref_slice %arg4[%arg1, %dma_wait3A_55, %dma_wait3A_56] : memref<16x160x128xi32, #tpu.memory_space<hbm>> -> memref<1x2x128xi32, #tpu.memory_space<hbm>>
    %dma_wait3A_58 = tpu.memref_squeeze %dma_wait3A_57 : memref<1x2x128xi32, #tpu.memory_space<hbm>> -> memref<2x128xi32, #tpu.memory_space<hbm>>
    %dma_wait3A_59 = arith.constant 158 : i32
    %dma_wait3A_60 = arith.constant 0 : i32
    %dma_wait3A_61 = tpu.memref_slice %arg4[%arg1, %dma_wait3A_59, %dma_wait3A_60] : memref<16x160x128xi32, #tpu.memory_space<hbm>> -> memref<1x2x128xi32, #tpu.memory_space<hbm>>
    %dma_wait3A_62 = tpu.memref_squeeze %dma_wait3A_61 : memref<1x2x128xi32, #tpu.memory_space<hbm>> -> memref<2x128xi32, #tpu.memory_space<hbm>>
    tpu.wait_dma2 semaphore(%arg23 : memref<!tpu.dma_semaphore, #tpu.memory_space<semaphore_mem>>) src(%dma_wait3A_62 : memref<2x128xi32, #tpu.memory_space<hbm>>) dst(%arg10 : memref<2x128xi32, #tpu.memory_space<vmem>>)
    %dma_start3A_63 = arith.constant 0 : i32
    %dma_start3A_64 = arith.constant 0 : i32
    %dma_start3A_65 = tpu.memref_slice %arg9[%dma_start3A_63, %dma_start3A_64] : memref<2x128xi32, #tpu.memory_space<vmem>> -> memref<1x128xi32, #tpu.memory_space<vmem>>
    %dma_start3A_66 = tpu.memref_squeeze %dma_start3A_65 : memref<1x128xi32, #tpu.memory_space<vmem>> -> memref<128xi32, #tpu.memory_space<vmem>>
    %dma_start3A_67 = arith.constant 0 : i32
    %dma_start3A_68 = arith.constant 0 : i32
    %dma_start3A_69 = tpu.memref_slice %arg17[%dma_start3A_67, %dma_start3A_68] : memref<10240x64xf32, #tpu.memory_space<vmem_shared>> -> memref<10240x64xf32, #tpu.memory_space<vmem_shared>>
    tpu.enqueue_indirect_dma source(%dma_start3A_69 : memref<10240x64xf32, #tpu.memory_space<vmem_shared>>) target(%arg14 : memref<128x64xf32, #tpu.memory_space<vmem>>) offsets(%dma_start3A_66 : memref<128xi32, #tpu.memory_space<vmem>>) semaphore(%arg20 : memref<!tpu.dma_semaphore, #tpu.memory_space<semaphore_mem>>)
    %dma_start3A_70 = arith.constant 1 : i32
    %dma_start3A_71 = arith.constant 0 : i32
    %dma_start3A_72 = tpu.memref_slice %arg9[%dma_start3A_70, %dma_start3A_71] : memref<2x128xi32, #tpu.memory_space<vmem>> -> memref<1x128xi32, #tpu.memory_space<vmem>>
    %dma_start3A_73 = tpu.memref_squeeze %dma_start3A_72 : memref<1x128xi32, #tpu.memory_space<vmem>> -> memref<128xi32, #tpu.memory_space<vmem>>
    %dma_start3A_74 = arith.constant 0 : i32
    %dma_start3A_75 = arith.constant 0 : i32
    %dma_start3A_76 = tpu.memref_slice %arg17[%dma_start3A_74, %dma_start3A_75] : memref<10240x64xf32, #tpu.memory_space<vmem_shared>> -> memref<10240x64xf32, #tpu.memory_space<vmem_shared>>
    tpu.enqueue_indirect_dma source(%dma_start3A_76 : memref<10240x64xf32, #tpu.memory_space<vmem_shared>>) target(%arg15 : memref<128x64xf32, #tpu.memory_space<vmem>>) offsets(%dma_start3A_73 : memref<128xi32, #tpu.memory_space<vmem>>) semaphore(%arg20 : memref<!tpu.dma_semaphore, #tpu.memory_space<semaphore_mem>>)
    %dma_wait3A_77 = arith.constant 0 : i32
    %dma_wait3A_78 = arith.constant 0 : i32
    %dma_wait3A_79 = tpu.memref_slice %arg7[%dma_wait3A_77, %dma_wait3A_78] : memref<3x128xi32, #tpu.memory_space<vmem>> -> memref<1x128xi32, #tpu.memory_space<vmem>>
    %dma_wait3A_80 = tpu.memref_squeeze %dma_wait3A_79 : memref<1x128xi32, #tpu.memory_space<vmem>> -> memref<128xi32, #tpu.memory_space<vmem>>
    %dma_wait3A_81 = arith.constant 0 : i32
    %dma_wait3A_82 = arith.constant 0 : i32
    %dma_wait3A_83 = tpu.memref_slice %arg17[%dma_wait3A_81, %dma_wait3A_82] : memref<10240x64xf32, #tpu.memory_space<vmem_shared>> -> memref<10240x64xf32, #tpu.memory_space<vmem_shared>>
    tpu.wait_indirect_dma semaphore(%arg18 : memref<!tpu.dma_semaphore, #tpu.memory_space<semaphore_mem>>) src(%dma_wait3A_83 : memref<10240x64xf32, #tpu.memory_space<vmem_shared>>) dst(%arg11 : memref<128x64xf32, #tpu.memory_space<vmem>>)
    %dma_wait3A_84 = arith.constant 1 : i32
    %dma_wait3A_85 = arith.constant 0 : i32
    %dma_wait3A_86 = tpu.memref_slice %arg7[%dma_wait3A_84, %dma_wait3A_85] : memref<3x128xi32, #tpu.memory_space<vmem>> -> memref<1x128xi32, #tpu.memory_space<vmem>>
    %dma_wait3A_87 = tpu.memref_squeeze %dma_wait3A_86 : memref<1x128xi32, #tpu.memory_space<vmem>> -> memref<128xi32, #tpu.memory_space<vmem>>
    %dma_wait3A_88 = arith.constant 0 : i32
    %dma_wait3A_89 = arith.constant 0 : i32
    %dma_wait3A_90 = tpu.memref_slice %arg17[%dma_wait3A_88, %dma_wait3A_89] : memref<10240x64xf32, #tpu.memory_space<vmem_shared>> -> memref<10240x64xf32, #tpu.memory_space<vmem_shared>>
    tpu.wait_indirect_dma semaphore(%arg18 : memref<!tpu.dma_semaphore, #tpu.memory_space<semaphore_mem>>) src(%dma_wait3A_90 : memref<10240x64xf32, #tpu.memory_space<vmem_shared>>) dst(%arg12 : memref<128x64xf32, #tpu.memory_space<vmem>>)
    %dma_wait3A_91 = arith.constant 2 : i32
    %dma_wait3A_92 = arith.constant 0 : i32
    %dma_wait3A_93 = tpu.memref_slice %arg7[%dma_wait3A_91, %dma_wait3A_92] : memref<3x128xi32, #tpu.memory_space<vmem>> -> memref<1x128xi32, #tpu.memory_space<vmem>>
    %dma_wait3A_94 = tpu.memref_squeeze %dma_wait3A_93 : memref<1x128xi32, #tpu.memory_space<vmem>> -> memref<128xi32, #tpu.memory_space<vmem>>
    %dma_wait3A_95 = arith.constant 0 : i32
    %dma_wait3A_96 = arith.constant 0 : i32
    %dma_wait3A_97 = tpu.memref_slice %arg17[%dma_wait3A_95, %dma_wait3A_96] : memref<10240x64xf32, #tpu.memory_space<vmem_shared>> -> memref<10240x64xf32, #tpu.memory_space<vmem_shared>>
    tpu.wait_indirect_dma semaphore(%arg18 : memref<!tpu.dma_semaphore, #tpu.memory_space<semaphore_mem>>) src(%dma_wait3A_97 : memref<10240x64xf32, #tpu.memory_space<vmem_shared>>) dst(%arg13 : memref<128x64xf32, #tpu.memory_space<vmem>>)
    %dma_start3A_98 = arith.constant 0 : i32
    %dma_start3A_99 = arith.constant 0 : i32
    %dma_start3A_100 = tpu.memref_slice %arg8[%dma_start3A_98, %dma_start3A_99] : memref<3x128xi32, #tpu.memory_space<vmem>> -> memref<1x128xi32, #tpu.memory_space<vmem>>
    %dma_start3A_101 = tpu.memref_squeeze %dma_start3A_100 : memref<1x128xi32, #tpu.memory_space<vmem>> -> memref<128xi32, #tpu.memory_space<vmem>>
    %dma_start3A_102 = arith.constant 0 : i32
    %dma_start3A_103 = arith.constant 0 : i32
    %dma_start3A_104 = tpu.memref_slice %arg16[%dma_start3A_102, %dma_start3A_103] : memref<10240x64xf32, #tpu.memory_space<vmem_shared>> -> memref<10240x64xf32, #tpu.memory_space<vmem_shared>>
    tpu.enqueue_indirect_dma source(%arg11 : memref<128x64xf32, #tpu.memory_space<vmem>>) target(%dma_start3A_104 : memref<10240x64xf32, #tpu.memory_space<vmem_shared>>) offsets(%dma_start3A_101 : memref<128xi32, #tpu.memory_space<vmem>>) semaphore(%arg19 : memref<!tpu.dma_semaphore, #tpu.memory_space<semaphore_mem>>) {add = true}
    %dma_start3A_105 = arith.constant 1 : i32
    %dma_start3A_106 = arith.constant 0 : i32
    %dma_start3A_107 = tpu.memref_slice %arg8[%dma_start3A_105, %dma_start3A_106] : memref<3x128xi32, #tpu.memory_space<vmem>> -> memref<1x128xi32, #tpu.memory_space<vmem>>
    %dma_start3A_108 = tpu.memref_squeeze %dma_start3A_107 : memref<1x128xi32, #tpu.memory_space<vmem>> -> memref<128xi32, #tpu.memory_space<vmem>>
    %dma_start3A_109 = arith.constant 0 : i32
    %dma_start3A_110 = arith.constant 0 : i32
    %dma_start3A_111 = tpu.memref_slice %arg16[%dma_start3A_109, %dma_start3A_110] : memref<10240x64xf32, #tpu.memory_space<vmem_shared>> -> memref<10240x64xf32, #tpu.memory_space<vmem_shared>>
    tpu.enqueue_indirect_dma source(%arg12 : memref<128x64xf32, #tpu.memory_space<vmem>>) target(%dma_start3A_111 : memref<10240x64xf32, #tpu.memory_space<vmem_shared>>) offsets(%dma_start3A_108 : memref<128xi32, #tpu.memory_space<vmem>>) semaphore(%arg19 : memref<!tpu.dma_semaphore, #tpu.memory_space<semaphore_mem>>) {add = true}
    %dma_start3A_112 = arith.constant 2 : i32
    %dma_start3A_113 = arith.constant 0 : i32
    %dma_start3A_114 = tpu.memref_slice %arg8[%dma_start3A_112, %dma_start3A_113] : memref<3x128xi32, #tpu.memory_space<vmem>> -> memref<1x128xi32, #tpu.memory_space<vmem>>
    %dma_start3A_115 = tpu.memref_squeeze %dma_start3A_114 : memref<1x128xi32, #tpu.memory_space<vmem>> -> memref<128xi32, #tpu.memory_space<vmem>>
    %dma_start3A_116 = arith.constant 0 : i32
    %dma_start3A_117 = arith.constant 0 : i32
    %dma_start3A_118 = tpu.memref_slice %arg16[%dma_start3A_116, %dma_start3A_117] : memref<10240x64xf32, #tpu.memory_space<vmem_shared>> -> memref<10240x64xf32, #tpu.memory_space<vmem_shared>>
    tpu.enqueue_indirect_dma source(%arg13 : memref<128x64xf32, #tpu.memory_space<vmem>>) target(%dma_start3A_118 : memref<10240x64xf32, #tpu.memory_space<vmem_shared>>) offsets(%dma_start3A_115 : memref<128xi32, #tpu.memory_space<vmem>>) semaphore(%arg19 : memref<!tpu.dma_semaphore, #tpu.memory_space<semaphore_mem>>) {add = true}
    %dma_wait3A_119 = arith.constant 0 : i32
    %dma_wait3A_120 = arith.constant 0 : i32
    %dma_wait3A_121 = tpu.memref_slice %arg8[%dma_wait3A_119, %dma_wait3A_120] : memref<3x128xi32, #tpu.memory_space<vmem>> -> memref<1x128xi32, #tpu.memory_space<vmem>>
    %dma_wait3A_122 = tpu.memref_squeeze %dma_wait3A_121 : memref<1x128xi32, #tpu.memory_space<vmem>> -> memref<128xi32, #tpu.memory_space<vmem>>
    %dma_wait3A_123 = arith.constant 0 : i32
    %dma_wait3A_124 = arith.constant 0 : i32
    %dma_wait3A_125 = tpu.memref_slice %arg16[%dma_wait3A_123, %dma_wait3A_124] : memref<10240x64xf32, #tpu.memory_space<vmem_shared>> -> memref<10240x64xf32, #tpu.memory_space<vmem_shared>>
    tpu.wait_indirect_dma semaphore(%arg19 : memref<!tpu.dma_semaphore, #tpu.memory_space<semaphore_mem>>) src(%arg11 : memref<128x64xf32, #tpu.memory_space<vmem>>) dst(%dma_wait3A_125 : memref<10240x64xf32, #tpu.memory_space<vmem_shared>>)
    %dma_wait3A_126 = arith.constant 1 : i32
    %dma_wait3A_127 = arith.constant 0 : i32
    %dma_wait3A_128 = tpu.memref_slice %arg8[%dma_wait3A_126, %dma_wait3A_127] : memref<3x128xi32, #tpu.memory_space<vmem>> -> memref<1x128xi32, #tpu.memory_space<vmem>>
    %dma_wait3A_129 = tpu.memref_squeeze %dma_wait3A_128 : memref<1x128xi32, #tpu.memory_space<vmem>> -> memref<128xi32, #tpu.memory_space<vmem>>
    %dma_wait3A_130 = arith.constant 0 : i32
    %dma_wait3A_131 = arith.constant 0 : i32
    %dma_wait3A_132 = tpu.memref_slice %arg16[%dma_wait3A_130, %dma_wait3A_131] : memref<10240x64xf32, #tpu.memory_space<vmem_shared>> -> memref<10240x64xf32, #tpu.memory_space<vmem_shared>>
    tpu.wait_indirect_dma semaphore(%arg19 : memref<!tpu.dma_semaphore, #tpu.memory_space<semaphore_mem>>) src(%arg12 : memref<128x64xf32, #tpu.memory_space<vmem>>) dst(%dma_wait3A_132 : memref<10240x64xf32, #tpu.memory_space<vmem_shared>>)
    %dma_wait3A_133 = arith.constant 2 : i32
    %dma_wait3A_134 = arith.constant 0 : i32
    %dma_wait3A_135 = tpu.memref_slice %arg8[%dma_wait3A_133, %dma_wait3A_134] : memref<3x128xi32, #tpu.memory_space<vmem>> -> memref<1x128xi32, #tpu.memory_space<vmem>>
    %dma_wait3A_136 = tpu.memref_squeeze %dma_wait3A_135 : memref<1x128xi32, #tpu.memory_space<vmem>> -> memref<128xi32, #tpu.memory_space<vmem>>
    %dma_wait3A_137 = arith.constant 0 : i32
    %dma_wait3A_138 = arith.constant 0 : i32
    %dma_wait3A_139 = tpu.memref_slice %arg16[%dma_wait3A_137, %dma_wait3A_138] : memref<10240x64xf32, #tpu.memory_space<vmem_shared>> -> memref<10240x64xf32, #tpu.memory_space<vmem_shared>>
    tpu.wait_indirect_dma semaphore(%arg19 : memref<!tpu.dma_semaphore, #tpu.memory_space<semaphore_mem>>) src(%arg13 : memref<128x64xf32, #tpu.memory_space<vmem>>) dst(%dma_wait3A_139 : memref<10240x64xf32, #tpu.memory_space<vmem_shared>>)
    %dma_wait3A_140 = arith.constant 0 : i32
    %dma_wait3A_141 = arith.constant 0 : i32
    %dma_wait3A_142 = tpu.memref_slice %arg9[%dma_wait3A_140, %dma_wait3A_141] : memref<2x128xi32, #tpu.memory_space<vmem>> -> memref<1x128xi32, #tpu.memory_space<vmem>>
    %dma_wait3A_143 = tpu.memref_squeeze %dma_wait3A_142 : memref<1x128xi32, #tpu.memory_space<vmem>> -> memref<128xi32, #tpu.memory_space<vmem>>
    %dma_wait3A_144 = arith.constant 0 : i32
    %dma_wait3A_145 = arith.constant 0 : i32
    %dma_wait3A_146 = tpu.memref_slice %arg17[%dma_wait3A_144, %dma_wait3A_145] : memref<10240x64xf32, #tpu.memory_space<vmem_shared>> -> memref<10240x64xf32, #tpu.memory_space<vmem_shared>>
    tpu.wait_indirect_dma semaphore(%arg20 : memref<!tpu.dma_semaphore, #tpu.memory_space<semaphore_mem>>) src(%dma_wait3A_146 : memref<10240x64xf32, #tpu.memory_space<vmem_shared>>) dst(%arg14 : memref<128x64xf32, #tpu.memory_space<vmem>>)
    %dma_wait3A_147 = arith.constant 1 : i32
    %dma_wait3A_148 = arith.constant 0 : i32
    %dma_wait3A_149 = tpu.memref_slice %arg9[%dma_wait3A_147, %dma_wait3A_148] : memref<2x128xi32, #tpu.memory_space<vmem>> -> memref<1x128xi32, #tpu.memory_space<vmem>>
    %dma_wait3A_150 = tpu.memref_squeeze %dma_wait3A_149 : memref<1x128xi32, #tpu.memory_space<vmem>> -> memref<128xi32, #tpu.memory_space<vmem>>
    %dma_wait3A_151 = arith.constant 0 : i32
    %dma_wait3A_152 = arith.constant 0 : i32
    %dma_wait3A_153 = tpu.memref_slice %arg17[%dma_wait3A_151, %dma_wait3A_152] : memref<10240x64xf32, #tpu.memory_space<vmem_shared>> -> memref<10240x64xf32, #tpu.memory_space<vmem_shared>>
    tpu.wait_indirect_dma semaphore(%arg20 : memref<!tpu.dma_semaphore, #tpu.memory_space<semaphore_mem>>) src(%dma_wait3A_153 : memref<10240x64xf32, #tpu.memory_space<vmem_shared>>) dst(%arg15 : memref<128x64xf32, #tpu.memory_space<vmem>>)
    %dma_start3A_154 = arith.constant 0 : i32
    %dma_start3A_155 = arith.constant 0 : i32
    %dma_start3A_156 = tpu.memref_slice %arg10[%dma_start3A_154, %dma_start3A_155] : memref<2x128xi32, #tpu.memory_space<vmem>> -> memref<1x128xi32, #tpu.memory_space<vmem>>
    %dma_start3A_157 = tpu.memref_squeeze %dma_start3A_156 : memref<1x128xi32, #tpu.memory_space<vmem>> -> memref<128xi32, #tpu.memory_space<vmem>>
    %dma_start3A_158 = arith.constant 0 : i32
    %dma_start3A_159 = arith.constant 0 : i32
    %dma_start3A_160 = tpu.memref_slice %arg16[%dma_start3A_158, %dma_start3A_159] : memref<10240x64xf32, #tpu.memory_space<vmem_shared>> -> memref<10240x64xf32, #tpu.memory_space<vmem_shared>>
    tpu.enqueue_indirect_dma source(%arg14 : memref<128x64xf32, #tpu.memory_space<vmem>>) target(%dma_start3A_160 : memref<10240x64xf32, #tpu.memory_space<vmem_shared>>) offsets(%dma_start3A_157 : memref<128xi32, #tpu.memory_space<vmem>>) semaphore(%arg21 : memref<!tpu.dma_semaphore, #tpu.memory_space<semaphore_mem>>) {add = true}
    %dma_start3A_161 = arith.constant 1 : i32
    %dma_start3A_162 = arith.constant 0 : i32
    %dma_start3A_163 = tpu.memref_slice %arg10[%dma_start3A_161, %dma_start3A_162] : memref<2x128xi32, #tpu.memory_space<vmem>> -> memref<1x128xi32, #tpu.memory_space<vmem>>
    %dma_start3A_164 = tpu.memref_squeeze %dma_start3A_163 : memref<1x128xi32, #tpu.memory_space<vmem>> -> memref<128xi32, #tpu.memory_space<vmem>>
    %dma_start3A_165 = arith.constant 0 : i32
    %dma_start3A_166 = arith.constant 0 : i32
    %dma_start3A_167 = tpu.memref_slice %arg16[%dma_start3A_165, %dma_start3A_166] : memref<10240x64xf32, #tpu.memory_space<vmem_shared>> -> memref<10240x64xf32, #tpu.memory_space<vmem_shared>>
    tpu.enqueue_indirect_dma source(%arg15 : memref<128x64xf32, #tpu.memory_space<vmem>>) target(%dma_start3A_167 : memref<10240x64xf32, #tpu.memory_space<vmem_shared>>) offsets(%dma_start3A_164 : memref<128xi32, #tpu.memory_space<vmem>>) semaphore(%arg21 : memref<!tpu.dma_semaphore, #tpu.memory_space<semaphore_mem>>) {add = true}
    %dma_wait3A_168 = arith.constant 0 : i32
    %dma_wait3A_169 = arith.constant 0 : i32
    %dma_wait3A_170 = tpu.memref_slice %arg10[%dma_wait3A_168, %dma_wait3A_169] : memref<2x128xi32, #tpu.memory_space<vmem>> -> memref<1x128xi32, #tpu.memory_space<vmem>>
    %dma_wait3A_171 = tpu.memref_squeeze %dma_wait3A_170 : memref<1x128xi32, #tpu.memory_space<vmem>> -> memref<128xi32, #tpu.memory_space<vmem>>
    %dma_wait3A_172 = arith.constant 0 : i32
    %dma_wait3A_173 = arith.constant 0 : i32
    %dma_wait3A_174 = tpu.memref_slice %arg16[%dma_wait3A_172, %dma_wait3A_173] : memref<10240x64xf32, #tpu.memory_space<vmem_shared>> -> memref<10240x64xf32, #tpu.memory_space<vmem_shared>>
    tpu.wait_indirect_dma semaphore(%arg21 : memref<!tpu.dma_semaphore, #tpu.memory_space<semaphore_mem>>) src(%arg14 : memref<128x64xf32, #tpu.memory_space<vmem>>) dst(%dma_wait3A_174 : memref<10240x64xf32, #tpu.memory_space<vmem_shared>>)
    %dma_wait3A_175 = arith.constant 1 : i32
    %dma_wait3A_176 = arith.constant 0 : i32
    %dma_wait3A_177 = tpu.memref_slice %arg10[%dma_wait3A_175, %dma_wait3A_176] : memref<2x128xi32, #tpu.memory_space<vmem>> -> memref<1x128xi32, #tpu.memory_space<vmem>>
    %dma_wait3A_178 = tpu.memref_squeeze %dma_wait3A_177 : memref<1x128xi32, #tpu.memory_space<vmem>> -> memref<128xi32, #tpu.memory_space<vmem>>
    %dma_wait3A_179 = arith.constant 0 : i32
    %dma_wait3A_180 = arith.constant 0 : i32
    %dma_wait3A_181 = tpu.memref_slice %arg16[%dma_wait3A_179, %dma_wait3A_180] : memref<10240x64xf32, #tpu.memory_space<vmem_shared>> -> memref<10240x64xf32, #tpu.memory_space<vmem_shared>>
    tpu.wait_indirect_dma semaphore(%arg21 : memref<!tpu.dma_semaphore, #tpu.memory_space<semaphore_mem>>) src(%arg15 : memref<128x64xf32, #tpu.memory_space<vmem>>) dst(%dma_wait3A_181 : memref<10240x64xf32, #tpu.memory_space<vmem_shared>>)
    %barrier3A_182 = arith.constant 0 : index
    tpu.barrier barrier_id(%barrier3A_182)
    %mul3A_183 = arith.constant 640 : i32
    %mul3A_184 = arith.muli %arg1, %mul3A_183 : i32
    %mul3A_185 = arith.constant 640 : i32
    %mul3A_186 = arith.muli %arg1, %mul3A_185 : i32
    %mul3A_187 = arith.constant 64 : i32
    %mul3A_188 = arith.muli %arg0, %mul3A_187 : i32
    "tpu.region"() ({
      %run_scoped3A = tpu.sem_alloc : memref<!tpu.dma_semaphore, #tpu.memory_space<semaphore_mem>>
      %dma_start3A_189 = tpu.memref_slice %arg6[%mul3A_186, %mul3A_188] : memref<10240x128xf32, #tpu.memory_space<hbm>> -> memref<640x64xf32, #tpu.memory_space<hbm>>
      %dma_start3A_190 = arith.constant 0 : i32
      %dma_start3A_191 = tpu.memref_slice %arg16[%mul3A_184, %dma_start3A_190] : memref<10240x64xf32, #tpu.memory_space<vmem_shared>> -> memref<640x64xf32, #tpu.memory_space<vmem_shared>>
      tpu.enqueue_dma source(%dma_start3A_191 : memref<640x64xf32, #tpu.memory_space<vmem_shared>>) target(%dma_start3A_189 : memref<640x64xf32, #tpu.memory_space<hbm>>) target_semaphore(%run_scoped3A : memref<!tpu.dma_semaphore, #tpu.memory_space<semaphore_mem>>)
      %dma_wait3A_192 = tpu.memref_slice %arg6[%mul3A_186, %mul3A_188] : memref<10240x128xf32, #tpu.memory_space<hbm>> -> memref<640x64xf32, #tpu.memory_space<hbm>>
      %dma_wait3A_193 = arith.constant 0 : i32
      %dma_wait3A_194 = tpu.memref_slice %arg16[%mul3A_184, %dma_wait3A_193] : memref<10240x64xf32, #tpu.memory_space<vmem_shared>> -> memref<640x64xf32, #tpu.memory_space<vmem_shared>>
      tpu.wait_dma2 semaphore(%run_scoped3A : memref<!tpu.dma_semaphore, #tpu.memory_space<semaphore_mem>>) src(%dma_wait3A_194 : memref<640x64xf32, #tpu.memory_space<vmem_shared>>) dst(%dma_wait3A_192 : memref<640x64xf32, #tpu.memory_space<hbm>>)
      tpu.yield
    }) : () -> ()
    return
  }
}

#map = affine_map<(d0, d1) -> (0, 0)>
#map1 = affine_map<(d0, d1) -> (0, 0, 0)>
module attributes {stable_mosaic.version = 14 : i64} {
  func.func @k(%arg0: i32, %arg1: i32, %arg2: memref<10240x128xf32, #tpu.memory_space<hbm>>, %arg3: memref<16x160x128xi32, #tpu.memory_space<hbm>>, %arg4: memref<16x160x128xi32, #tpu.memory_space<hbm>>, %arg5: memref<640x64xf32, #tpu.memory_space<hbm>>, %arg6: memref<10240x128xf32, #tpu.memory_space<hbm>>, %arg7: memref<3x128xi32, #tpu.memory_space<vmem>>, %arg8: memref<3x128xi32, #tpu.memory_space<vmem>>, %arg9: memref<2x128xi32, #tpu.memory_space<vmem>>, %arg10: memref<2x128xi32, #tpu.memory_space<vmem>>, %arg11: memref<128x64xf32, #tpu.memory_space<vmem>>, %arg12: memref<128x64xf32, #tpu.memory_space<vmem>>, %arg13: memref<128x64xf32, #tpu.memory_space<vmem>>, %arg14: memref<128x64xf32, #tpu.memory_space<vmem>>, %arg15: memref<128x64xf32, #tpu.memory_space<vmem>>, %arg16: memref<10240x64xf32, #tpu.memory_space<vmem_shared>>, %arg17: memref<10240x64xf32, #tpu.memory_space<vmem_shared>>, %arg18: memref<!tpu.dma_semaphore, #tpu.memory_space<semaphore_mem>>, %arg19: memref<!tpu.dma_semaphore, #tpu.memory_space<semaphore_mem>>, %arg20: memref<!tpu.dma_semaphore, #tpu.memory_space<semaphore_mem>>, %arg21: memref<!tpu.dma_semaphore, #tpu.memory_space<semaphore_mem>>, %arg22: memref<!tpu.dma_semaphore, #tpu.memory_space<semaphore_mem>>, %arg23: memref<!tpu.dma_semaphore, #tpu.memory_space<semaphore_mem>>) attributes {dimension_semantics = [#tpu.dimension_semantics<core_parallel>, #tpu.dimension_semantics<subcore_parallel>], iteration_bounds = array<i64: 2, 16>, scalar_prefetch = 0 : i64, scratch_operands = 17 : i64, tpu.core_type = #tpu.core_type<sc_vector_subcore>, window_params = [{transform_indices = #map}, {transform_indices = #map1}, {transform_indices = #map1}, {transform_indices = #map}, {transform_indices = #map}]} {
    %mul3A = arith.constant 640 : i32
    %mul3A_0 = arith.muli %arg1, %mul3A : i32
    "tpu.region"() ({
      %run_scoped3A = tpu.sem_alloc : memref<!tpu.dma_semaphore, #tpu.memory_space<semaphore_mem>>
      %dma_start3A_189 = arith.constant 0 : i32
      %dma_start3A_190 = tpu.memref_slice %arg16[%mul3A_0, %dma_start3A_189] : memref<10240x64xf32, #tpu.memory_space<vmem_shared>> -> memref<640x64xf32, #tpu.memory_space<vmem_shared>>
      tpu.enqueue_dma source(%arg5 : memref<640x64xf32, #tpu.memory_space<hbm>>) target(%dma_start3A_190 : memref<640x64xf32, #tpu.memory_space<vmem_shared>>) target_semaphore(%run_scoped3A : memref<!tpu.dma_semaphore, #tpu.memory_space<semaphore_mem>>)
      %dma_wait3A_191 = arith.constant 0 : i32
      %dma_wait3A_192 = tpu.memref_slice %arg16[%mul3A_0, %dma_wait3A_191] : memref<10240x64xf32, #tpu.memory_space<vmem_shared>> -> memref<640x64xf32, #tpu.memory_space<vmem_shared>>
      tpu.wait_dma2 semaphore(%run_scoped3A : memref<!tpu.dma_semaphore, #tpu.memory_space<semaphore_mem>>) src(%arg5 : memref<640x64xf32, #tpu.memory_space<hbm>>) dst(%dma_wait3A_192 : memref<640x64xf32, #tpu.memory_space<vmem_shared>>)
      tpu.yield
    }) : () -> ()
    %mul3A_1 = arith.constant 640 : i32
    %mul3A_2 = arith.muli %arg1, %mul3A_1 : i32
    %mul3A_3 = arith.constant 64 : i32
    %mul3A_4 = arith.muli %arg0, %mul3A_3 : i32
    %mul3A_5 = arith.constant 640 : i32
    %mul3A_6 = arith.muli %arg1, %mul3A_5 : i32
    "tpu.region"() ({
      %run_scoped3A = tpu.sem_alloc : memref<!tpu.dma_semaphore, #tpu.memory_space<semaphore_mem>>
      %dma_start3A_189 = arith.constant 0 : i32
      %dma_start3A_190 = tpu.memref_slice %arg17[%mul3A_6, %dma_start3A_189] : memref<10240x64xf32, #tpu.memory_space<vmem_shared>> -> memref<640x64xf32, #tpu.memory_space<vmem_shared>>
      %dma_start3A_191 = tpu.memref_slice %arg2[%mul3A_2, %mul3A_4] : memref<10240x128xf32, #tpu.memory_space<hbm>> -> memref<640x64xf32, #tpu.memory_space<hbm>>
      tpu.enqueue_dma source(%dma_start3A_191 : memref<640x64xf32, #tpu.memory_space<hbm>>) target(%dma_start3A_190 : memref<640x64xf32, #tpu.memory_space<vmem_shared>>) target_semaphore(%run_scoped3A : memref<!tpu.dma_semaphore, #tpu.memory_space<semaphore_mem>>)
      %dma_wait3A_192 = arith.constant 0 : i32
      %dma_wait3A_193 = tpu.memref_slice %arg17[%mul3A_6, %dma_wait3A_192] : memref<10240x64xf32, #tpu.memory_space<vmem_shared>> -> memref<640x64xf32, #tpu.memory_space<vmem_shared>>
      %dma_wait3A_194 = tpu.memref_slice %arg2[%mul3A_2, %mul3A_4] : memref<10240x128xf32, #tpu.memory_space<hbm>> -> memref<640x64xf32, #tpu.memory_space<hbm>>
      tpu.wait_dma2 semaphore(%run_scoped3A : memref<!tpu.dma_semaphore, #tpu.memory_space<semaphore_mem>>) src(%dma_wait3A_194 : memref<640x64xf32, #tpu.memory_space<hbm>>) dst(%dma_wait3A_193 : memref<640x64xf32, #tpu.memory_space<vmem_shared>>)
      tpu.yield
    }) : () -> ()
    %barrier3A = arith.constant 0 : index
    tpu.barrier barrier_id(%barrier3A)
    "tpu.region"() ({
      %run_scoped3A = tpu.sem_alloc : memref<!tpu.dma_semaphore, #tpu.memory_space<semaphore_mem>>
      %dma_start3A_189 = arith.constant 0 : i32
      %dma_start3A_190 = arith.constant 0 : i32
      %dma_start3A_191 = tpu.memref_slice %arg3[%arg1, %dma_start3A_189, %dma_start3A_190] : memref<16x160x128xi32, #tpu.memory_space<hbm>> -> memref<1x3x128xi32, #tpu.memory_space<hbm>>
      %dma_start3A_192 = tpu.memref_squeeze %dma_start3A_191 : memref<1x3x128xi32, #tpu.memory_space<hbm>> -> memref<3x128xi32, #tpu.memory_space<hbm>>
      %dma_start3A_193 = arith.constant 0 : i32
      %dma_start3A_194 = arith.constant 0 : i32
      %dma_start3A_195 = tpu.memref_slice %arg3[%arg1, %dma_start3A_193, %dma_start3A_194] : memref<16x160x128xi32, #tpu.memory_space<hbm>> -> memref<1x3x128xi32, #tpu.memory_space<hbm>>
      %dma_start3A_196 = tpu.memref_squeeze %dma_start3A_195 : memref<1x3x128xi32, #tpu.memory_space<hbm>> -> memref<3x128xi32, #tpu.memory_space<hbm>>
      tpu.enqueue_dma source(%dma_start3A_196 : memref<3x128xi32, #tpu.memory_space<hbm>>) target(%arg7 : memref<3x128xi32, #tpu.memory_space<vmem>>) target_semaphore(%run_scoped3A : memref<!tpu.dma_semaphore, #tpu.memory_space<semaphore_mem>>)
      %dma_wait3A_197 = arith.constant 0 : i32
      %dma_wait3A_198 = arith.constant 0 : i32
      %dma_wait3A_199 = tpu.memref_slice %arg3[%arg1, %dma_wait3A_197, %dma_wait3A_198] : memref<16x160x128xi32, #tpu.memory_space<hbm>> -> memref<1x3x128xi32, #tpu.memory_space<hbm>>
      %dma_wait3A_200 = tpu.memref_squeeze %dma_wait3A_199 : memref<1x3x128xi32, #tpu.memory_space<hbm>> -> memref<3x128xi32, #tpu.memory_space<hbm>>
      %dma_wait3A_201 = arith.constant 0 : i32
      %dma_wait3A_202 = arith.constant 0 : i32
      %dma_wait3A_203 = tpu.memref_slice %arg3[%arg1, %dma_wait3A_201, %dma_wait3A_202] : memref<16x160x128xi32, #tpu.memory_space<hbm>> -> memref<1x3x128xi32, #tpu.memory_space<hbm>>
      %dma_wait3A_204 = tpu.memref_squeeze %dma_wait3A_203 : memref<1x3x128xi32, #tpu.memory_space<hbm>> -> memref<3x128xi32, #tpu.memory_space<hbm>>
      tpu.wait_dma2 semaphore(%run_scoped3A : memref<!tpu.dma_semaphore, #tpu.memory_space<semaphore_mem>>) src(%dma_wait3A_204 : memref<3x128xi32, #tpu.memory_space<hbm>>) dst(%arg7 : memref<3x128xi32, #tpu.memory_space<vmem>>)
      tpu.yield
    }) : () -> ()
    "tpu.region"() ({
      %run_scoped3A = tpu.sem_alloc : memref<!tpu.dma_semaphore, #tpu.memory_space<semaphore_mem>>
      %dma_start3A_189 = arith.constant 0 : i32
      %dma_start3A_190 = arith.constant 0 : i32
      %dma_start3A_191 = tpu.memref_slice %arg4[%arg1, %dma_start3A_189, %dma_start3A_190] : memref<16x160x128xi32, #tpu.memory_space<hbm>> -> memref<1x3x128xi32, #tpu.memory_space<hbm>>
      %dma_start3A_192 = tpu.memref_squeeze %dma_start3A_191 : memref<1x3x128xi32, #tpu.memory_space<hbm>> -> memref<3x128xi32, #tpu.memory_space<hbm>>
      %dma_start3A_193 = arith.constant 0 : i32
      %dma_start3A_194 = arith.constant 0 : i32
      %dma_start3A_195 = tpu.memref_slice %arg4[%arg1, %dma_start3A_193, %dma_start3A_194] : memref<16x160x128xi32, #tpu.memory_space<hbm>> -> memref<1x3x128xi32, #tpu.memory_space<hbm>>
      %dma_start3A_196 = tpu.memref_squeeze %dma_start3A_195 : memref<1x3x128xi32, #tpu.memory_space<hbm>> -> memref<3x128xi32, #tpu.memory_space<hbm>>
      tpu.enqueue_dma source(%dma_start3A_196 : memref<3x128xi32, #tpu.memory_space<hbm>>) target(%arg8 : memref<3x128xi32, #tpu.memory_space<vmem>>) target_semaphore(%run_scoped3A : memref<!tpu.dma_semaphore, #tpu.memory_space<semaphore_mem>>)
      %dma_wait3A_197 = arith.constant 0 : i32
      %dma_wait3A_198 = arith.constant 0 : i32
      %dma_wait3A_199 = tpu.memref_slice %arg4[%arg1, %dma_wait3A_197, %dma_wait3A_198] : memref<16x160x128xi32, #tpu.memory_space<hbm>> -> memref<1x3x128xi32, #tpu.memory_space<hbm>>
      %dma_wait3A_200 = tpu.memref_squeeze %dma_wait3A_199 : memref<1x3x128xi32, #tpu.memory_space<hbm>> -> memref<3x128xi32, #tpu.memory_space<hbm>>
      %dma_wait3A_201 = arith.constant 0 : i32
      %dma_wait3A_202 = arith.constant 0 : i32
      %dma_wait3A_203 = tpu.memref_slice %arg4[%arg1, %dma_wait3A_201, %dma_wait3A_202] : memref<16x160x128xi32, #tpu.memory_space<hbm>> -> memref<1x3x128xi32, #tpu.memory_space<hbm>>
      %dma_wait3A_204 = tpu.memref_squeeze %dma_wait3A_203 : memref<1x3x128xi32, #tpu.memory_space<hbm>> -> memref<3x128xi32, #tpu.memory_space<hbm>>
      tpu.wait_dma2 semaphore(%run_scoped3A : memref<!tpu.dma_semaphore, #tpu.memory_space<semaphore_mem>>) src(%dma_wait3A_204 : memref<3x128xi32, #tpu.memory_space<hbm>>) dst(%arg8 : memref<3x128xi32, #tpu.memory_space<vmem>>)
      tpu.yield
    }) : () -> ()
    %dma_start3A = arith.constant 3 : i32
    %dma_start3A_7 = arith.constant 0 : i32
    %dma_start3A_8 = tpu.memref_slice %arg3[%arg1, %dma_start3A, %dma_start3A_7] : memref<16x160x128xi32, #tpu.memory_space<hbm>> -> memref<1x2x128xi32, #tpu.memory_space<hbm>>
    %dma_start3A_9 = tpu.memref_squeeze %dma_start3A_8 : memref<1x2x128xi32, #tpu.memory_space<hbm>> -> memref<2x128xi32, #tpu.memory_space<hbm>>
    %dma_start3A_10 = arith.constant 3 : i32
    %dma_start3A_11 = arith.constant 0 : i32
    %dma_start3A_12 = tpu.memref_slice %arg3[%arg1, %dma_start3A_10, %dma_start3A_11] : memref<16x160x128xi32, #tpu.memory_space<hbm>> -> memref<1x2x128xi32, #tpu.memory_space<hbm>>
    %dma_start3A_13 = tpu.memref_squeeze %dma_start3A_12 : memref<1x2x128xi32, #tpu.memory_space<hbm>> -> memref<2x128xi32, #tpu.memory_space<hbm>>
    tpu.enqueue_dma source(%dma_start3A_13 : memref<2x128xi32, #tpu.memory_space<hbm>>) target(%arg9 : memref<2x128xi32, #tpu.memory_space<vmem>>) target_semaphore(%arg23 : memref<!tpu.dma_semaphore, #tpu.memory_space<semaphore_mem>>)
    %dma_start3A_14 = arith.constant 3 : i32
    %dma_start3A_15 = arith.constant 0 : i32
    %dma_start3A_16 = tpu.memref_slice %arg4[%arg1, %dma_start3A_14, %dma_start3A_15] : memref<16x160x128xi32, #tpu.memory_space<hbm>> -> memref<1x2x128xi32, #tpu.memory_space<hbm>>
    %dma_start3A_17 = tpu.memref_squeeze %dma_start3A_16 : memref<1x2x128xi32, #tpu.memory_space<hbm>> -> memref<2x128xi32, #tpu.memory_space<hbm>>
    %dma_start3A_18 = arith.constant 3 : i32
    %dma_start3A_19 = arith.constant 0 : i32
    %dma_start3A_20 = tpu.memref_slice %arg4[%arg1, %dma_start3A_18, %dma_start3A_19] : memref<16x160x128xi32, #tpu.memory_space<hbm>> -> memref<1x2x128xi32, #tpu.memory_space<hbm>>
    %dma_start3A_21 = tpu.memref_squeeze %dma_start3A_20 : memref<1x2x128xi32, #tpu.memory_space<hbm>> -> memref<2x128xi32, #tpu.memory_space<hbm>>
    tpu.enqueue_dma source(%dma_start3A_21 : memref<2x128xi32, #tpu.memory_space<hbm>>) target(%arg10 : memref<2x128xi32, #tpu.memory_space<vmem>>) target_semaphore(%arg23 : memref<!tpu.dma_semaphore, #tpu.memory_space<semaphore_mem>>)
    %dma_start3A_22 = arith.constant 0 : i32
    %dma_start3A_23 = arith.constant 0 : i32
    %dma_start3A_24 = tpu.memref_slice %arg7[%dma_start3A_22, %dma_start3A_23] : memref<3x128xi32, #tpu.memory_space<vmem>> -> memref<1x128xi32, #tpu.memory_space<vmem>>
    %dma_start3A_25 = tpu.memref_squeeze %dma_start3A_24 : memref<1x128xi32, #tpu.memory_space<vmem>> -> memref<128xi32, #tpu.memory_space<vmem>>
    %dma_start3A_26 = arith.constant 0 : i32
    %dma_start3A_27 = arith.constant 0 : i32
    %dma_start3A_28 = tpu.memref_slice %arg17[%dma_start3A_26, %dma_start3A_27] : memref<10240x64xf32, #tpu.memory_space<vmem_shared>> -> memref<10240x64xf32, #tpu.memory_space<vmem_shared>>
    tpu.enqueue_indirect_dma source(%dma_start3A_28 : memref<10240x64xf32, #tpu.memory_space<vmem_shared>>) target(%arg11 : memref<128x64xf32, #tpu.memory_space<vmem>>) offsets(%dma_start3A_25 : memref<128xi32, #tpu.memory_space<vmem>>) semaphore(%arg18 : memref<!tpu.dma_semaphore, #tpu.memory_space<semaphore_mem>>)
    %dma_start3A_29 = arith.constant 1 : i32
    %dma_start3A_30 = arith.constant 0 : i32
    %dma_start3A_31 = tpu.memref_slice %arg7[%dma_start3A_29, %dma_start3A_30] : memref<3x128xi32, #tpu.memory_space<vmem>> -> memref<1x128xi32, #tpu.memory_space<vmem>>
    %dma_start3A_32 = tpu.memref_squeeze %dma_start3A_31 : memref<1x128xi32, #tpu.memory_space<vmem>> -> memref<128xi32, #tpu.memory_space<vmem>>
    %dma_start3A_33 = arith.constant 0 : i32
    %dma_start3A_34 = arith.constant 0 : i32
    %dma_start3A_35 = tpu.memref_slice %arg17[%dma_start3A_33, %dma_start3A_34] : memref<10240x64xf32, #tpu.memory_space<vmem_shared>> -> memref<10240x64xf32, #tpu.memory_space<vmem_shared>>
    tpu.enqueue_indirect_dma source(%dma_start3A_35 : memref<10240x64xf32, #tpu.memory_space<vmem_shared>>) target(%arg12 : memref<128x64xf32, #tpu.memory_space<vmem>>) offsets(%dma_start3A_32 : memref<128xi32, #tpu.memory_space<vmem>>) semaphore(%arg18 : memref<!tpu.dma_semaphore, #tpu.memory_space<semaphore_mem>>)
    %dma_start3A_36 = arith.constant 2 : i32
    %dma_start3A_37 = arith.constant 0 : i32
    %dma_start3A_38 = tpu.memref_slice %arg7[%dma_start3A_36, %dma_start3A_37] : memref<3x128xi32, #tpu.memory_space<vmem>> -> memref<1x128xi32, #tpu.memory_space<vmem>>
    %dma_start3A_39 = tpu.memref_squeeze %dma_start3A_38 : memref<1x128xi32, #tpu.memory_space<vmem>> -> memref<128xi32, #tpu.memory_space<vmem>>
    %dma_start3A_40 = arith.constant 0 : i32
    %dma_start3A_41 = arith.constant 0 : i32
    %dma_start3A_42 = tpu.memref_slice %arg17[%dma_start3A_40, %dma_start3A_41] : memref<10240x64xf32, #tpu.memory_space<vmem_shared>> -> memref<10240x64xf32, #tpu.memory_space<vmem_shared>>
    tpu.enqueue_indirect_dma source(%dma_start3A_42 : memref<10240x64xf32, #tpu.memory_space<vmem_shared>>) target(%arg13 : memref<128x64xf32, #tpu.memory_space<vmem>>) offsets(%dma_start3A_39 : memref<128xi32, #tpu.memory_space<vmem>>) semaphore(%arg18 : memref<!tpu.dma_semaphore, #tpu.memory_space<semaphore_mem>>)
    %scan3A = arith.constant 0 : i32
    %scan3A_43 = arith.constant 0 : i32
    %scan3A_44 = arith.constant 31 : i32
    %scan3A_45 = arith.addi %scan3A_43, %scan3A_44 : i32
    %scan3A_46 = arith.constant 1 : i32
    scf.for %scan3A_189 = %scan3A_43 to %scan3A_45 step %scan3A_46  : i32 {
      %mul3A_190 = arith.constant 5 : i32
      %mul3A_191 = arith.muli %scan3A_189, %mul3A_190 : i32
      %add3A = arith.constant 3 : i32
      %add3A_192 = arith.addi %mul3A_191, %add3A : i32
      %dma_wait3A_193 = arith.constant 0 : i32
      %dma_wait3A_194 = tpu.memref_slice %arg3[%arg1, %add3A_192, %dma_wait3A_193] : memref<16x160x128xi32, #tpu.memory_space<hbm>> -> memref<1x2x128xi32, #tpu.memory_space<hbm>>
      %dma_wait3A_195 = tpu.memref_squeeze %dma_wait3A_194 : memref<1x2x128xi32, #tpu.memory_space<hbm>> -> memref<2x128xi32, #tpu.memory_space<hbm>>
      %dma_wait3A_196 = arith.constant 0 : i32
      %dma_wait3A_197 = tpu.memref_slice %arg3[%arg1, %add3A_192, %dma_wait3A_196] : memref<16x160x128xi32, #tpu.memory_space<hbm>> -> memref<1x2x128xi32, #tpu.memory_space<hbm>>
      %dma_wait3A_198 = tpu.memref_squeeze %dma_wait3A_197 : memref<1x2x128xi32, #tpu.memory_space<hbm>> -> memref<2x128xi32, #tpu.memory_space<hbm>>
      tpu.wait_dma2 semaphore(%arg23 : memref<!tpu.dma_semaphore, #tpu.memory_space<semaphore_mem>>) src(%dma_wait3A_198 : memref<2x128xi32, #tpu.memory_space<hbm>>) dst(%arg9 : memref<2x128xi32, #tpu.memory_space<vmem>>)
      %mul3A_199 = arith.constant 5 : i32
      %mul3A_200 = arith.muli %scan3A_189, %mul3A_199 : i32
      %add3A_201 = arith.constant 3 : i32
      %add3A_202 = arith.addi %mul3A_200, %add3A_201 : i32
      %dma_wait3A_203 = arith.constant 0 : i32
      %dma_wait3A_204 = tpu.memref_slice %arg4[%arg1, %add3A_202, %dma_wait3A_203] : memref<16x160x128xi32, #tpu.memory_space<hbm>> -> memref<1x2x128xi32, #tpu.memory_space<hbm>>
      %dma_wait3A_205 = tpu.memref_squeeze %dma_wait3A_204 : memref<1x2x128xi32, #tpu.memory_space<hbm>> -> memref<2x128xi32, #tpu.memory_space<hbm>>
      %dma_wait3A_206 = arith.constant 0 : i32
      %dma_wait3A_207 = tpu.memref_slice %arg4[%arg1, %add3A_202, %dma_wait3A_206] : memref<16x160x128xi32, #tpu.memory_space<hbm>> -> memref<1x2x128xi32, #tpu.memory_space<hbm>>
      %dma_wait3A_208 = tpu.memref_squeeze %dma_wait3A_207 : memref<1x2x128xi32, #tpu.memory_space<hbm>> -> memref<2x128xi32, #tpu.memory_space<hbm>>
      tpu.wait_dma2 semaphore(%arg23 : memref<!tpu.dma_semaphore, #tpu.memory_space<semaphore_mem>>) src(%dma_wait3A_208 : memref<2x128xi32, #tpu.memory_space<hbm>>) dst(%arg10 : memref<2x128xi32, #tpu.memory_space<vmem>>)
      %dma_start3A_209 = arith.constant 0 : i32
      %dma_start3A_210 = arith.constant 0 : i32
      %dma_start3A_211 = tpu.memref_slice %arg9[%dma_start3A_209, %dma_start3A_210] : memref<2x128xi32, #tpu.memory_space<vmem>> -> memref<1x128xi32, #tpu.memory_space<vmem>>
      %dma_start3A_212 = tpu.memref_squeeze %dma_start3A_211 : memref<1x128xi32, #tpu.memory_space<vmem>> -> memref<128xi32, #tpu.memory_space<vmem>>
      %dma_start3A_213 = arith.constant 0 : i32
      %dma_start3A_214 = arith.constant 0 : i32
      %dma_start3A_215 = tpu.memref_slice %arg17[%dma_start3A_213, %dma_start3A_214] : memref<10240x64xf32, #tpu.memory_space<vmem_shared>> -> memref<10240x64xf32, #tpu.memory_space<vmem_shared>>
      tpu.enqueue_indirect_dma source(%dma_start3A_215 : memref<10240x64xf32, #tpu.memory_space<vmem_shared>>) target(%arg14 : memref<128x64xf32, #tpu.memory_space<vmem>>) offsets(%dma_start3A_212 : memref<128xi32, #tpu.memory_space<vmem>>) semaphore(%arg20 : memref<!tpu.dma_semaphore, #tpu.memory_space<semaphore_mem>>)
      %dma_start3A_216 = arith.constant 1 : i32
      %dma_start3A_217 = arith.constant 0 : i32
      %dma_start3A_218 = tpu.memref_slice %arg9[%dma_start3A_216, %dma_start3A_217] : memref<2x128xi32, #tpu.memory_space<vmem>> -> memref<1x128xi32, #tpu.memory_space<vmem>>
      %dma_start3A_219 = tpu.memref_squeeze %dma_start3A_218 : memref<1x128xi32, #tpu.memory_space<vmem>> -> memref<128xi32, #tpu.memory_space<vmem>>
      %dma_start3A_220 = arith.constant 0 : i32
      %dma_start3A_221 = arith.constant 0 : i32
      %dma_start3A_222 = tpu.memref_slice %arg17[%dma_start3A_220, %dma_start3A_221] : memref<10240x64xf32, #tpu.memory_space<vmem_shared>> -> memref<10240x64xf32, #tpu.memory_space<vmem_shared>>
      tpu.enqueue_indirect_dma source(%dma_start3A_222 : memref<10240x64xf32, #tpu.memory_space<vmem_shared>>) target(%arg15 : memref<128x64xf32, #tpu.memory_space<vmem>>) offsets(%dma_start3A_219 : memref<128xi32, #tpu.memory_space<vmem>>) semaphore(%arg20 : memref<!tpu.dma_semaphore, #tpu.memory_space<semaphore_mem>>)
      %dma_wait3A_223 = arith.constant 0 : i32
      %dma_wait3A_224 = arith.constant 0 : i32
      %dma_wait3A_225 = tpu.memref_slice %arg7[%dma_wait3A_223, %dma_wait3A_224] : memref<3x128xi32, #tpu.memory_space<vmem>> -> memref<1x128xi32, #tpu.memory_space<vmem>>
      %dma_wait3A_226 = tpu.memref_squeeze %dma_wait3A_225 : memref<1x128xi32, #tpu.memory_space<vmem>> -> memref<128xi32, #tpu.memory_space<vmem>>
      %dma_wait3A_227 = arith.constant 0 : i32
      %dma_wait3A_228 = arith.constant 0 : i32
      %dma_wait3A_229 = tpu.memref_slice %arg17[%dma_wait3A_227, %dma_wait3A_228] : memref<10240x64xf32, #tpu.memory_space<vmem_shared>> -> memref<10240x64xf32, #tpu.memory_space<vmem_shared>>
      tpu.wait_indirect_dma semaphore(%arg18 : memref<!tpu.dma_semaphore, #tpu.memory_space<semaphore_mem>>) src(%dma_wait3A_229 : memref<10240x64xf32, #tpu.memory_space<vmem_shared>>) dst(%arg11 : memref<128x64xf32, #tpu.memory_space<vmem>>)
      %dma_wait3A_230 = arith.constant 1 : i32
      %dma_wait3A_231 = arith.constant 0 : i32
      %dma_wait3A_232 = tpu.memref_slice %arg7[%dma_wait3A_230, %dma_wait3A_231] : memref<3x128xi32, #tpu.memory_space<vmem>> -> memref<1x128xi32, #tpu.memory_space<vmem>>
      %dma_wait3A_233 = tpu.memref_squeeze %dma_wait3A_232 : memref<1x128xi32, #tpu.memory_space<vmem>> -> memref<128xi32, #tpu.memory_space<vmem>>
      %dma_wait3A_234 = arith.constant 0 : i32
      %dma_wait3A_235 = arith.constant 0 : i32
      %dma_wait3A_236 = tpu.memref_slice %arg17[%dma_wait3A_234, %dma_wait3A_235] : memref<10240x64xf32, #tpu.memory_space<vmem_shared>> -> memref<10240x64xf32, #tpu.memory_space<vmem_shared>>
      tpu.wait_indirect_dma semaphore(%arg18 : memref<!tpu.dma_semaphore, #tpu.memory_space<semaphore_mem>>) src(%dma_wait3A_236 : memref<10240x64xf32, #tpu.memory_space<vmem_shared>>) dst(%arg12 : memref<128x64xf32, #tpu.memory_space<vmem>>)
      %dma_wait3A_237 = arith.constant 2 : i32
      %dma_wait3A_238 = arith.constant 0 : i32
      %dma_wait3A_239 = tpu.memref_slice %arg7[%dma_wait3A_237, %dma_wait3A_238] : memref<3x128xi32, #tpu.memory_space<vmem>> -> memref<1x128xi32, #tpu.memory_space<vmem>>
      %dma_wait3A_240 = tpu.memref_squeeze %dma_wait3A_239 : memref<1x128xi32, #tpu.memory_space<vmem>> -> memref<128xi32, #tpu.memory_space<vmem>>
      %dma_wait3A_241 = arith.constant 0 : i32
      %dma_wait3A_242 = arith.constant 0 : i32
      %dma_wait3A_243 = tpu.memref_slice %arg17[%dma_wait3A_241, %dma_wait3A_242] : memref<10240x64xf32, #tpu.memory_space<vmem_shared>> -> memref<10240x64xf32, #tpu.memory_space<vmem_shared>>
      tpu.wait_indirect_dma semaphore(%arg18 : memref<!tpu.dma_semaphore, #tpu.memory_space<semaphore_mem>>) src(%dma_wait3A_243 : memref<10240x64xf32, #tpu.memory_space<vmem_shared>>) dst(%arg13 : memref<128x64xf32, #tpu.memory_space<vmem>>)
      %add3A_244 = arith.constant 1 : i32
      %add3A_245 = arith.addi %scan3A_189, %add3A_244 : i32
      %mul3A_246 = arith.constant 5 : i32
      %mul3A_247 = arith.muli %add3A_245, %mul3A_246 : i32
      %add3A_248 = arith.constant 0 : i32
      %add3A_249 = arith.addi %mul3A_247, %add3A_248 : i32
      %dma_start3A_250 = arith.constant 0 : i32
      %dma_start3A_251 = tpu.memref_slice %arg3[%arg1, %add3A_249, %dma_start3A_250] : memref<16x160x128xi32, #tpu.memory_space<hbm>> -> memref<1x3x128xi32, #tpu.memory_space<hbm>>
      %dma_start3A_252 = tpu.memref_squeeze %dma_start3A_251 : memref<1x3x128xi32, #tpu.memory_space<hbm>> -> memref<3x128xi32, #tpu.memory_space<hbm>>
      %dma_start3A_253 = arith.constant 0 : i32
      %dma_start3A_254 = tpu.memref_slice %arg3[%arg1, %add3A_249, %dma_start3A_253] : memref<16x160x128xi32, #tpu.memory_space<hbm>> -> memref<1x3x128xi32, #tpu.memory_space<hbm>>
      %dma_start3A_255 = tpu.memref_squeeze %dma_start3A_254 : memref<1x3x128xi32, #tpu.memory_space<hbm>> -> memref<3x128xi32, #tpu.memory_space<hbm>>
      tpu.enqueue_dma source(%dma_start3A_255 : memref<3x128xi32, #tpu.memory_space<hbm>>) target(%arg7 : memref<3x128xi32, #tpu.memory_space<vmem>>) target_semaphore(%arg22 : memref<!tpu.dma_semaphore, #tpu.memory_space<semaphore_mem>>)
      %dma_start3A_256 = arith.constant 0 : i32
      %dma_start3A_257 = arith.constant 0 : i32
      %dma_start3A_258 = tpu.memref_slice %arg8[%dma_start3A_256, %dma_start3A_257] : memref<3x128xi32, #tpu.memory_space<vmem>> -> memref<1x128xi32, #tpu.memory_space<vmem>>
      %dma_start3A_259 = tpu.memref_squeeze %dma_start3A_258 : memref<1x128xi32, #tpu.memory_space<vmem>> -> memref<128xi32, #tpu.memory_space<vmem>>
      %dma_start3A_260 = arith.constant 0 : i32
      %dma_start3A_261 = arith.constant 0 : i32
      %dma_start3A_262 = tpu.memref_slice %arg16[%dma_start3A_260, %dma_start3A_261] : memref<10240x64xf32, #tpu.memory_space<vmem_shared>> -> memref<10240x64xf32, #tpu.memory_space<vmem_shared>>
      tpu.enqueue_indirect_dma source(%arg11 : memref<128x64xf32, #tpu.memory_space<vmem>>) target(%dma_start3A_262 : memref<10240x64xf32, #tpu.memory_space<vmem_shared>>) offsets(%dma_start3A_259 : memref<128xi32, #tpu.memory_space<vmem>>) semaphore(%arg19 : memref<!tpu.dma_semaphore, #tpu.memory_space<semaphore_mem>>) {add = true}
      %dma_start3A_263 = arith.constant 1 : i32
      %dma_start3A_264 = arith.constant 0 : i32
      %dma_start3A_265 = tpu.memref_slice %arg8[%dma_start3A_263, %dma_start3A_264] : memref<3x128xi32, #tpu.memory_space<vmem>> -> memref<1x128xi32, #tpu.memory_space<vmem>>
      %dma_start3A_266 = tpu.memref_squeeze %dma_start3A_265 : memref<1x128xi32, #tpu.memory_space<vmem>> -> memref<128xi32, #tpu.memory_space<vmem>>
      %dma_start3A_267 = arith.constant 0 : i32
      %dma_start3A_268 = arith.constant 0 : i32
      %dma_start3A_269 = tpu.memref_slice %arg16[%dma_start3A_267, %dma_start3A_268] : memref<10240x64xf32, #tpu.memory_space<vmem_shared>> -> memref<10240x64xf32, #tpu.memory_space<vmem_shared>>
      tpu.enqueue_indirect_dma source(%arg12 : memref<128x64xf32, #tpu.memory_space<vmem>>) target(%dma_start3A_269 : memref<10240x64xf32, #tpu.memory_space<vmem_shared>>) offsets(%dma_start3A_266 : memref<128xi32, #tpu.memory_space<vmem>>) semaphore(%arg19 : memref<!tpu.dma_semaphore, #tpu.memory_space<semaphore_mem>>) {add = true}
      %dma_start3A_270 = arith.constant 2 : i32
      %dma_start3A_271 = arith.constant 0 : i32
      %dma_start3A_272 = tpu.memref_slice %arg8[%dma_start3A_270, %dma_start3A_271] : memref<3x128xi32, #tpu.memory_space<vmem>> -> memref<1x128xi32, #tpu.memory_space<vmem>>
      %dma_start3A_273 = tpu.memref_squeeze %dma_start3A_272 : memref<1x128xi32, #tpu.memory_space<vmem>> -> memref<128xi32, #tpu.memory_space<vmem>>
      %dma_start3A_274 = arith.constant 0 : i32
      %dma_start3A_275 = arith.constant 0 : i32
      %dma_start3A_276 = tpu.memref_slice %arg16[%dma_start3A_274, %dma_start3A_275] : memref<10240x64xf32, #tpu.memory_space<vmem_shared>> -> memref<10240x64xf32, #tpu.memory_space<vmem_shared>>
      tpu.enqueue_indirect_dma source(%arg13 : memref<128x64xf32, #tpu.memory_space<vmem>>) target(%dma_start3A_276 : memref<10240x64xf32, #tpu.memory_space<vmem_shared>>) offsets(%dma_start3A_273 : memref<128xi32, #tpu.memory_space<vmem>>) semaphore(%arg19 : memref<!tpu.dma_semaphore, #tpu.memory_space<semaphore_mem>>) {add = true}
      %dma_wait3A_277 = arith.constant 0 : i32
      %dma_wait3A_278 = arith.constant 0 : i32
      %dma_wait3A_279 = tpu.memref_slice %arg8[%dma_wait3A_277, %dma_wait3A_278] : memref<3x128xi32, #tpu.memory_space<vmem>> -> memref<1x128xi32, #tpu.memory_space<vmem>>
      %dma_wait3A_280 = tpu.memref_squeeze %dma_wait3A_279 : memref<1x128xi32, #tpu.memory_space<vmem>> -> memref<128xi32, #tpu.memory_space<vmem>>
      %dma_wait3A_281 = arith.constant 0 : i32
      %dma_wait3A_282 = arith.constant 0 : i32
      %dma_wait3A_283 = tpu.memref_slice %arg16[%dma_wait3A_281, %dma_wait3A_282] : memref<10240x64xf32, #tpu.memory_space<vmem_shared>> -> memref<10240x64xf32, #tpu.memory_space<vmem_shared>>
      tpu.wait_indirect_dma semaphore(%arg19 : memref<!tpu.dma_semaphore, #tpu.memory_space<semaphore_mem>>) src(%arg11 : memref<128x64xf32, #tpu.memory_space<vmem>>) dst(%dma_wait3A_283 : memref<10240x64xf32, #tpu.memory_space<vmem_shared>>)
      %dma_wait3A_284 = arith.constant 1 : i32
      %dma_wait3A_285 = arith.constant 0 : i32
      %dma_wait3A_286 = tpu.memref_slice %arg8[%dma_wait3A_284, %dma_wait3A_285] : memref<3x128xi32, #tpu.memory_space<vmem>> -> memref<1x128xi32, #tpu.memory_space<vmem>>
      %dma_wait3A_287 = tpu.memref_squeeze %dma_wait3A_286 : memref<1x128xi32, #tpu.memory_space<vmem>> -> memref<128xi32, #tpu.memory_space<vmem>>
      %dma_wait3A_288 = arith.constant 0 : i32
      %dma_wait3A_289 = arith.constant 0 : i32
      %dma_wait3A_290 = tpu.memref_slice %arg16[%dma_wait3A_288, %dma_wait3A_289] : memref<10240x64xf32, #tpu.memory_space<vmem_shared>> -> memref<10240x64xf32, #tpu.memory_space<vmem_shared>>
      tpu.wait_indirect_dma semaphore(%arg19 : memref<!tpu.dma_semaphore, #tpu.memory_space<semaphore_mem>>) src(%arg12 : memref<128x64xf32, #tpu.memory_space<vmem>>) dst(%dma_wait3A_290 : memref<10240x64xf32, #tpu.memory_space<vmem_shared>>)
      %dma_wait3A_291 = arith.constant 2 : i32
      %dma_wait3A_292 = arith.constant 0 : i32
      %dma_wait3A_293 = tpu.memref_slice %arg8[%dma_wait3A_291, %dma_wait3A_292] : memref<3x128xi32, #tpu.memory_space<vmem>> -> memref<1x128xi32, #tpu.memory_space<vmem>>
      %dma_wait3A_294 = tpu.memref_squeeze %dma_wait3A_293 : memref<1x128xi32, #tpu.memory_space<vmem>> -> memref<128xi32, #tpu.memory_space<vmem>>
      %dma_wait3A_295 = arith.constant 0 : i32
      %dma_wait3A_296 = arith.constant 0 : i32
      %dma_wait3A_297 = tpu.memref_slice %arg16[%dma_wait3A_295, %dma_wait3A_296] : memref<10240x64xf32, #tpu.memory_space<vmem_shared>> -> memref<10240x64xf32, #tpu.memory_space<vmem_shared>>
      tpu.wait_indirect_dma semaphore(%arg19 : memref<!tpu.dma_semaphore, #tpu.memory_space<semaphore_mem>>) src(%arg13 : memref<128x64xf32, #tpu.memory_space<vmem>>) dst(%dma_wait3A_297 : memref<10240x64xf32, #tpu.memory_space<vmem_shared>>)
      %add3A_298 = arith.constant 1 : i32
      %add3A_299 = arith.addi %scan3A_189, %add3A_298 : i32
      %mul3A_300 = arith.constant 5 : i32
      %mul3A_301 = arith.muli %add3A_299, %mul3A_300 : i32
      %add3A_302 = arith.constant 0 : i32
      %add3A_303 = arith.addi %mul3A_301, %add3A_302 : i32
      %dma_start3A_304 = arith.constant 0 : i32
      %dma_start3A_305 = tpu.memref_slice %arg4[%arg1, %add3A_303, %dma_start3A_304] : memref<16x160x128xi32, #tpu.memory_space<hbm>> -> memref<1x3x128xi32, #tpu.memory_space<hbm>>
      %dma_start3A_306 = tpu.memref_squeeze %dma_start3A_305 : memref<1x3x128xi32, #tpu.memory_space<hbm>> -> memref<3x128xi32, #tpu.memory_space<hbm>>
      %dma_start3A_307 = arith.constant 0 : i32
      %dma_start3A_308 = tpu.memref_slice %arg4[%arg1, %add3A_303, %dma_start3A_307] : memref<16x160x128xi32, #tpu.memory_space<hbm>> -> memref<1x3x128xi32, #tpu.memory_space<hbm>>
      %dma_start3A_309 = tpu.memref_squeeze %dma_start3A_308 : memref<1x3x128xi32, #tpu.memory_space<hbm>> -> memref<3x128xi32, #tpu.memory_space<hbm>>
      tpu.enqueue_dma source(%dma_start3A_309 : memref<3x128xi32, #tpu.memory_space<hbm>>) target(%arg8 : memref<3x128xi32, #tpu.memory_space<vmem>>) target_semaphore(%arg22 : memref<!tpu.dma_semaphore, #tpu.memory_space<semaphore_mem>>)
      %add3A_310 = arith.constant 1 : i32
      %add3A_311 = arith.addi %scan3A_189, %add3A_310 : i32
      %mul3A_312 = arith.constant 5 : i32
      %mul3A_313 = arith.muli %add3A_311, %mul3A_312 : i32
      %add3A_314 = arith.constant 0 : i32
      %add3A_315 = arith.addi %mul3A_313, %add3A_314 : i32
      %dma_wait3A_316 = arith.constant 0 : i32
      %dma_wait3A_317 = tpu.memref_slice %arg3[%arg1, %add3A_315, %dma_wait3A_316] : memref<16x160x128xi32, #tpu.memory_space<hbm>> -> memref<1x3x128xi32, #tpu.memory_space<hbm>>
      %dma_wait3A_318 = tpu.memref_squeeze %dma_wait3A_317 : memref<1x3x128xi32, #tpu.memory_space<hbm>> -> memref<3x128xi32, #tpu.memory_space<hbm>>
      %dma_wait3A_319 = arith.constant 0 : i32
      %dma_wait3A_320 = tpu.memref_slice %arg3[%arg1, %add3A_315, %dma_wait3A_319] : memref<16x160x128xi32, #tpu.memory_space<hbm>> -> memref<1x3x128xi32, #tpu.memory_space<hbm>>
      %dma_wait3A_321 = tpu.memref_squeeze %dma_wait3A_320 : memref<1x3x128xi32, #tpu.memory_space<hbm>> -> memref<3x128xi32, #tpu.memory_space<hbm>>
      tpu.wait_dma2 semaphore(%arg22 : memref<!tpu.dma_semaphore, #tpu.memory_space<semaphore_mem>>) src(%dma_wait3A_321 : memref<3x128xi32, #tpu.memory_space<hbm>>) dst(%arg7 : memref<3x128xi32, #tpu.memory_space<vmem>>)
      %add3A_322 = arith.constant 1 : i32
      %add3A_323 = arith.addi %scan3A_189, %add3A_322 : i32
      %mul3A_324 = arith.constant 5 : i32
      %mul3A_325 = arith.muli %add3A_323, %mul3A_324 : i32
      %add3A_326 = arith.constant 0 : i32
      %add3A_327 = arith.addi %mul3A_325, %add3A_326 : i32
      %dma_wait3A_328 = arith.constant 0 : i32
      %dma_wait3A_329 = tpu.memref_slice %arg4[%arg1, %add3A_327, %dma_wait3A_328] : memref<16x160x128xi32, #tpu.memory_space<hbm>> -> memref<1x3x128xi32, #tpu.memory_space<hbm>>
      %dma_wait3A_330 = tpu.memref_squeeze %dma_wait3A_329 : memref<1x3x128xi32, #tpu.memory_space<hbm>> -> memref<3x128xi32, #tpu.memory_space<hbm>>
      %dma_wait3A_331 = arith.constant 0 : i32
      %dma_wait3A_332 = tpu.memref_slice %arg4[%arg1, %add3A_327, %dma_wait3A_331] : memref<16x160x128xi32, #tpu.memory_space<hbm>> -> memref<1x3x128xi32, #tpu.memory_space<hbm>>
      %dma_wait3A_333 = tpu.memref_squeeze %dma_wait3A_332 : memref<1x3x128xi32, #tpu.memory_space<hbm>> -> memref<3x128xi32, #tpu.memory_space<hbm>>
      tpu.wait_dma2 semaphore(%arg22 : memref<!tpu.dma_semaphore, #tpu.memory_space<semaphore_mem>>) src(%dma_wait3A_333 : memref<3x128xi32, #tpu.memory_space<hbm>>) dst(%arg8 : memref<3x128xi32, #tpu.memory_space<vmem>>)
      %dma_start3A_334 = arith.constant 0 : i32
      %dma_start3A_335 = arith.constant 0 : i32
      %dma_start3A_336 = tpu.memref_slice %arg7[%dma_start3A_334, %dma_start3A_335] : memref<3x128xi32, #tpu.memory_space<vmem>> -> memref<1x128xi32, #tpu.memory_space<vmem>>
      %dma_start3A_337 = tpu.memref_squeeze %dma_start3A_336 : memref<1x128xi32, #tpu.memory_space<vmem>> -> memref<128xi32, #tpu.memory_space<vmem>>
      %dma_start3A_338 = arith.constant 0 : i32
      %dma_start3A_339 = arith.constant 0 : i32
      %dma_start3A_340 = tpu.memref_slice %arg17[%dma_start3A_338, %dma_start3A_339] : memref<10240x64xf32, #tpu.memory_space<vmem_shared>> -> memref<10240x64xf32, #tpu.memory_space<vmem_shared>>
      tpu.enqueue_indirect_dma source(%dma_start3A_340 : memref<10240x64xf32, #tpu.memory_space<vmem_shared>>) target(%arg11 : memref<128x64xf32, #tpu.memory_space<vmem>>) offsets(%dma_start3A_337 : memref<128xi32, #tpu.memory_space<vmem>>) semaphore(%arg18 : memref<!tpu.dma_semaphore, #tpu.memory_space<semaphore_mem>>)
      %dma_start3A_341 = arith.constant 1 : i32
      %dma_start3A_342 = arith.constant 0 : i32
      %dma_start3A_343 = tpu.memref_slice %arg7[%dma_start3A_341, %dma_start3A_342] : memref<3x128xi32, #tpu.memory_space<vmem>> -> memref<1x128xi32, #tpu.memory_space<vmem>>
      %dma_start3A_344 = tpu.memref_squeeze %dma_start3A_343 : memref<1x128xi32, #tpu.memory_space<vmem>> -> memref<128xi32, #tpu.memory_space<vmem>>
      %dma_start3A_345 = arith.constant 0 : i32
      %dma_start3A_346 = arith.constant 0 : i32
      %dma_start3A_347 = tpu.memref_slice %arg17[%dma_start3A_345, %dma_start3A_346] : memref<10240x64xf32, #tpu.memory_space<vmem_shared>> -> memref<10240x64xf32, #tpu.memory_space<vmem_shared>>
      tpu.enqueue_indirect_dma source(%dma_start3A_347 : memref<10240x64xf32, #tpu.memory_space<vmem_shared>>) target(%arg12 : memref<128x64xf32, #tpu.memory_space<vmem>>) offsets(%dma_start3A_344 : memref<128xi32, #tpu.memory_space<vmem>>) semaphore(%arg18 : memref<!tpu.dma_semaphore, #tpu.memory_space<semaphore_mem>>)
      %dma_start3A_348 = arith.constant 2 : i32
      %dma_start3A_349 = arith.constant 0 : i32
      %dma_start3A_350 = tpu.memref_slice %arg7[%dma_start3A_348, %dma_start3A_349] : memref<3x128xi32, #tpu.memory_space<vmem>> -> memref<1x128xi32, #tpu.memory_space<vmem>>
      %dma_start3A_351 = tpu.memref_squeeze %dma_start3A_350 : memref<1x128xi32, #tpu.memory_space<vmem>> -> memref<128xi32, #tpu.memory_space<vmem>>
      %dma_start3A_352 = arith.constant 0 : i32
      %dma_start3A_353 = arith.constant 0 : i32
      %dma_start3A_354 = tpu.memref_slice %arg17[%dma_start3A_352, %dma_start3A_353] : memref<10240x64xf32, #tpu.memory_space<vmem_shared>> -> memref<10240x64xf32, #tpu.memory_space<vmem_shared>>
      tpu.enqueue_indirect_dma source(%dma_start3A_354 : memref<10240x64xf32, #tpu.memory_space<vmem_shared>>) target(%arg13 : memref<128x64xf32, #tpu.memory_space<vmem>>) offsets(%dma_start3A_351 : memref<128xi32, #tpu.memory_space<vmem>>) semaphore(%arg18 : memref<!tpu.dma_semaphore, #tpu.memory_space<semaphore_mem>>)
      %dma_wait3A_355 = arith.constant 0 : i32
      %dma_wait3A_356 = arith.constant 0 : i32
      %dma_wait3A_357 = tpu.memref_slice %arg9[%dma_wait3A_355, %dma_wait3A_356] : memref<2x128xi32, #tpu.memory_space<vmem>> -> memref<1x128xi32, #tpu.memory_space<vmem>>
      %dma_wait3A_358 = tpu.memref_squeeze %dma_wait3A_357 : memref<1x128xi32, #tpu.memory_space<vmem>> -> memref<128xi32, #tpu.memory_space<vmem>>
      %dma_wait3A_359 = arith.constant 0 : i32
      %dma_wait3A_360 = arith.constant 0 : i32
      %dma_wait3A_361 = tpu.memref_slice %arg17[%dma_wait3A_359, %dma_wait3A_360] : memref<10240x64xf32, #tpu.memory_space<vmem_shared>> -> memref<10240x64xf32, #tpu.memory_space<vmem_shared>>
      tpu.wait_indirect_dma semaphore(%arg20 : memref<!tpu.dma_semaphore, #tpu.memory_space<semaphore_mem>>) src(%dma_wait3A_361 : memref<10240x64xf32, #tpu.memory_space<vmem_shared>>) dst(%arg14 : memref<128x64xf32, #tpu.memory_space<vmem>>)
      %dma_wait3A_362 = arith.constant 1 : i32
      %dma_wait3A_363 = arith.constant 0 : i32
      %dma_wait3A_364 = tpu.memref_slice %arg9[%dma_wait3A_362, %dma_wait3A_363] : memref<2x128xi32, #tpu.memory_space<vmem>> -> memref<1x128xi32, #tpu.memory_space<vmem>>
      %dma_wait3A_365 = tpu.memref_squeeze %dma_wait3A_364 : memref<1x128xi32, #tpu.memory_space<vmem>> -> memref<128xi32, #tpu.memory_space<vmem>>
      %dma_wait3A_366 = arith.constant 0 : i32
      %dma_wait3A_367 = arith.constant 0 : i32
      %dma_wait3A_368 = tpu.memref_slice %arg17[%dma_wait3A_366, %dma_wait3A_367] : memref<10240x64xf32, #tpu.memory_space<vmem_shared>> -> memref<10240x64xf32, #tpu.memory_space<vmem_shared>>
      tpu.wait_indirect_dma semaphore(%arg20 : memref<!tpu.dma_semaphore, #tpu.memory_space<semaphore_mem>>) src(%dma_wait3A_368 : memref<10240x64xf32, #tpu.memory_space<vmem_shared>>) dst(%arg15 : memref<128x64xf32, #tpu.memory_space<vmem>>)
      %dma_start3A_369 = arith.constant 0 : i32
      %dma_start3A_370 = arith.constant 0 : i32
      %dma_start3A_371 = tpu.memref_slice %arg10[%dma_start3A_369, %dma_start3A_370] : memref<2x128xi32, #tpu.memory_space<vmem>> -> memref<1x128xi32, #tpu.memory_space<vmem>>
      %dma_start3A_372 = tpu.memref_squeeze %dma_start3A_371 : memref<1x128xi32, #tpu.memory_space<vmem>> -> memref<128xi32, #tpu.memory_space<vmem>>
      %dma_start3A_373 = arith.constant 0 : i32
      %dma_start3A_374 = arith.constant 0 : i32
      %dma_start3A_375 = tpu.memref_slice %arg16[%dma_start3A_373, %dma_start3A_374] : memref<10240x64xf32, #tpu.memory_space<vmem_shared>> -> memref<10240x64xf32, #tpu.memory_space<vmem_shared>>
      tpu.enqueue_indirect_dma source(%arg14 : memref<128x64xf32, #tpu.memory_space<vmem>>) target(%dma_start3A_375 : memref<10240x64xf32, #tpu.memory_space<vmem_shared>>) offsets(%dma_start3A_372 : memref<128xi32, #tpu.memory_space<vmem>>) semaphore(%arg21 : memref<!tpu.dma_semaphore, #tpu.memory_space<semaphore_mem>>) {add = true}
      %dma_start3A_376 = arith.constant 1 : i32
      %dma_start3A_377 = arith.constant 0 : i32
      %dma_start3A_378 = tpu.memref_slice %arg10[%dma_start3A_376, %dma_start3A_377] : memref<2x128xi32, #tpu.memory_space<vmem>> -> memref<1x128xi32, #tpu.memory_space<vmem>>
      %dma_start3A_379 = tpu.memref_squeeze %dma_start3A_378 : memref<1x128xi32, #tpu.memory_space<vmem>> -> memref<128xi32, #tpu.memory_space<vmem>>
      %dma_start3A_380 = arith.constant 0 : i32
      %dma_start3A_381 = arith.constant 0 : i32
      %dma_start3A_382 = tpu.memref_slice %arg16[%dma_start3A_380, %dma_start3A_381] : memref<10240x64xf32, #tpu.memory_space<vmem_shared>> -> memref<10240x64xf32, #tpu.memory_space<vmem_shared>>
      tpu.enqueue_indirect_dma source(%arg15 : memref<128x64xf32, #tpu.memory_space<vmem>>) target(%dma_start3A_382 : memref<10240x64xf32, #tpu.memory_space<vmem_shared>>) offsets(%dma_start3A_379 : memref<128xi32, #tpu.memory_space<vmem>>) semaphore(%arg21 : memref<!tpu.dma_semaphore, #tpu.memory_space<semaphore_mem>>) {add = true}
      %dma_wait3A_383 = arith.constant 0 : i32
      %dma_wait3A_384 = arith.constant 0 : i32
      %dma_wait3A_385 = tpu.memref_slice %arg10[%dma_wait3A_383, %dma_wait3A_384] : memref<2x128xi32, #tpu.memory_space<vmem>> -> memref<1x128xi32, #tpu.memory_space<vmem>>
      %dma_wait3A_386 = tpu.memref_squeeze %dma_wait3A_385 : memref<1x128xi32, #tpu.memory_space<vmem>> -> memref<128xi32, #tpu.memory_space<vmem>>
      %dma_wait3A_387 = arith.constant 0 : i32
      %dma_wait3A_388 = arith.constant 0 : i32
      %dma_wait3A_389 = tpu.memref_slice %arg16[%dma_wait3A_387, %dma_wait3A_388] : memref<10240x64xf32, #tpu.memory_space<vmem_shared>> -> memref<10240x64xf32, #tpu.memory_space<vmem_shared>>
      tpu.wait_indirect_dma semaphore(%arg21 : memref<!tpu.dma_semaphore, #tpu.memory_space<semaphore_mem>>) src(%arg14 : memref<128x64xf32, #tpu.memory_space<vmem>>) dst(%dma_wait3A_389 : memref<10240x64xf32, #tpu.memory_space<vmem_shared>>)
      %dma_wait3A_390 = arith.constant 1 : i32
      %dma_wait3A_391 = arith.constant 0 : i32
      %dma_wait3A_392 = tpu.memref_slice %arg10[%dma_wait3A_390, %dma_wait3A_391] : memref<2x128xi32, #tpu.memory_space<vmem>> -> memref<1x128xi32, #tpu.memory_space<vmem>>
      %dma_wait3A_393 = tpu.memref_squeeze %dma_wait3A_392 : memref<1x128xi32, #tpu.memory_space<vmem>> -> memref<128xi32, #tpu.memory_space<vmem>>
      %dma_wait3A_394 = arith.constant 0 : i32
      %dma_wait3A_395 = arith.constant 0 : i32
      %dma_wait3A_396 = tpu.memref_slice %arg16[%dma_wait3A_394, %dma_wait3A_395] : memref<10240x64xf32, #tpu.memory_space<vmem_shared>> -> memref<10240x64xf32, #tpu.memory_space<vmem_shared>>
      tpu.wait_indirect_dma semaphore(%arg21 : memref<!tpu.dma_semaphore, #tpu.memory_space<semaphore_mem>>) src(%arg15 : memref<128x64xf32, #tpu.memory_space<vmem>>) dst(%dma_wait3A_396 : memref<10240x64xf32, #tpu.memory_space<vmem_shared>>)
      %add3A_397 = arith.constant 1 : i32
      %add3A_398 = arith.addi %scan3A_189, %add3A_397 : i32
      %mul3A_399 = arith.constant 5 : i32
      %mul3A_400 = arith.muli %add3A_398, %mul3A_399 : i32
      %add3A_401 = arith.constant 3 : i32
      %add3A_402 = arith.addi %mul3A_400, %add3A_401 : i32
      %dma_start3A_403 = arith.constant 0 : i32
      %dma_start3A_404 = tpu.memref_slice %arg3[%arg1, %add3A_402, %dma_start3A_403] : memref<16x160x128xi32, #tpu.memory_space<hbm>> -> memref<1x2x128xi32, #tpu.memory_space<hbm>>
      %dma_start3A_405 = tpu.memref_squeeze %dma_start3A_404 : memref<1x2x128xi32, #tpu.memory_space<hbm>> -> memref<2x128xi32, #tpu.memory_space<hbm>>
      %dma_start3A_406 = arith.constant 0 : i32
      %dma_start3A_407 = tpu.memref_slice %arg3[%arg1, %add3A_402, %dma_start3A_406] : memref<16x160x128xi32, #tpu.memory_space<hbm>> -> memref<1x2x128xi32, #tpu.memory_space<hbm>>
      %dma_start3A_408 = tpu.memref_squeeze %dma_start3A_407 : memref<1x2x128xi32, #tpu.memory_space<hbm>> -> memref<2x128xi32, #tpu.memory_space<hbm>>
      tpu.enqueue_dma source(%dma_start3A_408 : memref<2x128xi32, #tpu.memory_space<hbm>>) target(%arg9 : memref<2x128xi32, #tpu.memory_space<vmem>>) target_semaphore(%arg23 : memref<!tpu.dma_semaphore, #tpu.memory_space<semaphore_mem>>)
      %add3A_409 = arith.constant 1 : i32
      %add3A_410 = arith.addi %scan3A_189, %add3A_409 : i32
      %mul3A_411 = arith.constant 5 : i32
      %mul3A_412 = arith.muli %add3A_410, %mul3A_411 : i32
      %add3A_413 = arith.constant 3 : i32
      %add3A_414 = arith.addi %mul3A_412, %add3A_413 : i32
      %dma_start3A_415 = arith.constant 0 : i32
      %dma_start3A_416 = tpu.memref_slice %arg4[%arg1, %add3A_414, %dma_start3A_415] : memref<16x160x128xi32, #tpu.memory_space<hbm>> -> memref<1x2x128xi32, #tpu.memory_space<hbm>>
      %dma_start3A_417 = tpu.memref_squeeze %dma_start3A_416 : memref<1x2x128xi32, #tpu.memory_space<hbm>> -> memref<2x128xi32, #tpu.memory_space<hbm>>
      %dma_start3A_418 = arith.constant 0 : i32
      %dma_start3A_419 = tpu.memref_slice %arg4[%arg1, %add3A_414, %dma_start3A_418] : memref<16x160x128xi32, #tpu.memory_space<hbm>> -> memref<1x2x128xi32, #tpu.memory_space<hbm>>
      %dma_start3A_420 = tpu.memref_squeeze %dma_start3A_419 : memref<1x2x128xi32, #tpu.memory_space<hbm>> -> memref<2x128xi32, #tpu.memory_space<hbm>>
      tpu.enqueue_dma source(%dma_start3A_420 : memref<2x128xi32, #tpu.memory_space<hbm>>) target(%arg10 : memref<2x128xi32, #tpu.memory_space<vmem>>) target_semaphore(%arg23 : memref<!tpu.dma_semaphore, #tpu.memory_space<semaphore_mem>>)
    }
    %scan3A_47 = arith.constant 31 : i32
    %dma_wait3A = arith.constant 158 : i32
    %dma_wait3A_48 = arith.constant 0 : i32
    %dma_wait3A_49 = tpu.memref_slice %arg3[%arg1, %dma_wait3A, %dma_wait3A_48] : memref<16x160x128xi32, #tpu.memory_space<hbm>> -> memref<1x2x128xi32, #tpu.memory_space<hbm>>
    %dma_wait3A_50 = tpu.memref_squeeze %dma_wait3A_49 : memref<1x2x128xi32, #tpu.memory_space<hbm>> -> memref<2x128xi32, #tpu.memory_space<hbm>>
    %dma_wait3A_51 = arith.constant 158 : i32
    %dma_wait3A_52 = arith.constant 0 : i32
    %dma_wait3A_53 = tpu.memref_slice %arg3[%arg1, %dma_wait3A_51, %dma_wait3A_52] : memref<16x160x128xi32, #tpu.memory_space<hbm>> -> memref<1x2x128xi32, #tpu.memory_space<hbm>>
    %dma_wait3A_54 = tpu.memref_squeeze %dma_wait3A_53 : memref<1x2x128xi32, #tpu.memory_space<hbm>> -> memref<2x128xi32, #tpu.memory_space<hbm>>
    tpu.wait_dma2 semaphore(%arg23 : memref<!tpu.dma_semaphore, #tpu.memory_space<semaphore_mem>>) src(%dma_wait3A_54 : memref<2x128xi32, #tpu.memory_space<hbm>>) dst(%arg9 : memref<2x128xi32, #tpu.memory_space<vmem>>)
    %dma_wait3A_55 = arith.constant 158 : i32
    %dma_wait3A_56 = arith.constant 0 : i32
    %dma_wait3A_57 = tpu.memref_slice %arg4[%arg1, %dma_wait3A_55, %dma_wait3A_56] : memref<16x160x128xi32, #tpu.memory_space<hbm>> -> memref<1x2x128xi32, #tpu.memory_space<hbm>>
    %dma_wait3A_58 = tpu.memref_squeeze %dma_wait3A_57 : memref<1x2x128xi32, #tpu.memory_space<hbm>> -> memref<2x128xi32, #tpu.memory_space<hbm>>
    %dma_wait3A_59 = arith.constant 158 : i32
    %dma_wait3A_60 = arith.constant 0 : i32
    %dma_wait3A_61 = tpu.memref_slice %arg4[%arg1, %dma_wait3A_59, %dma_wait3A_60] : memref<16x160x128xi32, #tpu.memory_space<hbm>> -> memref<1x2x128xi32, #tpu.memory_space<hbm>>
    %dma_wait3A_62 = tpu.memref_squeeze %dma_wait3A_61 : memref<1x2x128xi32, #tpu.memory_space<hbm>> -> memref<2x128xi32, #tpu.memory_space<hbm>>
    tpu.wait_dma2 semaphore(%arg23 : memref<!tpu.dma_semaphore, #tpu.memory_space<semaphore_mem>>) src(%dma_wait3A_62 : memref<2x128xi32, #tpu.memory_space<hbm>>) dst(%arg10 : memref<2x128xi32, #tpu.memory_space<vmem>>)
    %dma_start3A_63 = arith.constant 0 : i32
    %dma_start3A_64 = arith.constant 0 : i32
    %dma_start3A_65 = tpu.memref_slice %arg9[%dma_start3A_63, %dma_start3A_64] : memref<2x128xi32, #tpu.memory_space<vmem>> -> memref<1x128xi32, #tpu.memory_space<vmem>>
    %dma_start3A_66 = tpu.memref_squeeze %dma_start3A_65 : memref<1x128xi32, #tpu.memory_space<vmem>> -> memref<128xi32, #tpu.memory_space<vmem>>
    %dma_start3A_67 = arith.constant 0 : i32
    %dma_start3A_68 = arith.constant 0 : i32
    %dma_start3A_69 = tpu.memref_slice %arg17[%dma_start3A_67, %dma_start3A_68] : memref<10240x64xf32, #tpu.memory_space<vmem_shared>> -> memref<10240x64xf32, #tpu.memory_space<vmem_shared>>
    tpu.enqueue_indirect_dma source(%dma_start3A_69 : memref<10240x64xf32, #tpu.memory_space<vmem_shared>>) target(%arg14 : memref<128x64xf32, #tpu.memory_space<vmem>>) offsets(%dma_start3A_66 : memref<128xi32, #tpu.memory_space<vmem>>) semaphore(%arg20 : memref<!tpu.dma_semaphore, #tpu.memory_space<semaphore_mem>>)
    %dma_start3A_70 = arith.constant 1 : i32
    %dma_start3A_71 = arith.constant 0 : i32
    %dma_start3A_72 = tpu.memref_slice %arg9[%dma_start3A_70, %dma_start3A_71] : memref<2x128xi32, #tpu.memory_space<vmem>> -> memref<1x128xi32, #tpu.memory_space<vmem>>
    %dma_start3A_73 = tpu.memref_squeeze %dma_start3A_72 : memref<1x128xi32, #tpu.memory_space<vmem>> -> memref<128xi32, #tpu.memory_space<vmem>>
    %dma_start3A_74 = arith.constant 0 : i32
    %dma_start3A_75 = arith.constant 0 : i32
    %dma_start3A_76 = tpu.memref_slice %arg17[%dma_start3A_74, %dma_start3A_75] : memref<10240x64xf32, #tpu.memory_space<vmem_shared>> -> memref<10240x64xf32, #tpu.memory_space<vmem_shared>>
    tpu.enqueue_indirect_dma source(%dma_start3A_76 : memref<10240x64xf32, #tpu.memory_space<vmem_shared>>) target(%arg15 : memref<128x64xf32, #tpu.memory_space<vmem>>) offsets(%dma_start3A_73 : memref<128xi32, #tpu.memory_space<vmem>>) semaphore(%arg20 : memref<!tpu.dma_semaphore, #tpu.memory_space<semaphore_mem>>)
    %dma_wait3A_77 = arith.constant 0 : i32
    %dma_wait3A_78 = arith.constant 0 : i32
    %dma_wait3A_79 = tpu.memref_slice %arg7[%dma_wait3A_77, %dma_wait3A_78] : memref<3x128xi32, #tpu.memory_space<vmem>> -> memref<1x128xi32, #tpu.memory_space<vmem>>
    %dma_wait3A_80 = tpu.memref_squeeze %dma_wait3A_79 : memref<1x128xi32, #tpu.memory_space<vmem>> -> memref<128xi32, #tpu.memory_space<vmem>>
    %dma_wait3A_81 = arith.constant 0 : i32
    %dma_wait3A_82 = arith.constant 0 : i32
    %dma_wait3A_83 = tpu.memref_slice %arg17[%dma_wait3A_81, %dma_wait3A_82] : memref<10240x64xf32, #tpu.memory_space<vmem_shared>> -> memref<10240x64xf32, #tpu.memory_space<vmem_shared>>
    tpu.wait_indirect_dma semaphore(%arg18 : memref<!tpu.dma_semaphore, #tpu.memory_space<semaphore_mem>>) src(%dma_wait3A_83 : memref<10240x64xf32, #tpu.memory_space<vmem_shared>>) dst(%arg11 : memref<128x64xf32, #tpu.memory_space<vmem>>)
    %dma_wait3A_84 = arith.constant 1 : i32
    %dma_wait3A_85 = arith.constant 0 : i32
    %dma_wait3A_86 = tpu.memref_slice %arg7[%dma_wait3A_84, %dma_wait3A_85] : memref<3x128xi32, #tpu.memory_space<vmem>> -> memref<1x128xi32, #tpu.memory_space<vmem>>
    %dma_wait3A_87 = tpu.memref_squeeze %dma_wait3A_86 : memref<1x128xi32, #tpu.memory_space<vmem>> -> memref<128xi32, #tpu.memory_space<vmem>>
    %dma_wait3A_88 = arith.constant 0 : i32
    %dma_wait3A_89 = arith.constant 0 : i32
    %dma_wait3A_90 = tpu.memref_slice %arg17[%dma_wait3A_88, %dma_wait3A_89] : memref<10240x64xf32, #tpu.memory_space<vmem_shared>> -> memref<10240x64xf32, #tpu.memory_space<vmem_shared>>
    tpu.wait_indirect_dma semaphore(%arg18 : memref<!tpu.dma_semaphore, #tpu.memory_space<semaphore_mem>>) src(%dma_wait3A_90 : memref<10240x64xf32, #tpu.memory_space<vmem_shared>>) dst(%arg12 : memref<128x64xf32, #tpu.memory_space<vmem>>)
    %dma_wait3A_91 = arith.constant 2 : i32
    %dma_wait3A_92 = arith.constant 0 : i32
    %dma_wait3A_93 = tpu.memref_slice %arg7[%dma_wait3A_91, %dma_wait3A_92] : memref<3x128xi32, #tpu.memory_space<vmem>> -> memref<1x128xi32, #tpu.memory_space<vmem>>
    %dma_wait3A_94 = tpu.memref_squeeze %dma_wait3A_93 : memref<1x128xi32, #tpu.memory_space<vmem>> -> memref<128xi32, #tpu.memory_space<vmem>>
    %dma_wait3A_95 = arith.constant 0 : i32
    %dma_wait3A_96 = arith.constant 0 : i32
    %dma_wait3A_97 = tpu.memref_slice %arg17[%dma_wait3A_95, %dma_wait3A_96] : memref<10240x64xf32, #tpu.memory_space<vmem_shared>> -> memref<10240x64xf32, #tpu.memory_space<vmem_shared>>
    tpu.wait_indirect_dma semaphore(%arg18 : memref<!tpu.dma_semaphore, #tpu.memory_space<semaphore_mem>>) src(%dma_wait3A_97 : memref<10240x64xf32, #tpu.memory_space<vmem_shared>>) dst(%arg13 : memref<128x64xf32, #tpu.memory_space<vmem>>)
    %dma_start3A_98 = arith.constant 0 : i32
    %dma_start3A_99 = arith.constant 0 : i32
    %dma_start3A_100 = tpu.memref_slice %arg8[%dma_start3A_98, %dma_start3A_99] : memref<3x128xi32, #tpu.memory_space<vmem>> -> memref<1x128xi32, #tpu.memory_space<vmem>>
    %dma_start3A_101 = tpu.memref_squeeze %dma_start3A_100 : memref<1x128xi32, #tpu.memory_space<vmem>> -> memref<128xi32, #tpu.memory_space<vmem>>
    %dma_start3A_102 = arith.constant 0 : i32
    %dma_start3A_103 = arith.constant 0 : i32
    %dma_start3A_104 = tpu.memref_slice %arg16[%dma_start3A_102, %dma_start3A_103] : memref<10240x64xf32, #tpu.memory_space<vmem_shared>> -> memref<10240x64xf32, #tpu.memory_space<vmem_shared>>
    tpu.enqueue_indirect_dma source(%arg11 : memref<128x64xf32, #tpu.memory_space<vmem>>) target(%dma_start3A_104 : memref<10240x64xf32, #tpu.memory_space<vmem_shared>>) offsets(%dma_start3A_101 : memref<128xi32, #tpu.memory_space<vmem>>) semaphore(%arg19 : memref<!tpu.dma_semaphore, #tpu.memory_space<semaphore_mem>>) {add = true}
    %dma_start3A_105 = arith.constant 1 : i32
    %dma_start3A_106 = arith.constant 0 : i32
    %dma_start3A_107 = tpu.memref_slice %arg8[%dma_start3A_105, %dma_start3A_106] : memref<3x128xi32, #tpu.memory_space<vmem>> -> memref<1x128xi32, #tpu.memory_space<vmem>>
    %dma_start3A_108 = tpu.memref_squeeze %dma_start3A_107 : memref<1x128xi32, #tpu.memory_space<vmem>> -> memref<128xi32, #tpu.memory_space<vmem>>
    %dma_start3A_109 = arith.constant 0 : i32
    %dma_start3A_110 = arith.constant 0 : i32
    %dma_start3A_111 = tpu.memref_slice %arg16[%dma_start3A_109, %dma_start3A_110] : memref<10240x64xf32, #tpu.memory_space<vmem_shared>> -> memref<10240x64xf32, #tpu.memory_space<vmem_shared>>
    tpu.enqueue_indirect_dma source(%arg12 : memref<128x64xf32, #tpu.memory_space<vmem>>) target(%dma_start3A_111 : memref<10240x64xf32, #tpu.memory_space<vmem_shared>>) offsets(%dma_start3A_108 : memref<128xi32, #tpu.memory_space<vmem>>) semaphore(%arg19 : memref<!tpu.dma_semaphore, #tpu.memory_space<semaphore_mem>>) {add = true}
    %dma_start3A_112 = arith.constant 2 : i32
    %dma_start3A_113 = arith.constant 0 : i32
    %dma_start3A_114 = tpu.memref_slice %arg8[%dma_start3A_112, %dma_start3A_113] : memref<3x128xi32, #tpu.memory_space<vmem>> -> memref<1x128xi32, #tpu.memory_space<vmem>>
    %dma_start3A_115 = tpu.memref_squeeze %dma_start3A_114 : memref<1x128xi32, #tpu.memory_space<vmem>> -> memref<128xi32, #tpu.memory_space<vmem>>
    %dma_start3A_116 = arith.constant 0 : i32
    %dma_start3A_117 = arith.constant 0 : i32
    %dma_start3A_118 = tpu.memref_slice %arg16[%dma_start3A_116, %dma_start3A_117] : memref<10240x64xf32, #tpu.memory_space<vmem_shared>> -> memref<10240x64xf32, #tpu.memory_space<vmem_shared>>
    tpu.enqueue_indirect_dma source(%arg13 : memref<128x64xf32, #tpu.memory_space<vmem>>) target(%dma_start3A_118 : memref<10240x64xf32, #tpu.memory_space<vmem_shared>>) offsets(%dma_start3A_115 : memref<128xi32, #tpu.memory_space<vmem>>) semaphore(%arg19 : memref<!tpu.dma_semaphore, #tpu.memory_space<semaphore_mem>>) {add = true}
    %dma_wait3A_119 = arith.constant 0 : i32
    %dma_wait3A_120 = arith.constant 0 : i32
    %dma_wait3A_121 = tpu.memref_slice %arg8[%dma_wait3A_119, %dma_wait3A_120] : memref<3x128xi32, #tpu.memory_space<vmem>> -> memref<1x128xi32, #tpu.memory_space<vmem>>
    %dma_wait3A_122 = tpu.memref_squeeze %dma_wait3A_121 : memref<1x128xi32, #tpu.memory_space<vmem>> -> memref<128xi32, #tpu.memory_space<vmem>>
    %dma_wait3A_123 = arith.constant 0 : i32
    %dma_wait3A_124 = arith.constant 0 : i32
    %dma_wait3A_125 = tpu.memref_slice %arg16[%dma_wait3A_123, %dma_wait3A_124] : memref<10240x64xf32, #tpu.memory_space<vmem_shared>> -> memref<10240x64xf32, #tpu.memory_space<vmem_shared>>
    tpu.wait_indirect_dma semaphore(%arg19 : memref<!tpu.dma_semaphore, #tpu.memory_space<semaphore_mem>>) src(%arg11 : memref<128x64xf32, #tpu.memory_space<vmem>>) dst(%dma_wait3A_125 : memref<10240x64xf32, #tpu.memory_space<vmem_shared>>)
    %dma_wait3A_126 = arith.constant 1 : i32
    %dma_wait3A_127 = arith.constant 0 : i32
    %dma_wait3A_128 = tpu.memref_slice %arg8[%dma_wait3A_126, %dma_wait3A_127] : memref<3x128xi32, #tpu.memory_space<vmem>> -> memref<1x128xi32, #tpu.memory_space<vmem>>
    %dma_wait3A_129 = tpu.memref_squeeze %dma_wait3A_128 : memref<1x128xi32, #tpu.memory_space<vmem>> -> memref<128xi32, #tpu.memory_space<vmem>>
    %dma_wait3A_130 = arith.constant 0 : i32
    %dma_wait3A_131 = arith.constant 0 : i32
    %dma_wait3A_132 = tpu.memref_slice %arg16[%dma_wait3A_130, %dma_wait3A_131] : memref<10240x64xf32, #tpu.memory_space<vmem_shared>> -> memref<10240x64xf32, #tpu.memory_space<vmem_shared>>
    tpu.wait_indirect_dma semaphore(%arg19 : memref<!tpu.dma_semaphore, #tpu.memory_space<semaphore_mem>>) src(%arg12 : memref<128x64xf32, #tpu.memory_space<vmem>>) dst(%dma_wait3A_132 : memref<10240x64xf32, #tpu.memory_space<vmem_shared>>)
    %dma_wait3A_133 = arith.constant 2 : i32
    %dma_wait3A_134 = arith.constant 0 : i32
    %dma_wait3A_135 = tpu.memref_slice %arg8[%dma_wait3A_133, %dma_wait3A_134] : memref<3x128xi32, #tpu.memory_space<vmem>> -> memref<1x128xi32, #tpu.memory_space<vmem>>
    %dma_wait3A_136 = tpu.memref_squeeze %dma_wait3A_135 : memref<1x128xi32, #tpu.memory_space<vmem>> -> memref<128xi32, #tpu.memory_space<vmem>>
    %dma_wait3A_137 = arith.constant 0 : i32
    %dma_wait3A_138 = arith.constant 0 : i32
    %dma_wait3A_139 = tpu.memref_slice %arg16[%dma_wait3A_137, %dma_wait3A_138] : memref<10240x64xf32, #tpu.memory_space<vmem_shared>> -> memref<10240x64xf32, #tpu.memory_space<vmem_shared>>
    tpu.wait_indirect_dma semaphore(%arg19 : memref<!tpu.dma_semaphore, #tpu.memory_space<semaphore_mem>>) src(%arg13 : memref<128x64xf32, #tpu.memory_space<vmem>>) dst(%dma_wait3A_139 : memref<10240x64xf32, #tpu.memory_space<vmem_shared>>)
    %dma_wait3A_140 = arith.constant 0 : i32
    %dma_wait3A_141 = arith.constant 0 : i32
    %dma_wait3A_142 = tpu.memref_slice %arg9[%dma_wait3A_140, %dma_wait3A_141] : memref<2x128xi32, #tpu.memory_space<vmem>> -> memref<1x128xi32, #tpu.memory_space<vmem>>
    %dma_wait3A_143 = tpu.memref_squeeze %dma_wait3A_142 : memref<1x128xi32, #tpu.memory_space<vmem>> -> memref<128xi32, #tpu.memory_space<vmem>>
    %dma_wait3A_144 = arith.constant 0 : i32
    %dma_wait3A_145 = arith.constant 0 : i32
    %dma_wait3A_146 = tpu.memref_slice %arg17[%dma_wait3A_144, %dma_wait3A_145] : memref<10240x64xf32, #tpu.memory_space<vmem_shared>> -> memref<10240x64xf32, #tpu.memory_space<vmem_shared>>
    tpu.wait_indirect_dma semaphore(%arg20 : memref<!tpu.dma_semaphore, #tpu.memory_space<semaphore_mem>>) src(%dma_wait3A_146 : memref<10240x64xf32, #tpu.memory_space<vmem_shared>>) dst(%arg14 : memref<128x64xf32, #tpu.memory_space<vmem>>)
    %dma_wait3A_147 = arith.constant 1 : i32
    %dma_wait3A_148 = arith.constant 0 : i32
    %dma_wait3A_149 = tpu.memref_slice %arg9[%dma_wait3A_147, %dma_wait3A_148] : memref<2x128xi32, #tpu.memory_space<vmem>> -> memref<1x128xi32, #tpu.memory_space<vmem>>
    %dma_wait3A_150 = tpu.memref_squeeze %dma_wait3A_149 : memref<1x128xi32, #tpu.memory_space<vmem>> -> memref<128xi32, #tpu.memory_space<vmem>>
    %dma_wait3A_151 = arith.constant 0 : i32
    %dma_wait3A_152 = arith.constant 0 : i32
    %dma_wait3A_153 = tpu.memref_slice %arg17[%dma_wait3A_151, %dma_wait3A_152] : memref<10240x64xf32, #tpu.memory_space<vmem_shared>> -> memref<10240x64xf32, #tpu.memory_space<vmem_shared>>
    tpu.wait_indirect_dma semaphore(%arg20 : memref<!tpu.dma_semaphore, #tpu.memory_space<semaphore_mem>>) src(%dma_wait3A_153 : memref<10240x64xf32, #tpu.memory_space<vmem_shared>>) dst(%arg15 : memref<128x64xf32, #tpu.memory_space<vmem>>)
    %dma_start3A_154 = arith.constant 0 : i32
    %dma_start3A_155 = arith.constant 0 : i32
    %dma_start3A_156 = tpu.memref_slice %arg10[%dma_start3A_154, %dma_start3A_155] : memref<2x128xi32, #tpu.memory_space<vmem>> -> memref<1x128xi32, #tpu.memory_space<vmem>>
    %dma_start3A_157 = tpu.memref_squeeze %dma_start3A_156 : memref<1x128xi32, #tpu.memory_space<vmem>> -> memref<128xi32, #tpu.memory_space<vmem>>
    %dma_start3A_158 = arith.constant 0 : i32
    %dma_start3A_159 = arith.constant 0 : i32
    %dma_start3A_160 = tpu.memref_slice %arg16[%dma_start3A_158, %dma_start3A_159] : memref<10240x64xf32, #tpu.memory_space<vmem_shared>> -> memref<10240x64xf32, #tpu.memory_space<vmem_shared>>
    tpu.enqueue_indirect_dma source(%arg14 : memref<128x64xf32, #tpu.memory_space<vmem>>) target(%dma_start3A_160 : memref<10240x64xf32, #tpu.memory_space<vmem_shared>>) offsets(%dma_start3A_157 : memref<128xi32, #tpu.memory_space<vmem>>) semaphore(%arg21 : memref<!tpu.dma_semaphore, #tpu.memory_space<semaphore_mem>>) {add = true}
    %dma_start3A_161 = arith.constant 1 : i32
    %dma_start3A_162 = arith.constant 0 : i32
    %dma_start3A_163 = tpu.memref_slice %arg10[%dma_start3A_161, %dma_start3A_162] : memref<2x128xi32, #tpu.memory_space<vmem>> -> memref<1x128xi32, #tpu.memory_space<vmem>>
    %dma_start3A_164 = tpu.memref_squeeze %dma_start3A_163 : memref<1x128xi32, #tpu.memory_space<vmem>> -> memref<128xi32, #tpu.memory_space<vmem>>
    %dma_start3A_165 = arith.constant 0 : i32
    %dma_start3A_166 = arith.constant 0 : i32
    %dma_start3A_167 = tpu.memref_slice %arg16[%dma_start3A_165, %dma_start3A_166] : memref<10240x64xf32, #tpu.memory_space<vmem_shared>> -> memref<10240x64xf32, #tpu.memory_space<vmem_shared>>
    tpu.enqueue_indirect_dma source(%arg15 : memref<128x64xf32, #tpu.memory_space<vmem>>) target(%dma_start3A_167 : memref<10240x64xf32, #tpu.memory_space<vmem_shared>>) offsets(%dma_start3A_164 : memref<128xi32, #tpu.memory_space<vmem>>) semaphore(%arg21 : memref<!tpu.dma_semaphore, #tpu.memory_space<semaphore_mem>>) {add = true}
    %dma_wait3A_168 = arith.constant 0 : i32
    %dma_wait3A_169 = arith.constant 0 : i32
    %dma_wait3A_170 = tpu.memref_slice %arg10[%dma_wait3A_168, %dma_wait3A_169] : memref<2x128xi32, #tpu.memory_space<vmem>> -> memref<1x128xi32, #tpu.memory_space<vmem>>
    %dma_wait3A_171 = tpu.memref_squeeze %dma_wait3A_170 : memref<1x128xi32, #tpu.memory_space<vmem>> -> memref<128xi32, #tpu.memory_space<vmem>>
    %dma_wait3A_172 = arith.constant 0 : i32
    %dma_wait3A_173 = arith.constant 0 : i32
    %dma_wait3A_174 = tpu.memref_slice %arg16[%dma_wait3A_172, %dma_wait3A_173] : memref<10240x64xf32, #tpu.memory_space<vmem_shared>> -> memref<10240x64xf32, #tpu.memory_space<vmem_shared>>
    tpu.wait_indirect_dma semaphore(%arg21 : memref<!tpu.dma_semaphore, #tpu.memory_space<semaphore_mem>>) src(%arg14 : memref<128x64xf32, #tpu.memory_space<vmem>>) dst(%dma_wait3A_174 : memref<10240x64xf32, #tpu.memory_space<vmem_shared>>)
    %dma_wait3A_175 = arith.constant 1 : i32
    %dma_wait3A_176 = arith.constant 0 : i32
    %dma_wait3A_177 = tpu.memref_slice %arg10[%dma_wait3A_175, %dma_wait3A_176] : memref<2x128xi32, #tpu.memory_space<vmem>> -> memref<1x128xi32, #tpu.memory_space<vmem>>
    %dma_wait3A_178 = tpu.memref_squeeze %dma_wait3A_177 : memref<1x128xi32, #tpu.memory_space<vmem>> -> memref<128xi32, #tpu.memory_space<vmem>>
    %dma_wait3A_179 = arith.constant 0 : i32
    %dma_wait3A_180 = arith.constant 0 : i32
    %dma_wait3A_181 = tpu.memref_slice %arg16[%dma_wait3A_179, %dma_wait3A_180] : memref<10240x64xf32, #tpu.memory_space<vmem_shared>> -> memref<10240x64xf32, #tpu.memory_space<vmem_shared>>
    tpu.wait_indirect_dma semaphore(%arg21 : memref<!tpu.dma_semaphore, #tpu.memory_space<semaphore_mem>>) src(%arg15 : memref<128x64xf32, #tpu.memory_space<vmem>>) dst(%dma_wait3A_181 : memref<10240x64xf32, #tpu.memory_space<vmem_shared>>)
    %barrier3A_182 = arith.constant 0 : index
    tpu.barrier barrier_id(%barrier3A_182)
    %mul3A_183 = arith.constant 640 : i32
    %mul3A_184 = arith.muli %arg1, %mul3A_183 : i32
    %mul3A_185 = arith.constant 640 : i32
    %mul3A_186 = arith.muli %arg1, %mul3A_185 : i32
    %mul3A_187 = arith.constant 64 : i32
    %mul3A_188 = arith.muli %arg0, %mul3A_187 : i32
    "tpu.region"() ({
      %run_scoped3A = tpu.sem_alloc : memref<!tpu.dma_semaphore, #tpu.memory_space<semaphore_mem>>
      %dma_start3A_189 = tpu.memref_slice %arg6[%mul3A_186, %mul3A_188] : memref<10240x128xf32, #tpu.memory_space<hbm>> -> memref<640x64xf32, #tpu.memory_space<hbm>>
      %dma_start3A_190 = arith.constant 0 : i32
      %dma_start3A_191 = tpu.memref_slice %arg16[%mul3A_184, %dma_start3A_190] : memref<10240x64xf32, #tpu.memory_space<vmem_shared>> -> memref<640x64xf32, #tpu.memory_space<vmem_shared>>
      tpu.enqueue_dma source(%dma_start3A_191 : memref<640x64xf32, #tpu.memory_space<vmem_shared>>) target(%dma_start3A_189 : memref<640x64xf32, #tpu.memory_space<hbm>>) target_semaphore(%run_scoped3A : memref<!tpu.dma_semaphore, #tpu.memory_space<semaphore_mem>>)
      %dma_wait3A_192 = tpu.memref_slice %arg6[%mul3A_186, %mul3A_188] : memref<10240x128xf32, #tpu.memory_space<hbm>> -> memref<640x64xf32, #tpu.memory_space<hbm>>
      %dma_wait3A_193 = arith.constant 0 : i32
      %dma_wait3A_194 = tpu.memref_slice %arg16[%mul3A_184, %dma_wait3A_193] : memref<10240x64xf32, #tpu.memory_space<vmem_shared>> -> memref<640x64xf32, #tpu.memory_space<vmem_shared>>
      tpu.wait_dma2 semaphore(%run_scoped3A : memref<!tpu.dma_semaphore, #tpu.memory_space<semaphore_mem>>) src(%dma_wait3A_194 : memref<640x64xf32, #tpu.memory_space<vmem_shared>>) dst(%dma_wait3A_192 : memref<640x64xf32, #tpu.memory_space<hbm>>)
      tpu.yield
    }) : () -> ()
    return
  }
}

module attributes {stable_mosaic.version = 14 : i64} {
  func.func @body(%arg0: memref<10000x128xf32, #tpu.memory_space<vmem>>, %arg1: memref<128xf32, #tpu.memory_space<vmem>>, %arg2: memref<128xf32, #tpu.memory_space<vmem>>, %arg3: memref<128x128xf32, #tpu.memory_space<vmem>>, %arg4: memref<128xf32, #tpu.memory_space<vmem>>, %arg5: memref<128x128xf32, #tpu.memory_space<vmem>>, %arg6: memref<10000x128xf32, #tpu.memory_space<vmem>>) attributes {dimension_semantics = [], scalar_prefetch = 0 : i64, scratch_operands = 0 : i64, tpu.core_type = #tpu.core_type<tc>} {
    %get3A = arith.constant 0 : index
    %get3A_0 = arith.constant 0 : index
    %get3A_1 = vector.load %arg0[%get3A, %get3A_0] : memref<10000x128xf32, #tpu.memory_space<vmem>>, vector<10000x128xf32>
    %get3A_2 = arith.constant 0 : index
    %get3A_3 = vector.load %arg1[%get3A_2] : memref<128xf32, #tpu.memory_space<vmem>>, vector<128xf32>
    %get3A_4 = arith.constant 0 : index
    %get3A_5 = vector.load %arg2[%get3A_4] : memref<128xf32, #tpu.memory_space<vmem>>, vector<128xf32>
    %reduce_sum3A = arith.constant dense<0.000000e+00> : vector<128xf32>
    %reduce_sum3A_6 = vector.multi_reduction <add>, %get3A_1, %reduce_sum3A [0] : vector<10000x128xf32> to vector<128xf32>
    %broadcast_in_dim3A = vector.shape_cast %reduce_sum3A_6 : vector<128xf32> to vector<1x128xf32>
    %div3A = arith.constant 1.000000e+04 : f32
    %div3A_7 = vector.broadcast %div3A : f32 to vector<1x128xf32>
    %div3A_8 = arith.divf %broadcast_in_dim3A, %div3A_7 : vector<1x128xf32>
    %sub3A = vector.broadcast %div3A_8 : vector<1x128xf32> to vector<10000x128xf32>
    %sub3A_9 = arith.subf %get3A_1, %sub3A : vector<10000x128xf32>
    %mul3A = arith.mulf %sub3A_9, %sub3A_9 : vector<10000x128xf32>
    %reduce_sum3A_10 = arith.constant dense<0.000000e+00> : vector<128xf32>
    %reduce_sum3A_11 = vector.multi_reduction <add>, %mul3A, %reduce_sum3A_10 [0] : vector<10000x128xf32> to vector<128xf32>
    %broadcast_in_dim3A_12 = vector.shape_cast %reduce_sum3A_11 : vector<128xf32> to vector<1x128xf32>
    %div3A_13 = arith.constant 1.000000e+04 : f32
    %div3A_14 = vector.broadcast %div3A_13 : f32 to vector<1x128xf32>
    %div3A_15 = arith.divf %broadcast_in_dim3A_12, %div3A_14 : vector<1x128xf32>
    %add3A = arith.constant 9.99999974E-6 : f32
    %add3A_16 = vector.broadcast %add3A : f32 to vector<1x128xf32>
    %add3A_17 = arith.addf %div3A_15, %add3A_16 : vector<1x128xf32>
    %sqrt3A = math.sqrt %add3A_17 : vector<1x128xf32>
    %div3A_18 = vector.broadcast %sqrt3A : vector<1x128xf32> to vector<10000x128xf32>
    %div3A_19 = arith.divf %sub3A_9, %div3A_18 : vector<10000x128xf32>
    %broadcast_in_dim3A_20 = vector.shape_cast %get3A_3 : vector<128xf32> to vector<1x128xf32>
    %mul3A_21 = vector.broadcast %broadcast_in_dim3A_20 : vector<1x128xf32> to vector<10000x128xf32>
    %mul3A_22 = arith.mulf %div3A_19, %mul3A_21 : vector<10000x128xf32>
    %broadcast_in_dim3A_23 = vector.shape_cast %get3A_5 : vector<128xf32> to vector<1x128xf32>
    %add3A_24 = vector.broadcast %broadcast_in_dim3A_23 : vector<1x128xf32> to vector<10000x128xf32>
    %add3A_25 = arith.addf %mul3A_22, %add3A_24 : vector<10000x128xf32>
    %get3A_26 = arith.constant 0 : index
    %get3A_27 = arith.constant 0 : index
    %get3A_28 = vector.load %arg3[%get3A_26, %get3A_27] : memref<128x128xf32, #tpu.memory_space<vmem>>, vector<128x128xf32>
    %dot_general3A = arith.constant dense<0.000000e+00> : vector<10000x128xf32>
    %dot_general3A_29 = tpu.matmul %add3A_25, %get3A_28, %dot_general3A {dimension_numbers = #tpu.dot_dimension_numbers<[1], [1], [0], [0], [0, 0, 1, 0], [], []>, precision = #tpu.contract_precision<fp32>, transpose_lhs_hint = false} : vector<10000x128xf32>, vector<128x128xf32>, vector<10000x128xf32> -> vector<10000x128xf32>
    %get3A_30 = arith.constant 0 : index
    %get3A_31 = vector.load %arg4[%get3A_30] : memref<128xf32, #tpu.memory_space<vmem>>, vector<128xf32>
    %broadcast_in_dim3A_32 = vector.shape_cast %get3A_31 : vector<128xf32> to vector<1x128xf32>
    %add3A_33 = vector.broadcast %broadcast_in_dim3A_32 : vector<1x128xf32> to vector<10000x128xf32>
    %add3A_34 = arith.addf %dot_general3A_29, %add3A_33 : vector<10000x128xf32>
    %max3A = arith.constant 0.000000e+00 : f32
    %max3A_35 = vector.broadcast %max3A : f32 to vector<10000x128xf32>
    %max3A_36 = arith.maximumf %add3A_34, %max3A_35 : vector<10000x128xf32>
    %get3A_37 = arith.constant 0 : index
    %get3A_38 = arith.constant 0 : index
    %get3A_39 = vector.load %arg5[%get3A_37, %get3A_38] : memref<128x128xf32, #tpu.memory_space<vmem>>, vector<128x128xf32>
    %dot_general3A_40 = arith.constant dense<0.000000e+00> : vector<10000x128xf32>
    %dot_general3A_41 = tpu.matmul %max3A_36, %get3A_39, %dot_general3A_40 {dimension_numbers = #tpu.dot_dimension_numbers<[1], [1], [0], [0], [0, 0, 1, 0], [], []>, precision = #tpu.contract_precision<fp32>, transpose_lhs_hint = false} : vector<10000x128xf32>, vector<128x128xf32>, vector<10000x128xf32> -> vector<10000x128xf32>
    %swap3A = arith.constant 0 : index
    %swap3A_42 = arith.constant 0 : index
    %swap3A_43 = vector.load %arg6[%swap3A, %swap3A_42] : memref<10000x128xf32, #tpu.memory_space<vmem>>, vector<10000x128xf32>
    tpu.vector_store %arg6[%swap3A, %swap3A_42], %dot_general3A_41 {strides = array<i32>} : memref<10000x128xf32, #tpu.memory_space<vmem>>, vector<10000x128xf32>,
    return
  }
}

module attributes {stable_mosaic.version = 14 : i64} {
  func.func @body(%arg0: memref<10000x128xf32, #tpu.memory_space<vmem>>, %arg1: memref<2x10240xf32, #tpu.memory_space<vmem>>, %arg2: memref<10240x128xf32, #tpu.memory_space<vmem>>, %arg3: memref<10000x1xf32, #tpu.memory_space<vmem>>) attributes {dimension_semantics = [], scalar_prefetch = 0 : i64, scratch_operands = 0 : i64, tpu.core_type = #tpu.core_type<tc>} {
    %get3A = arith.constant 0 : index
    %get3A_0 = arith.constant 0 : index
    %get3A_1 = vector.load %arg1[%get3A, %get3A_0] : memref<2x10240xf32, #tpu.memory_space<vmem>>, vector<1x10240xf32>
    %get3A_2 = arith.constant 1 : index
    %get3A_3 = arith.constant 0 : index
    %get3A_4 = vector.load %arg1[%get3A_2, %get3A_3] : memref<2x10240xf32, #tpu.memory_space<vmem>>, vector<1x10240xf32>
    %add3A = arith.addf %get3A_1, %get3A_4 : vector<1x10240xf32>
    %add3A_5 = arith.constant 1.000000e+00 : f32
    %add3A_6 = vector.broadcast %add3A_5 : f32 to vector<1x10240xf32>
    %add3A_7 = arith.addf %add3A, %add3A_6 : vector<1x10240xf32>
    %sqrt3A = math.sqrt %add3A_7 : vector<1x10240xf32>
    %div3A = arith.constant 1.000000e+00 : f32
    %div3A_8 = vector.broadcast %div3A : f32 to vector<1x10240xf32>
    %div3A_9 = arith.divf %div3A_8, %sqrt3A : vector<1x10240xf32>
    %reshape3A = vector.shape_cast %div3A_9 : vector<1x10240xf32> to vector<10240x1xf32>
    %slice3A = vector.extract_strided_slice %reshape3A {offsets = [0, 0], sizes = [10000, 1], strides = [1, 1]} : vector<10240x1xf32> to vector<10000x1xf32>
    %get3A_10 = arith.constant 0 : index
    %get3A_11 = arith.constant 0 : index
    %get3A_12 = vector.load %arg0[%get3A_10, %get3A_11] : memref<10000x128xf32, #tpu.memory_space<vmem>>, vector<10000x128xf32>
    %mul3A = vector.broadcast %slice3A : vector<10000x1xf32> to vector<10000x128xf32>
    %mul3A_13 = arith.mulf %mul3A, %get3A_12 : vector<10000x128xf32>
    %swap3A = arith.constant 0 : index
    %swap3A_14 = arith.constant 0 : index
    %swap3A_15 = vector.load %arg2[%swap3A, %swap3A_14] : memref<10240x128xf32, #tpu.memory_space<vmem>>, vector<10000x128xf32>
    tpu.vector_store %arg2[%swap3A, %swap3A_14], %mul3A_13 {strides = array<i32>} : memref<10240x128xf32, #tpu.memory_space<vmem>>, vector<10000x128xf32>,
    %swap3A_16 = arith.constant 0 : index
    %swap3A_17 = arith.constant 0 : index
    %swap3A_18 = vector.load %arg3[%swap3A_16, %swap3A_17] : memref<10000x1xf32, #tpu.memory_space<vmem>>, vector<10000x1xf32>
    tpu.vector_store %arg3[%swap3A_16, %swap3A_17], %slice3A {strides = array<i32>} : memref<10000x1xf32, #tpu.memory_space<vmem>>, vector<10000x1xf32>,
    return
  }
}

module attributes {stable_mosaic.version = 14 : i64} {
  func.func @body(%arg0: memref<10240x128xf32, #tpu.memory_space<vmem>>, %arg1: memref<10240x128xf32, #tpu.memory_space<vmem>>, %arg2: memref<10000x1xf32, #tpu.memory_space<vmem>>, %arg3: memref<128xf32, #tpu.memory_space<vmem>>, %arg4: memref<128xf32, #tpu.memory_space<vmem>>, %arg5: memref<128xf32, #tpu.memory_space<vmem>>, %arg6: memref<128x128xf32, #tpu.memory_space<vmem>>, %arg7: memref<10240x128xf32, #tpu.memory_space<vmem>>) attributes {dimension_semantics = [], scalar_prefetch = 0 : i64, scratch_operands = 0 : i64, tpu.core_type = #tpu.core_type<tc>} {
    %get3A = arith.constant 0 : index
    %get3A_0 = arith.constant 0 : index
    %get3A_1 = vector.load %arg2[%get3A, %get3A_0] : memref<10000x1xf32, #tpu.memory_space<vmem>>, vector<10000x1xf32>
    %get3A_2 = arith.constant 0 : index
    %get3A_3 = arith.constant 0 : index
    %get3A_4 = vector.load %arg0[%get3A_2, %get3A_3] : memref<10240x128xf32, #tpu.memory_space<vmem>>, vector<10000x128xf32>
    %get3A_5 = arith.constant 0 : index
    %get3A_6 = arith.constant 0 : index
    %get3A_7 = vector.load %arg1[%get3A_5, %get3A_6] : memref<10240x128xf32, #tpu.memory_space<vmem>>, vector<10000x128xf32>
    %add3A = arith.addf %get3A_4, %get3A_7 : vector<10000x128xf32>
    %mul3A = vector.broadcast %get3A_1 : vector<10000x1xf32> to vector<10000x128xf32>
    %mul3A_8 = arith.mulf %mul3A, %add3A : vector<10000x128xf32>
    %get3A_9 = arith.constant 0 : index
    %get3A_10 = vector.load %arg3[%get3A_9] : memref<128xf32, #tpu.memory_space<vmem>>, vector<128xf32>
    %broadcast_in_dim3A = vector.shape_cast %get3A_10 : vector<128xf32> to vector<1x128xf32>
    %add3A_11 = vector.broadcast %broadcast_in_dim3A : vector<1x128xf32> to vector<10000x128xf32>
    %add3A_12 = arith.addf %mul3A_8, %add3A_11 : vector<10000x128xf32>
    %get3A_13 = arith.constant 0 : index
    %get3A_14 = vector.load %arg4[%get3A_13] : memref<128xf32, #tpu.memory_space<vmem>>, vector<128xf32>
    %get3A_15 = arith.constant 0 : index
    %get3A_16 = vector.load %arg5[%get3A_15] : memref<128xf32, #tpu.memory_space<vmem>>, vector<128xf32>
    %reduce_sum3A = arith.constant dense<0.000000e+00> : vector<128xf32>
    %reduce_sum3A_17 = vector.multi_reduction <add>, %add3A_12, %reduce_sum3A [0] : vector<10000x128xf32> to vector<128xf32>
    %broadcast_in_dim3A_18 = vector.shape_cast %reduce_sum3A_17 : vector<128xf32> to vector<1x128xf32>
    %div3A = arith.constant 1.000000e+04 : f32
    %div3A_19 = vector.broadcast %div3A : f32 to vector<1x128xf32>
    %div3A_20 = arith.divf %broadcast_in_dim3A_18, %div3A_19 : vector<1x128xf32>
    %sub3A = vector.broadcast %div3A_20 : vector<1x128xf32> to vector<10000x128xf32>
    %sub3A_21 = arith.subf %add3A_12, %sub3A : vector<10000x128xf32>
    %mul3A_22 = arith.mulf %sub3A_21, %sub3A_21 : vector<10000x128xf32>
    %reduce_sum3A_23 = arith.constant dense<0.000000e+00> : vector<128xf32>
    %reduce_sum3A_24 = vector.multi_reduction <add>, %mul3A_22, %reduce_sum3A_23 [0] : vector<10000x128xf32> to vector<128xf32>
    %broadcast_in_dim3A_25 = vector.shape_cast %reduce_sum3A_24 : vector<128xf32> to vector<1x128xf32>
    %div3A_26 = arith.constant 1.000000e+04 : f32
    %div3A_27 = vector.broadcast %div3A_26 : f32 to vector<1x128xf32>
    %div3A_28 = arith.divf %broadcast_in_dim3A_25, %div3A_27 : vector<1x128xf32>
    %add3A_29 = arith.constant 9.99999974E-6 : f32
    %add3A_30 = vector.broadcast %add3A_29 : f32 to vector<1x128xf32>
    %add3A_31 = arith.addf %div3A_28, %add3A_30 : vector<1x128xf32>
    %sqrt3A = math.sqrt %add3A_31 : vector<1x128xf32>
    %div3A_32 = vector.broadcast %sqrt3A : vector<1x128xf32> to vector<10000x128xf32>
    %div3A_33 = arith.divf %sub3A_21, %div3A_32 : vector<10000x128xf32>
    %broadcast_in_dim3A_34 = vector.shape_cast %get3A_14 : vector<128xf32> to vector<1x128xf32>
    %mul3A_35 = vector.broadcast %broadcast_in_dim3A_34 : vector<1x128xf32> to vector<10000x128xf32>
    %mul3A_36 = arith.mulf %div3A_33, %mul3A_35 : vector<10000x128xf32>
    %broadcast_in_dim3A_37 = vector.shape_cast %get3A_16 : vector<128xf32> to vector<1x128xf32>
    %add3A_38 = vector.broadcast %broadcast_in_dim3A_37 : vector<1x128xf32> to vector<10000x128xf32>
    %add3A_39 = arith.addf %mul3A_36, %add3A_38 : vector<10000x128xf32>
    %max3A = arith.constant 0.000000e+00 : f32
    %max3A_40 = vector.broadcast %max3A : f32 to vector<10000x128xf32>
    %max3A_41 = arith.maximumf %add3A_39, %max3A_40 : vector<10000x128xf32>
    %get3A_42 = arith.constant 0 : index
    %get3A_43 = arith.constant 0 : index
    %get3A_44 = vector.load %arg6[%get3A_42, %get3A_43] : memref<128x128xf32, #tpu.memory_space<vmem>>, vector<128x128xf32>
    %dot_general3A = arith.constant dense<0.000000e+00> : vector<10000x128xf32>
    %dot_general3A_45 = tpu.matmul %max3A_41, %get3A_44, %dot_general3A {dimension_numbers = #tpu.dot_dimension_numbers<[1], [1], [0], [0], [0, 0, 1, 0], [], []>, precision = #tpu.contract_precision<fp32>, transpose_lhs_hint = false} : vector<10000x128xf32>, vector<128x128xf32>, vector<10000x128xf32> -> vector<10000x128xf32>
    %mul3A_46 = vector.broadcast %get3A_1 : vector<10000x1xf32> to vector<10000x128xf32>
    %mul3A_47 = arith.mulf %mul3A_46, %dot_general3A_45 : vector<10000x128xf32>
    %swap3A = arith.constant 0 : index
    %swap3A_48 = arith.constant 0 : index
    %swap3A_49 = vector.load %arg7[%swap3A, %swap3A_48] : memref<10240x128xf32, #tpu.memory_space<vmem>>, vector<10000x128xf32>
    tpu.vector_store %arg7[%swap3A, %swap3A_48], %mul3A_47 {strides = array<i32>} : memref<10240x128xf32, #tpu.memory_space<vmem>>, vector<10000x128xf32>,
    return
  }
}

module attributes {stable_mosaic.version = 14 : i64} {
  func.func @body(%arg0: memref<10240x128xf32, #tpu.memory_space<vmem>>, %arg1: memref<10240x128xf32, #tpu.memory_space<vmem>>, %arg2: memref<10000x1xf32, #tpu.memory_space<vmem>>, %arg3: memref<128xf32, #tpu.memory_space<vmem>>, %arg4: memref<128xf32, #tpu.memory_space<vmem>>, %arg5: memref<128xf32, #tpu.memory_space<vmem>>, %arg6: memref<10000x128xf32, #tpu.memory_space<vmem>>) attributes {dimension_semantics = [], scalar_prefetch = 0 : i64, scratch_operands = 0 : i64, tpu.core_type = #tpu.core_type<tc>} {
    %get3A = arith.constant 0 : index
    %get3A_0 = arith.constant 0 : index
    %get3A_1 = vector.load %arg2[%get3A, %get3A_0] : memref<10000x1xf32, #tpu.memory_space<vmem>>, vector<10000x1xf32>
    %get3A_2 = arith.constant 0 : index
    %get3A_3 = arith.constant 0 : index
    %get3A_4 = vector.load %arg0[%get3A_2, %get3A_3] : memref<10240x128xf32, #tpu.memory_space<vmem>>, vector<10000x128xf32>
    %get3A_5 = arith.constant 0 : index
    %get3A_6 = arith.constant 0 : index
    %get3A_7 = vector.load %arg1[%get3A_5, %get3A_6] : memref<10240x128xf32, #tpu.memory_space<vmem>>, vector<10000x128xf32>
    %add3A = arith.addf %get3A_4, %get3A_7 : vector<10000x128xf32>
    %mul3A = vector.broadcast %get3A_1 : vector<10000x1xf32> to vector<10000x128xf32>
    %mul3A_8 = arith.mulf %mul3A, %add3A : vector<10000x128xf32>
    %get3A_9 = arith.constant 0 : index
    %get3A_10 = vector.load %arg3[%get3A_9] : memref<128xf32, #tpu.memory_space<vmem>>, vector<128xf32>
    %broadcast_in_dim3A = vector.shape_cast %get3A_10 : vector<128xf32> to vector<1x128xf32>
    %add3A_11 = vector.broadcast %broadcast_in_dim3A : vector<1x128xf32> to vector<10000x128xf32>
    %add3A_12 = arith.addf %mul3A_8, %add3A_11 : vector<10000x128xf32>
    %get3A_13 = arith.constant 0 : index
    %get3A_14 = vector.load %arg4[%get3A_13] : memref<128xf32, #tpu.memory_space<vmem>>, vector<128xf32>
    %get3A_15 = arith.constant 0 : index
    %get3A_16 = vector.load %arg5[%get3A_15] : memref<128xf32, #tpu.memory_space<vmem>>, vector<128xf32>
    %reduce_sum3A = arith.constant dense<0.000000e+00> : vector<128xf32>
    %reduce_sum3A_17 = vector.multi_reduction <add>, %add3A_12, %reduce_sum3A [0] : vector<10000x128xf32> to vector<128xf32>
    %broadcast_in_dim3A_18 = vector.shape_cast %reduce_sum3A_17 : vector<128xf32> to vector<1x128xf32>
    %div3A = arith.constant 1.000000e+04 : f32
    %div3A_19 = vector.broadcast %div3A : f32 to vector<1x128xf32>
    %div3A_20 = arith.divf %broadcast_in_dim3A_18, %div3A_19 : vector<1x128xf32>
    %sub3A = vector.broadcast %div3A_20 : vector<1x128xf32> to vector<10000x128xf32>
    %sub3A_21 = arith.subf %add3A_12, %sub3A : vector<10000x128xf32>
    %mul3A_22 = arith.mulf %sub3A_21, %sub3A_21 : vector<10000x128xf32>
    %reduce_sum3A_23 = arith.constant dense<0.000000e+00> : vector<128xf32>
    %reduce_sum3A_24 = vector.multi_reduction <add>, %mul3A_22, %reduce_sum3A_23 [0] : vector<10000x128xf32> to vector<128xf32>
    %broadcast_in_dim3A_25 = vector.shape_cast %reduce_sum3A_24 : vector<128xf32> to vector<1x128xf32>
    %div3A_26 = arith.constant 1.000000e+04 : f32
    %div3A_27 = vector.broadcast %div3A_26 : f32 to vector<1x128xf32>
    %div3A_28 = arith.divf %broadcast_in_dim3A_25, %div3A_27 : vector<1x128xf32>
    %add3A_29 = arith.constant 9.99999974E-6 : f32
    %add3A_30 = vector.broadcast %add3A_29 : f32 to vector<1x128xf32>
    %add3A_31 = arith.addf %div3A_28, %add3A_30 : vector<1x128xf32>
    %sqrt3A = math.sqrt %add3A_31 : vector<1x128xf32>
    %div3A_32 = vector.broadcast %sqrt3A : vector<1x128xf32> to vector<10000x128xf32>
    %div3A_33 = arith.divf %sub3A_21, %div3A_32 : vector<10000x128xf32>
    %broadcast_in_dim3A_34 = vector.shape_cast %get3A_14 : vector<128xf32> to vector<1x128xf32>
    %mul3A_35 = vector.broadcast %broadcast_in_dim3A_34 : vector<1x128xf32> to vector<10000x128xf32>
    %mul3A_36 = arith.mulf %div3A_33, %mul3A_35 : vector<10000x128xf32>
    %broadcast_in_dim3A_37 = vector.shape_cast %get3A_16 : vector<128xf32> to vector<1x128xf32>
    %add3A_38 = vector.broadcast %broadcast_in_dim3A_37 : vector<1x128xf32> to vector<10000x128xf32>
    %add3A_39 = arith.addf %mul3A_36, %add3A_38 : vector<10000x128xf32>
    %swap3A = arith.constant 0 : index
    %swap3A_40 = arith.constant 0 : index
    %swap3A_41 = vector.load %arg6[%swap3A, %swap3A_40] : memref<10000x128xf32, #tpu.memory_space<vmem>>, vector<10000x128xf32>
    tpu.vector_store %arg6[%swap3A, %swap3A_40], %add3A_39 {strides = array<i32>} : memref<10000x128xf32, #tpu.memory_space<vmem>>, vector<10000x128xf32>,
    return
  }
}

</mosaic_0001>

<sc_bundles>
// kernel: kernel.12.cloned.1.call-start
scs
__scs_entry_jumppad:
0x0: {  	(pc) =	sbr.rel $0x88, $3  }
0x1: {  	(tag) =	ssettag $0x0;
	lr =	simm.s32 $0x1  }
0x2: {  	[smem:$0x3F93] =	sst lr;
	_ =	strace $0xD0000000  }
0x3: {  	_ = 	snop  }
0x4: {  	_ = 	snop  }
0x5: {  	_ = 	snop  }
0x6: {  	_ = 	snop  }
0x7: {  	_ = 	snop  }
__scs_overlays_trampoline_lowered:
0x8: {  	[smem:$0x3FA2] =	sst s0  }
0x9: {  	[smem:$0x3FA3] =	sst s1  }
0xa: {  	[smem:$0x3FA4] =	sst s2  }
0xb: {  	[smem:$0x3FA5] =	sst s3  }
0xc: {  	[smem:$0x3FA6] =	sst s4  }
0xd: {  	[smem:$0x3FA7] =	sst s5  }
0xe: {  	[smem:$0x3FA8] =	sst s6  }
0xf: {  	[smem:$0x3FA9] =	sst s7  }
0x10: {  	[smem:$0x3FAA] =	sst s8  }
0x11: {  	[smem:$0x3FAB] =	sst s9;
	s0 =	simm.s32 @!p0 $0x0  }
0x12: {  	s1 =	sld [smem:$0x3F91];
	s0 =	simm.s32 @p0 $0x1  }
0x13: {  	[smem:$0x3FAC] =	sst s0;
	s0 =	simm.s32 @!p1 $0x0  }
0x14: {  	s2 =	sld [smem:$0x3F90];
	s0 =	simm.s32 @p1 $0x1  }
0x15: {  	[smem:$0x3FAD] =	sst s0;
	s0 =	simm.s32 @!p2 $0x0  }
0x16: {  	s3 =	sld [smem:$0x3FDB];
	s0 =	simm.s32 @p2 $0x1  }
0x17: {  	s4 =	simm.s32 $0x1BF5;
	[smem:$0x3FAF] =	sst s0  }
0x18: {  	s0 =	sld [smem:$0x3F92];
	_ =	swait.ge [sflag:s4], $0x0  }
0x19: {  	s7 =	sld [smem:$0x3F93]  }
0x1a: {  	s8 =	sadd.s32 $0xFFFFE003, lr  }
0x1b: {  	s9 =	sadd.s32 $0xFFFFFEF7, lr;
	s5 =	simm.s32 $0xFFFFFFFF;
	p2 =	slt.u32 s8, $0xFFFFF086  }
0x1c: {  	p1 =	slt.u32 s9, $0xF7A;
	s5 =	simm.s32 @!p2 $0x0  }
0x1d: {  	s5 =	simm.s32 @p1 $0x1;
	p0 =	seq.s32 s7, s2  }
0x1e: {  	s7 =	smul.u32 @!p0 $0xF7A, s2;
	p2 =	seq.s32 @!p0 s5, $0x0  }
0x1f: {  	s9 =	smul.u32 $0xF7A, s1;
	s8 =	simm.s32 @!p0 $0x1BF5;
	p2 =	por !p2, p0  }
0x20: {  	[sflag:s8] =	ssyncset.s32 @!p0 $0xFFFFF086;
	s6 =	sadd.s32 @!p0 s3, s7;
	s7 =	simm.s32 @!p0 $0x108  }
0x21: {  	s3 =	sadd.s32 s3, s9;
	s6 =	sadd.s32 @!p0 $0x88, s6;
	s7 =	simm.s32 @p2 $0x1082  }
0x22: {  	[simem:s7], [sflag:s8] =	dma.local @!p0 [hbm:s6], $0xF7A  }
0x23: {  	s9 =	sor.u32 $0xD0000000, s2;
	s6 =	simm.s32 $0x108;
	_ =	swait.ge @!p0 [sflag:s8], $0x0  }
0x24: {  	s3 =	sadd.s32 $0x88, s3;
	s6 =	simm.s32 @!p1 $0x1082;
	[sflag:s4] =	ssyncset.s32 $0xFFFFF086  }
0x25: {  	[simem:s6], [sflag:s4] =	dma.local [hbm:s3], $0xF7A  }
0x26: {  	[smem:$0x3F93] =	sst s1;
	(tag) =	ssettag s2;
	_ =	strace s9  }
0x27: {  	s1 =	sld [smem:$0x3FA3]  }
0x28: {  	s2 =	sld [smem:$0x3FA4]  }
0x29: {  	s4 =	sld [smem:$0x3FA6]  }
0x2a: {  	p0 =	seq.s32 s5, $0x0;
	s5 =	sld [smem:$0x3FA7]  }
0x2b: {  	s6 =	sld [smem:$0x3FA8]  }
0x2c: {  	s7 =	sld [smem:$0x3FA9]  }
0x2d: {  	s3 =	simm.s32 $0x108;
	s8 =	sld [smem:$0x3FAA]  }
0x2e: {  	s3 =	simm.s32 @!p0 $0x1082;
	s9 =	sld [smem:$0x3FAB]  }
0x2f: {  	lr =	sadd.s32 s0, s3;
	s0 =	sld [smem:$0x3FA2]  }
0x30: {  	s3 =	sld [smem:$0x3FA5]  }
0x31: {  	[smem:$0x3FAE] =	sst s10  }
0x32: {  	s10 =	sld [smem:$0x3FAC];
	_ =	sdelay $0x3  }
0x33: {  	p0 =	seq.s32 s10, $0x1;
	s10 =	sld [smem:$0x3FAE];
	_ =	sdelay $0x3  }
0x34: {  	[smem:$0x3FAE] =	sst s10  }
0x35: {  	s10 =	sld [smem:$0x3FAD];
	_ =	sdelay $0x3  }
0x36: {  	p1 =	seq.s32 s10, $0x1;
	s10 =	sld [smem:$0x3FAE];
	_ =	sdelay $0x3  }
0x37: {  	[smem:$0x3FAE] =	sst s10  }
0x38: {  	s10 =	sld [smem:$0x3FAF]  }
0x39: {  	_ = 	snop;
	(pc) =	sbr.ind lr, $3  }
0x3a: {  	_ = 	snop  }
0x3b: {  	_ = 	snop  }
0x3c: {  	p2 =	seq.s32 s10, $0x1;
	s10 =	sld [smem:$0x3FAE]  }
0x3d: {  	_ =	shalt  }
0x3e: {  	_ =	shalt  }
0x3f: {  	_ =	shalt  }
0x40: {  	_ =	shalt  }
0x41: {  	_ =	shalt  }
0x42: {  	_ =	shalt  }
0x43: {  	_ =	shalt  }
0x44: {  	_ =	shalt  }
0x45: {  	_ =	shalt  }
0x46: {  	_ =	shalt  }
0x47: {  	_ =	shalt  }
0x48: {  	_ =	shalt  }
0x49: {  	_ =	shalt  }
0x4a: {  	_ =	shalt  }
0x4b: {  	_ =	shalt  }
0x4c: {  	_ =	shalt  }
0x4d: {  	_ =	shalt  }
0x4e: {  	_ =	shalt  }
0x4f: {  	_ =	shalt  }
0x50: {  	_ =	shalt  }
0x51: {  	_ =	shalt  }
0x52: {  	_ =	shalt  }
0x53: {  	_ =	shalt  }
0x54: {  	_ =	shalt  }
0x55: {  	_ =	shalt  }
0x56: {  	_ =	shalt  }
0x57: {  	_ =	shalt  }
0x58: {  	_ =	shalt  }
0x59: {  	_ =	shalt  }
0x5a: {  	_ =	shalt  }
0x5b: {  	_ =	shalt  }
0x5c: {  	_ =	shalt  }
0x5d: {  	_ =	shalt  }
0x5e: {  	_ =	shalt  }
0x5f: {  	_ =	shalt  }
0x60: {  	_ =	shalt  }
0x61: {  	_ =	shalt  }
0x62: {  	_ =	shalt  }
0x63: {  	_ =	shalt  }
0x64: {  	_ =	shalt  }
0x65: {  	_ =	shalt  }
0x66: {  	_ =	shalt  }
0x67: {  	_ =	shalt  }
0x68: {  	_ =	shalt  }
0x69: {  	_ =	shalt  }
0x6a: {  	_ =	shalt  }
0x6b: {  	_ =	shalt  }
0x6c: {  	_ =	shalt  }
0x6d: {  	_ =	shalt  }
0x6e: {  	_ =	shalt  }
0x6f: {  	_ =	shalt  }
0x70: {  	_ =	shalt  }
0x71: {  	_ =	shalt  }
0x72: {  	_ =	shalt  }
0x73: {  	_ =	shalt  }
0x74: {  	_ =	shalt  }
0x75: {  	_ =	shalt  }
0x76: {  	_ =	shalt  }
0x77: {  	_ =	shalt  }
0x78: {  	_ =	shalt  }
0x79: {  	_ =	shalt  }
0x7a: {  	_ =	shalt  }
0x7b: {  	_ =	shalt  }
0x7c: {  	_ =	shalt  }
0x7d: {  	_ =	shalt  }
0x7e: {  	_ =	shalt  }
0x7f: {  	_ =	shalt  }
0x80: {  	_ =	shalt  }
0x81: {  	_ =	shalt  }
0x82: {  	_ =	shalt  }
0x83: {  	_ =	shalt  }
0x84: {  	_ =	shalt  }
0x85: {  	_ =	shalt  }
0x86: {  	_ =	shalt  }
0x87: {  	_ =	shalt  }
.Lfunc_end0:
.L_simem_size_0:
called_computation.1_lowered:
.L_overlay_start_0:
0x88: {  	s2 =	sld [smem:$0x3FD9]  }
0x89: {  	s3 =	sld [smem:$0x3FFE];
	_ =	sdelay $0x1  }
0x8a: {  	s1 =	srdreg.scid  }
0x8b: {  	s0 =	sand.u32 $0x1, s1  }
0x8c: {  	s17 =	sshll.u32 s0, $0xA;
	s2 =	sadd.s32 s3, s2  }
0x8d: {  	s2 =	sadd.s32 s2, s17  }
0x8e: {  	[smem:$0x3FBA] =	sst s2  }
0x8f: {  	_ = 	snop  }
0x90: {  	s2 =	sld [smem:$0x3FD0];
	(tm) =	ssettm $0x1  }
0x91: {  	s18 =	sld [smem:$0x3FFB];
	_ =	sdelay $0x3  }
0x92: {  	_ =	strace s18  }
0x93: {  	s3 =	sld [smem:$0x3FFC];
	_ =	sdelay $0x3  }
0x94: {  	_ =	strace s3  }
0x95: {  	s3 =	sld [smem:$0x3FFD];
	_ =	sdelay $0x3  }
0x96: {  	_ =	strace s3  }
0x97: {  	_ =	strace $0x8FFFFFFF  }
0x98: {  	s19 =	sld [smem:$0x3FDB];
	_ =	sdelay $0x1  }
0x99: {  	s4 =	simm.s32 $_scs_section_size  }
0x9a: {  	s5 =	simm.s32 $_size__tile_overlayer_lowered;
	s6 =	simm.s32 $_tile_overlayer_lowered  }
0x9b: {  	s22 =	simm.s32 $0x1BFF;
	s21 =	sshll.u32 s6, $0x1;
	s3 =	sadd.s32 s4, s19  }
0x9c: {  	s7 =	simm.s32 $0x0;
	s20 =	sshll.u32 s5, $0x1;
	s5 =	sadd.s32 s21, s3  }
0x9d: {  	[timem:s7], [sflag:s22] =	dma.local [hbm:s5], s20  }
0x9e: {  	_ =	swait.ge [sflag:s22], s20  }
0x9f: {  	s4 =	ssub.s32 $0x0, s20;
	[sflag:s22] =	ssyncset.done $0x0  }
0xa0: {  	[sflag:s22] =	ssyncadd.s32 s4;
	_ =	sdelay $0x1  }
0xa1: {  	s23 =	simm.s32 $0x1B8B  }
0xa2: {  	_ =	swait.ge [sflag:s23], $0x1  }
0xa3: {  	[sflag:s23] =	ssyncset.done $0x0  }
0xa4: {  	s25 =	simm.s32 $0x1B8E;
	s24 =	sld [smem:$0x3FFE];
	[sflag:s23] =	ssyncadd.s32 $0xFFFFFFFF  }
0xa5: {  	s26 =	simm.s32 $execute0_lowered;
	[smem:$0x3FD2] =	sst s25  }
0xa6: {  	s5 =	sshll.u32 s26, $0x1;
	_ =	strace $0x80000049;
	[dreg:$0x1] =	wrdreg $0xFFFFFFFF  }
0xa7: {  	s28 =	simm.s32 $_size_execute0_lowered;
	s3 =	sadd.s32 s3, s5;
	[dreg:$0x0] =	wrdreg $0x0  }
0xa8: {  	s5 =	sshll.u32 s28, $0x1;
	[dreg:$0x2] =	wrdreg s3  }
0xa9: {  	[dreg:$0x3] =	wrdreg s5  }
0xaa: {  	[dreg:$0x4] =	wrdreg $0xC0  }
0xab: {  	_ =	task [dreg:s7], $0x5FFFF  }
0xac: {  	[dreg:$0x1] =	wrdreg $0xFFFFFFFF  }
0xad: {  	[dreg:$0x0] =	wrdreg $0x60  }
0xae: {  	[dreg:$0x2] =	wrdreg s24  }
0xaf: {  	[dreg:$0x3] =	wrdreg s2  }
0xb0: {  	[dreg:$0x4] =	wrdreg $0xA5000  }
0xb1: {  	[dreg:$0x5] =	wrdreg $0x145000  }
0xb2: {  	[dreg:$0x6] =	wrdreg $0x9  }
0xb3: {  	_ =	task.clear_ibuf [dreg:s7], $0x7FFFF;
	_ =	strace $0x90000049  }
0xb4: {  	s29 =	simm.s32 $0x9;
	_ =	strace $0x8000004B  }
0xb5: {  	_ =	swait.ge [sflag:s29], $0x1  }
0xb6: {  	[sflag:s29] =	ssyncadd.s32 $0xFFFFFFFF  }
0xb7: {  	_ =	strace $0x9000004B  }
0xb8: {  	_ =	sfence  }
0xb9: {  	s30 =	sld [smem:$0x0];
	_ =	sdelay $0x2  }
0xba: {  	s31 =	sshll.u32 s1, $0xD;
	s1 =	sshrl.u32 s1, $0x2  }
0xbb: {  	s3 =	sand.u32 $0x4000, s31;
	s1 =	sadd.s32 s1, s30  }
0xbc: {  	s0 =	sor.u32 s3, s0;
	s1 =	sshll.u32 s1, $0x11  }
0xbd: {  	s0 =	sor.u32 s1, s0  }
0xbe: {  	s0 =	sadd.s32 $0x8F2B, s0  }
0xbf: {  	[sflag:s0] =	ssyncadd.remote.s32 $0x1  }
0xc0: {  	_ =	sfence.sel $0xFFFF  }
0xc1: {  	[dreg:$0x0] =	wrdreg $0xFFFFFFFF;
	(pc) =	sbr.abs _section_cstart, $3  }
0xc2: {  	[dreg:$0x1] =	wrdreg $0xFFFFFFFF  }
0xc3: {  	_ =	task.clear_ibuf [dreg:s7], $0x2FFFF;
	_ =	strace $0x9FFFFFFF  }
0xc4: {  	(tm) =	ssettm $0x7FFFFFFF  }
0xc5: {  	_ =	shalt  }
tec
execute0_lowered:
.L_overlay_start_1:
0x0: {  	(tag) =	ssettag $0x1  }
0x1: {  	s0 =	rddreg [dreg:$0x0]  }
0x2: {  	s3 =	rddreg [dreg:$0x2]  }
0x3: {  	s4 =	rddreg [dreg:$0x3];
	s1 =	srdreg.scid  }
0x4: {  	s12 =	stileid.u32;
	s5 =	simm.s32 $0x0;
	s28 =	simm.s32 $0x100  }
0x5: {  	s29 =	simm.s32 $0x4500;
	s30 =	simm.s32 $0x6;
	s31 =	simm.s32 $0x6500  }
0x6: {  	s13 =	simm.s32 $0x0;
	s1 =	sand.u32 $0x1, s1;
	s2 =	smul.u32 $0x14000, s12  }
0x7: {  	[smem:$0x7FF] =	sst s5;
	s7 =	sadd.s32 $0xB400, s0;
	s9 =	smul.u32 $0xA000, s12  }
0x8: {  	s8 =	sadd.s32 $0x600, s0;
	s17 =	sshll.u32 s12, $0x6;
	s10 =	smul.u32 $0x5000, s12  }
0x9: {  	s21 =	smul.u32 $0xA00, s12;
	s12 =	simm.s32 $0x4;
	s6 =	sshll.u32 s1, $0x6  }
0xa: {  	_ =	strace $0x8000004A;
	s1 =	ssub.s32 $0x2, s1;
	s2 =	sor.u32 s6, s2  }
0xb: {  	s16 =	sshrl.u32 s1, $0x1;
	s11 =	sadd.s32 s9, s3;
	s6 =	sor.u32 $0x1C07, s17  }
0xc: {  	s18 =	sadd.s32 s9, s4;
	s20 =	sshrl.u32 s10, $0x3;
	s14 =	sadd.s32 s21, s7  }
0xd: {  	s10 =	simm.s32 $0x3;
	s2 =	sshrl.u32 s2, $0x3;
	s1 =	ssub.s32 s1, s16  }
0xe: {  	s22 =	sadd.s32 s7, s20;
	s23 =	sadd.s32 s8, s20;
	s9 =	sor.u32 $0x30, s20  }
0xf: {  	s17 =	sshrl.u32 s11, $0x3;
	s16 =	simm.s32 $0x7;
	s26 =	sshrl.u32 s18, $0x3  }
0x10: {  	s18 =	simm.s32 $0x1;
	s20 =	simm.s32 $0x10;
	[dreg:$0x7] =	wrdreg s22  }
0x11: {  	s11 =	simm.s32 $0x480;
	s0 =	sadd.s32 s2, s0;
	[dreg:$0x8] =	wrdreg s23  }
0x12: {  	s24 =	sadd.s32 s7, s9;
	s9 =	sadd.s32 s8, s9;
	s8 =	sadd.s32 s21, s8  }
0x13: {  	s25 =	smax.u32 s1, $0x1;
	[dreg:$0xe] =	wrdreg s26;
	s21 =	simm.s32 $0x180  }
0x14: {  	s22 =	simm.s32 $0x300;
	s23 =	simm.s32 $0x400;
	[dreg:$0xd] =	wrdreg s17  }
0x15: {  	s26 =	simm.s32 $0x2500;
	s2 =	simm.s32 $0x8500;
	[dreg:$0x9] =	wrdreg s24  }
0x16: {  	s1 =	simm.s32 $0x200;
	s7 =	simm.s32 $0x280;
	[dreg:$0xa] =	wrdreg s9  }
0x17: {  	s19 =	sadd.s32 $0x15400, s0;
	s0 =	sadd.s32 $0x64600, s0;
	[dreg:$0xc] =	wrdreg s25  }
0x18: {  	[dreg:$0x5] =	wrdreg s8;
	s24 =	simm.s32 $0x80;
	s25 =	simm.s32 $0x500  }
0x19: {  	s8 =	simm.s32 $0x2;
	s9 =	simm.s32 $0x5;
	[dreg:$0x6] =	wrdreg s19  }
0x1a: {  	[dreg:$0xb] =	wrdreg s0;
	s19 =	simm.s32 $0x8;
	s0 =	simm.s32 $0x380  }
.LBB2_1:
0x1b: {  	s15 =	rddreg [dreg:$0x1]  }
0x1c: {  	[spmem:s17], [sflag:s6] =	dma.local [hbm:s15], $0x1400  }
0x1d: {  	_ =	swait.ge [sflag:s16], $0x1400  }
0x1e: {  	[sflag:s16] =	ssyncset.done $0x0;
	s15 =	rddreg [dreg:$0x6]  }
0x1f: {  	s17 =	rddreg [dreg:$0xe];
	[sflag:s16] =	ssyncadd.s32 $0xFFFFEC00  }
0x20: {  	[spmem:s17@s19], [sflag:s6] =	dma.strided [hbm:s15@s20], $0x1400, s18, $0x8   }
0x21: {  	_ =	swait.ge [sflag:s16], $0x1400  }
0x22: {  	[sflag:s16] =	ssyncset.done $0x0  }
0x23: {  	[sflag:s16] =	ssyncadd.s32 $0xFFFFEC00  }
0x24: {  	[bflag:$0x0] =	sbarrier.arrive $0xFFFF  }
0x25: {  	s20 =	rddreg [dreg:$0x7]  }
0x26: {  	[tilespmem:s5], [sflag:$0x7] =	stream.linear.gather [hbm4b:s20+s5], $0x180, $0x38;
	[tilespmem:$0x1E500] =	vst v63  }
0x27: {  	_ =	swait.ge [sflag:s16], $0x180  }
0x28: {  	[sflag:s16] =	ssyncset.done $0x0  }
0x29: {  	s17 =	rddreg [dreg:$0x8];
	[sflag:s16] =	ssyncadd.s32 $0xFFFFFE80  }
0x2a: {  	[tilespmem:s21], [sflag:$0x7] =	stream.linear.gather [hbm4b:s17+s5], $0x180, $0x38;
	[tilespmem:$0x1E500] =	vst v63  }
0x2b: {  	_ =	swait.ge [sflag:s16], $0x180  }
0x2c: {  	[sflag:s16] =	ssyncset.done $0x0  }
0x2d: {  	s19 =	rddreg [dreg:$0x9];
	[sflag:s16] =	ssyncadd.s32 $0xFFFFFE80  }
0x2e: {  	[tilespmem:s22], [sflag:$0x6] =	stream.linear.gather [hbm4b:s19+s5], $0x100, $0x38;
	[tilespmem:$0x1E500] =	vst v63  }
0x2f: {  	s20 =	rddreg [dreg:$0xa]  }
0x30: {  	[tilespmem:s23], [sflag:$0x6] =	stream.linear.gather [hbm4b:s20+s5], $0x100, $0x38;
	[tilespmem:$0x1E500] =	vst v63  }
0x31: {  	_ = 	snop  }
0x32: {  	[tilespmem:s25], [sflag:$0x1] =	stream.indirect.gather [spmem:s4], $0x40, s5, s24, $0xb8;
	[tilespmem:$0x1E500] =	vst v63  }
0x33: {  	_ = 	snop  }
0x34: {  	[tilespmem:s26], [sflag:$0x1] =	stream.indirect.gather [spmem:s4], $0x40, s24, s24, $0xb8;
	[tilespmem:$0x1E500] =	vst v63  }
0x35: {  	_ = 	snop  }
0x36: {  	[tilespmem:s29], [sflag:$0x1] =	stream.indirect.gather [spmem:s4], $0x40, s28, s24, $0xb8;
	[tilespmem:$0x1E500] =	vst v63  }
0x37: {  	_ =	swait.ge [sflag:s30], $0x100  }
0x38: {  	[sflag:s30] =	ssyncset.done $0x0  }
0x39: {  	[sflag:s30] =	ssyncadd.s32 $0xFFFFFF00  }
0x3a: {  	_ =	swait.ge [sflag:s30], $0x100  }
0x3b: {  	[sflag:s30] =	ssyncset.done $0x0  }
0x3c: {  	[sflag:s30] =	ssyncadd.s32 $0xFFFFFF00  }
0x3d: {  	[tilespmem:s31], [sflag:$0x3] =	stream.indirect.gather [spmem:s4], $0x40, s22, s24, $0xb8;
	[tilespmem:$0x1E500] =	vst v63  }
0x3e: {  	_ = 	snop  }
0x3f: {  	[tilespmem:s2], [sflag:$0x3] =	stream.indirect.gather [spmem:s4], $0x40, s0, s24, $0xb8;
	[tilespmem:$0x1E500] =	vst v63  }
0x40: {  	_ =	swait.ge [sflag:s18], $0x2000  }
0x41: {  	[sflag:s18] =	ssyncset.done $0x0  }
0x42: {  	[sflag:s18] =	ssyncadd.s32 $0xFFFFE000  }
0x43: {  	_ =	swait.ge [sflag:s18], $0x2000  }
0x44: {  	[sflag:s18] =	ssyncset.done $0x0  }
0x45: {  	[sflag:s18] =	ssyncadd.s32 $0xFFFFE000  }
0x46: {  	_ =	swait.ge [sflag:s18], $0x2000  }
0x47: {  	s17 =	sadd.s32 $0xFFFFF650, s14;
	[sflag:s18] =	ssyncset.done $0x0  }
0x48: {  	s15 =	sadd.s32 $0xA00, s17;
	[sflag:s18] =	ssyncadd.s32 $0xFFFFE000  }
0x49: {  	[tilespmem:s5], [sflag:$0x5] =	stream.linear.gather [hbm4b:s15+s5], $0x180, $0x38;
	[tilespmem:$0x1E500] =	vst v63  }
0x4a: {  	_ = 	snop  }
0x4b: {  	[spmem:s3] =	stream.indirect.scatter.add.f32 [tilespmem:s25], [sflag:$0x2], $0x40, s21, s24, $0xb8;
	[tilespmem:$0x1E500] =	vst v63  }
0x4c: {  	_ = 	snop  }
0x4d: {  	[spmem:s3] =	stream.indirect.scatter.add.f32 [tilespmem:s26], [sflag:$0x2], $0x40, s1, s24, $0xb8;
	[tilespmem:$0x1E500] =	vst v63  }
0x4e: {  	_ = 	snop  }
0x4f: {  	[spmem:s3] =	stream.indirect.scatter.add.f32 [tilespmem:s29], [sflag:$0x2], $0x40, s7, s24, $0xb8;
	[tilespmem:$0x1E500] =	vst v63  }
0x50: {  	_ =	swait.ge [sflag:s8], $0x2000  }
0x51: {  	[sflag:s8] =	ssyncset.done $0x0  }
0x52: {  	[sflag:s8] =	ssyncadd.s32 $0xFFFFE000  }
0x53: {  	_ =	swait.ge [sflag:s8], $0x2000  }
0x54: {  	[sflag:s8] =	ssyncset.done $0x0  }
0x55: {  	[sflag:s8] =	ssyncadd.s32 $0xFFFFE000  }
0x56: {  	_ =	swait.ge [sflag:s8], $0x2000  }
0x57: {  	s20 =	rddreg [dreg:$0x5]  }
0x58: {  	[sflag:s8] =	ssyncset.done $0x0;
	s15 =	sadd.s32 $0xFFFFF650, s20  }
0x59: {  	[sflag:s8] =	ssyncadd.s32 $0xFFFFE000;
	s19 =	sadd.s32 $0xA00, s15  }
0x5a: {  	[tilespmem:s21], [sflag:$0x5] =	stream.linear.gather [hbm4b:s19+s5], $0x180, $0x38;
	[tilespmem:$0x1E500] =	vst v63  }
0x5b: {  	_ =	swait.ge [sflag:s9], $0x180  }
0x5c: {  	[sflag:s9] =	ssyncset.done $0x0  }
0x5d: {  	[sflag:s9] =	ssyncadd.s32 $0xFFFFFE80  }
0x5e: {  	_ =	swait.ge [sflag:s9], $0x180  }
0x5f: {  	[sflag:s9] =	ssyncset.done $0x0  }
0x60: {  	[sflag:s9] =	ssyncadd.s32 $0xFFFFFE80  }
0x61: {  	[tilespmem:s25], [sflag:$0x1] =	stream.indirect.gather [spmem:s4], $0x40, s5, s24, $0xb8;
	[tilespmem:$0x1E500] =	vst v63  }
0x62: {  	_ = 	snop  }
0x63: {  	[tilespmem:s26], [sflag:$0x1] =	stream.indirect.gather [spmem:s4], $0x40, s24, s24, $0xb8;
	[tilespmem:$0x1E500] =	vst v63  }
0x64: {  	_ = 	snop  }
0x65: {  	[tilespmem:s29], [sflag:$0x1] =	stream.indirect.gather [spmem:s4], $0x40, s28, s24, $0xb8;
	[tilespmem:$0x1E500] =	vst v63  }
0x66: {  	_ =	swait.ge [sflag:s10], $0x2000  }
0x67: {  	[sflag:s10] =	ssyncset.done $0x0  }
0x68: {  	[sflag:s10] =	ssyncadd.s32 $0xFFFFE000  }
0x69: {  	_ =	swait.ge [sflag:s10], $0x2000  }
0x6a: {  	[sflag:s10] =	ssyncset.done $0x0  }
0x6b: {  	[sflag:s10] =	ssyncadd.s32 $0xFFFFE000  }
0x6c: {  	[spmem:s3] =	stream.indirect.scatter.add.f32 [tilespmem:s31], [sflag:$0x4], $0x40, s23, s24, $0xb8;
	[tilespmem:$0x1E500] =	vst v63  }
0x6d: {  	_ = 	snop  }
0x6e: {  	[spmem:s3] =	stream.indirect.scatter.add.f32 [tilespmem:s2], [sflag:$0x4], $0x40, s11, s24, $0xb8;
	[tilespmem:$0x1E500] =	vst v63  }
0x6f: {  	_ =	swait.ge [sflag:s12], $0x2000  }
0x70: {  	[sflag:s12] =	ssyncset.done $0x0  }
0x71: {  	[sflag:s12] =	ssyncadd.s32 $0xFFFFE000  }
0x72: {  	_ =	swait.ge [sflag:s12], $0x2000  }
0x73: {  	[sflag:s12] =	ssyncset.done $0x0  }
0x74: {  	s17 =	sadd.s32 $0xA30, s17;
	[sflag:s12] =	ssyncadd.s32 $0xFFFFE000  }
0x75: {  	[tilespmem:s22], [sflag:$0x6] =	stream.linear.gather [hbm4b:s17+s5], $0x100, $0x38;
	[tilespmem:$0x1E500] =	vst v63  }
0x76: {  	s19 =	simm.s32 $0xFFFFF6A0;
	s17 =	sadd.s32 $0xA30, s15  }
.LBB2_2:
0x77: {  	[tilespmem:s23], [sflag:$0x6] =	stream.linear.gather [hbm4b:s17+s5], $0x100, $0x38;
	[tilespmem:$0x1E500] =	vst v63  }
0x78: {  	_ =	swait.ge [sflag:s30], $0x100  }
0x79: {  	[sflag:s30] =	ssyncset.done $0x0  }
0x7a: {  	[sflag:s30] =	ssyncadd.s32 $0xFFFFFF00  }
0x7b: {  	_ =	swait.ge [sflag:s30], $0x100  }
0x7c: {  	[sflag:s30] =	ssyncset.done $0x0  }
0x7d: {  	[sflag:s30] =	ssyncadd.s32 $0xFFFFFF00  }
0x7e: {  	[tilespmem:s31], [sflag:$0x3] =	stream.indirect.gather [spmem:s4], $0x40, s22, s24, $0xb8;
	[tilespmem:$0x1E500] =	vst v63  }
0x7f: {  	_ = 	snop  }
0x80: {  	[tilespmem:s2], [sflag:$0x3] =	stream.indirect.gather [spmem:s4], $0x40, s0, s24, $0xb8;
	[tilespmem:$0x1E500] =	vst v63  }
0x81: {  	_ =	swait.ge [sflag:s18], $0x2000  }
0x82: {  	[sflag:s18] =	ssyncset.done $0x0  }
0x83: {  	[sflag:s18] =	ssyncadd.s32 $0xFFFFE000  }
0x84: {  	_ =	swait.ge [sflag:s18], $0x2000  }
0x85: {  	[sflag:s18] =	ssyncset.done $0x0  }
0x86: {  	[sflag:s18] =	ssyncadd.s32 $0xFFFFE000  }
0x87: {  	s17 =	smov.u32 s19;
	_ =	swait.ge [sflag:s18], $0x2000  }
0x88: {  	s20 =	sadd.s32 s17, s14;
	[sflag:s18] =	ssyncset.done $0x0  }
0x89: {  	s15 =	sadd.s32 $0xA00, s20;
	[sflag:s18] =	ssyncadd.s32 $0xFFFFE000  }
0x8a: {  	[tilespmem:s5], [sflag:$0x5] =	stream.linear.gather [hbm4b:s15+s5], $0x180, $0x38;
	[tilespmem:$0x1E500] =	vst v63  }
0x8b: {  	_ = 	snop  }
0x8c: {  	[spmem:s3] =	stream.indirect.scatter.add.f32 [tilespmem:s25], [sflag:$0x2], $0x40, s21, s24, $0xb8;
	[tilespmem:$0x1E500] =	vst v63  }
0x8d: {  	_ = 	snop  }
0x8e: {  	[spmem:s3] =	stream.indirect.scatter.add.f32 [tilespmem:s26], [sflag:$0x2], $0x40, s1, s24, $0xb8;
	[tilespmem:$0x1E500] =	vst v63  }
0x8f: {  	_ = 	snop  }
0x90: {  	[spmem:s3] =	stream.indirect.scatter.add.f32 [tilespmem:s29], [sflag:$0x2], $0x40, s7, s24, $0xb8;
	[tilespmem:$0x1E500] =	vst v63  }
0x91: {  	_ =	swait.ge [sflag:s8], $0x2000  }
0x92: {  	[sflag:s8] =	ssyncset.done $0x0  }
0x93: {  	[sflag:s8] =	ssyncadd.s32 $0xFFFFE000  }
0x94: {  	_ =	swait.ge [sflag:s8], $0x2000  }
0x95: {  	[sflag:s8] =	ssyncset.done $0x0  }
0x96: {  	[sflag:s8] =	ssyncadd.s32 $0xFFFFE000  }
0x97: {  	_ =	swait.ge [sflag:s8], $0x2000  }
0x98: {  	s15 =	rddreg [dreg:$0x5]  }
0x99: {  	[sflag:s8] =	ssyncset.done $0x0;
	s15 =	sadd.s32 s17, s15  }
0x9a: {  	[sflag:s8] =	ssyncadd.s32 $0xFFFFE000;
	s17 =	sadd.s32 $0xA00, s15  }
0x9b: {  	[tilespmem:s21], [sflag:$0x5] =	stream.linear.gather [hbm4b:s17+s5], $0x180, $0x38;
	[tilespmem:$0x1E500] =	vst v63  }
0x9c: {  	_ =	swait.ge [sflag:s9], $0x180  }
0x9d: {  	[sflag:s9] =	ssyncset.done $0x0  }
0x9e: {  	[sflag:s9] =	ssyncadd.s32 $0xFFFFFE80  }
0x9f: {  	_ =	swait.ge [sflag:s9], $0x180  }
0xa0: {  	[sflag:s9] =	ssyncset.done $0x0  }
0xa1: {  	[sflag:s9] =	ssyncadd.s32 $0xFFFFFE80  }
0xa2: {  	[tilespmem:s25], [sflag:$0x1] =	stream.indirect.gather [spmem:s4], $0x40, s5, s24, $0xb8;
	[tilespmem:$0x1E500] =	vst v63  }
0xa3: {  	_ = 	snop  }
0xa4: {  	[tilespmem:s26], [sflag:$0x1] =	stream.indirect.gather [spmem:s4], $0x40, s24, s24, $0xb8;
	[tilespmem:$0x1E500] =	vst v63  }
0xa5: {  	_ = 	snop  }
0xa6: {  	[tilespmem:s29], [sflag:$0x1] =	stream.indirect.gather [spmem:s4], $0x40, s28, s24, $0xb8;
	[tilespmem:$0x1E500] =	vst v63  }
0xa7: {  	_ =	swait.ge [sflag:s10], $0x2000  }
0xa8: {  	[sflag:s10] =	ssyncset.done $0x0  }
0xa9: {  	[sflag:s10] =	ssyncadd.s32 $0xFFFFE000  }
0xaa: {  	_ =	swait.ge [sflag:s10], $0x2000  }
0xab: {  	[sflag:s10] =	ssyncset.done $0x0  }
0xac: {  	[sflag:s10] =	ssyncadd.s32 $0xFFFFE000  }
0xad: {  	[spmem:s3] =	stream.indirect.scatter.add.f32 [tilespmem:s31], [sflag:$0x4], $0x40, s23, s24, $0xb8;
	[tilespmem:$0x1E500] =	vst v63  }
0xae: {  	_ = 	snop  }
0xaf: {  	[spmem:s3] =	stream.indirect.scatter.add.f32 [tilespmem:s2], [sflag:$0x4], $0x40, s11, s24, $0xb8;
	[tilespmem:$0x1E500] =	vst v63  }
0xb0: {  	_ =	swait.ge [sflag:s12], $0x2000  }
0xb1: {  	p0 =	sne.s32 s19, $0xFFFFFFB0;
	[sflag:s12] =	ssyncset.done $0x0  }
.Ltmp0:
0xb2: {  	[sflag:s12] =	ssyncadd.s32 $0xFFFFE000;
	(pc) =	sbr.rel @p0 .LBB2_2-.Ltmp0, $4  }
0xb3: {  	_ =	swait.ge [sflag:s12], $0x2000  }
0xb4: {  	s19 =	sadd.s32 $0x50, s19;
	[sflag:s12] =	ssyncset.done $0x0  }
0xb5: {  	s20 =	sadd.s32 $0xA30, s20;
	s17 =	sadd.s32 $0xA30, s15;
	[sflag:s12] =	ssyncadd.s32 $0xFFFFE000  }
0xb6: {  	[tilespmem:s22], [sflag:$0x6] =	stream.linear.gather [hbm4b:s20+s5], $0x100, $0x38;
	[tilespmem:$0x1E500] =	vst v63  }
0xb7: {  	[tilespmem:s23], [sflag:$0x6] =	stream.linear.gather [hbm4b:s17+s5], $0x100, $0x38;
	[tilespmem:$0x1E500] =	vst v63  }
0xb8: {  	_ =	swait.ge [sflag:s30], $0x100  }
0xb9: {  	[sflag:s30] =	ssyncset.done $0x0  }
0xba: {  	[sflag:s30] =	ssyncadd.s32 $0xFFFFFF00  }
0xbb: {  	_ =	swait.ge [sflag:s30], $0x100  }
0xbc: {  	[sflag:s30] =	ssyncset.done $0x0  }
0xbd: {  	[sflag:s30] =	ssyncadd.s32 $0xFFFFFF00  }
0xbe: {  	[tilespmem:s31], [sflag:$0x3] =	stream.indirect.gather [spmem:s4], $0x40, s22, s24, $0xb8;
	[tilespmem:$0x1E500] =	vst v63  }
0xbf: {  	_ = 	snop  }
0xc0: {  	[tilespmem:s2], [sflag:$0x3] =	stream.indirect.gather [spmem:s4], $0x40, s0, s24, $0xb8;
	[tilespmem:$0x1E500] =	vst v63  }
0xc1: {  	_ =	swait.ge [sflag:s18], $0x2000  }
0xc2: {  	[sflag:s18] =	ssyncset.done $0x0  }
0xc3: {  	[sflag:s18] =	ssyncadd.s32 $0xFFFFE000  }
0xc4: {  	_ =	swait.ge [sflag:s18], $0x2000  }
0xc5: {  	[sflag:s18] =	ssyncset.done $0x0  }
0xc6: {  	[sflag:s18] =	ssyncadd.s32 $0xFFFFE000  }
0xc7: {  	_ =	swait.ge [sflag:s18], $0x2000  }
0xc8: {  	[sflag:s18] =	ssyncset.done $0x0  }
0xc9: {  	[sflag:s18] =	ssyncadd.s32 $0xFFFFE000  }
0xca: {  	[spmem:s3] =	stream.indirect.scatter.add.f32 [tilespmem:s25], [sflag:$0x2], $0x40, s21, s24, $0xb8;
	[tilespmem:$0x1E500] =	vst v63  }
0xcb: {  	_ = 	snop  }
0xcc: {  	[spmem:s3] =	stream.indirect.scatter.add.f32 [tilespmem:s26], [sflag:$0x2], $0x40, s1, s24, $0xb8;
	[tilespmem:$0x1E500] =	vst v63  }
0xcd: {  	_ = 	snop  }
0xce: {  	[spmem:s3] =	stream.indirect.scatter.add.f32 [tilespmem:s29], [sflag:$0x2], $0x40, s7, s24, $0xb8;
	[tilespmem:$0x1E500] =	vst v63  }
0xcf: {  	_ =	swait.ge [sflag:s8], $0x2000  }
0xd0: {  	[sflag:s8] =	ssyncset.done $0x0  }
0xd1: {  	[sflag:s8] =	ssyncadd.s32 $0xFFFFE000  }
0xd2: {  	_ =	swait.ge [sflag:s8], $0x2000  }
0xd3: {  	[sflag:s8] =	ssyncset.done $0x0  }
0xd4: {  	[sflag:s8] =	ssyncadd.s32 $0xFFFFE000  }
0xd5: {  	_ =	swait.ge [sflag:s8], $0x2000  }
0xd6: {  	[sflag:s8] =	ssyncset.done $0x0  }
0xd7: {  	[sflag:s8] =	ssyncadd.s32 $0xFFFFE000  }
0xd8: {  	_ =	swait.ge [sflag:s10], $0x2000  }
0xd9: {  	[sflag:s10] =	ssyncset.done $0x0  }
0xda: {  	[sflag:s10] =	ssyncadd.s32 $0xFFFFE000  }
0xdb: {  	_ =	swait.ge [sflag:s10], $0x2000  }
0xdc: {  	[sflag:s10] =	ssyncset.done $0x0  }
0xdd: {  	[sflag:s10] =	ssyncadd.s32 $0xFFFFE000  }
0xde: {  	[spmem:s3] =	stream.indirect.scatter.add.f32 [tilespmem:s31], [sflag:$0x4], $0x40, s23, s24, $0xb8;
	[tilespmem:$0x1E500] =	vst v63  }
0xdf: {  	_ = 	snop  }
0xe0: {  	[spmem:s3] =	stream.indirect.scatter.add.f32 [tilespmem:s2], [sflag:$0x4], $0x40, s11, s24, $0xb8;
	[tilespmem:$0x1E500] =	vst v63  }
0xe1: {  	_ =	swait.ge [sflag:s12], $0x2000  }
0xe2: {  	[sflag:s12] =	ssyncset.done $0x0  }
0xe3: {  	[sflag:s12] =	ssyncadd.s32 $0xFFFFE000  }
0xe4: {  	_ =	swait.ge [sflag:s12], $0x2000  }
0xe5: {  	[sflag:s12] =	ssyncset.done $0x0  }
0xe6: {  	[sflag:s12] =	ssyncadd.s32 $0xFFFFE000  }
0xe7: {  	[bflag:$0x0] =	sbarrier.arrive $0xFFFF  }
0xe8: {  	s15 =	rddreg [dreg:$0xb]  }
0xe9: {  	s19 =	simm.s32 $0x8;
	s20 =	simm.s32 $0x10;
	s17 =	rddreg [dreg:$0xd]  }
0xea: {  	[hbm:s15@s20], [sflag:s6] =	dma.strided [spmem:s17@s19], $0x1400, s18, $0x8   }
0xeb: {  	_ =	swait.ge [sflag:s16], $0x1400  }
0xec: {  	s13 =	sadd.s32 $0x1, s13;
	s15 =	rddreg [dreg:$0xc]  }
0xed: {  	p0 =	sne.s32 s13, s15  }
.Ltmp1:
0xee: {  	_ = 	snop;
	(pc) =	sbr.rel @p0 .LBB2_1-.Ltmp1, $3  }
0xef: {  	_ =	sdelay $0x1  }
0xf0: {  	[sflag:s16] =	ssyncset.done $0x0  }
0xf1: {  	[sflag:s16] =	ssyncadd.s32 $0xFFFFEC00  }
0xf2: {  	_ =	sfence.sel $0x180000  }
0xf3: {  	[bflag:$0x0] =	sbarrier.arrive $0xFFFF  }
0xf4: {  	_ =	strace $0x9000004A  }
0xf5: {  	s0 =	stileid.u32;
	[bflag:$0x2] =	sbarrier.arrive $0xFFFF  }
0xf6: {  	p0 =	sne.s32 s0, $0x0;
	s0 =	rddreg [dreg:$0x4]  }
0xf7: {  	s0 =	sadd.s32 @!p0 $0x100000, s0  }
0xf8: {  	[sflag:s0] =	ssyncadd.tile.s32 @!p0 $0x1;
	_ =	shalt  }
.Lfunc_end2:
_tile_overlayer_lowered:
.L_overlay_start_2:
0xf9: {  	(tag) =	ssettag $0x2  }
0xfa: {  	s0 =	rddreg [dreg:$0x0];
	s2 =	stileid.u32  }
0xfb: {  	s1 =	rddreg [dreg:$0x1];
	p0 =	sne.s32 s2, $0x0  }
0xfc: {  	s3 =	rddreg [dreg:$0x2];
	[bflag:$0x3] =	sbarrier.arrive $0xFFFF;
	s2 =	simm.s32 @!p0 $0x1C07  }
0xfd: {  	[timem:s3], [sflag:s2] =	dma.local @!p0 [hbm:s0], s1  }
0xfe: {  	s0 =	simm.s32 @!p0 $0x7  }
0xff: {  	_ =	swait.ge @!p0 [sflag:s0], s1  }
0x100: {  	s1 =	ssub.s32 @!p0 $0x0, s1;
	[sflag:s0] =	ssyncset.done @!p0 $0x0  }
0x101: {  	[sflag:s0] =	ssyncadd.s32 @!p0 s1  }
0x102: {  	[bflag:$0x3] =	sbarrier.arrive $0xFFFF  }
0x103: {  	_ =	shalt  }

// kernel: kernel.15.cloned.1.call-start
scs
__scs_entry_jumppad:
0x0: {  	(pc) =	sbr.rel $0x88, $3  }
0x1: {  	(tag) =	ssettag $0x0;
	lr =	simm.s32 $0x1  }
0x2: {  	[smem:$0x3F93] =	sst lr;
	_ =	strace $0xD0000000  }
0x3: {  	_ = 	snop  }
0x4: {  	_ = 	snop  }
0x5: {  	_ = 	snop  }
0x6: {  	_ = 	snop  }
0x7: {  	_ = 	snop  }
__scs_overlays_trampoline_lowered:
0x8: {  	[smem:$0x3FA2] =	sst s0  }
0x9: {  	[smem:$0x3FA3] =	sst s1  }
0xa: {  	[smem:$0x3FA4] =	sst s2  }
0xb: {  	[smem:$0x3FA5] =	sst s3  }
0xc: {  	[smem:$0x3FA6] =	sst s4  }
0xd: {  	[smem:$0x3FA7] =	sst s5  }
0xe: {  	[smem:$0x3FA8] =	sst s6  }
0xf: {  	[smem:$0x3FA9] =	sst s7  }
0x10: {  	[smem:$0x3FAA] =	sst s8  }
0x11: {  	[smem:$0x3FAB] =	sst s9;
	s0 =	simm.s32 @!p0 $0x0  }
0x12: {  	s1 =	sld [smem:$0x3F91];
	s0 =	simm.s32 @p0 $0x1  }
0x13: {  	[smem:$0x3FAC] =	sst s0;
	s0 =	simm.s32 @!p1 $0x0  }
0x14: {  	s2 =	sld [smem:$0x3F90];
	s0 =	simm.s32 @p1 $0x1  }
0x15: {  	[smem:$0x3FAD] =	sst s0;
	s0 =	simm.s32 @!p2 $0x0  }
0x16: {  	s3 =	sld [smem:$0x3FDB];
	s0 =	simm.s32 @p2 $0x1  }
0x17: {  	s4 =	simm.s32 $0x1BF5;
	[smem:$0x3FAF] =	sst s0  }
0x18: {  	s0 =	sld [smem:$0x3F92];
	_ =	swait.ge [sflag:s4], $0x0  }
0x19: {  	s7 =	sld [smem:$0x3F93]  }
0x1a: {  	s8 =	sadd.s32 $0xFFFFE003, lr  }
0x1b: {  	s9 =	sadd.s32 $0xFFFFFEF7, lr;
	s5 =	simm.s32 $0xFFFFFFFF;
	p2 =	slt.u32 s8, $0xFFFFF086  }
0x1c: {  	p1 =	slt.u32 s9, $0xF7A;
	s5 =	simm.s32 @!p2 $0x0  }
0x1d: {  	s5 =	simm.s32 @p1 $0x1;
	p0 =	seq.s32 s7, s2  }
0x1e: {  	s7 =	smul.u32 @!p0 $0xF7A, s2;
	p2 =	seq.s32 @!p0 s5, $0x0  }
0x1f: {  	s9 =	smul.u32 $0xF7A, s1;
	s8 =	simm.s32 @!p0 $0x1BF5;
	p2 =	por !p2, p0  }
0x20: {  	[sflag:s8] =	ssyncset.s32 @!p0 $0xFFFFF086;
	s6 =	sadd.s32 @!p0 s3, s7;
	s7 =	simm.s32 @!p0 $0x108  }
0x21: {  	s3 =	sadd.s32 s3, s9;
	s6 =	sadd.s32 @!p0 $0x88, s6;
	s7 =	simm.s32 @p2 $0x1082  }
0x22: {  	[simem:s7], [sflag:s8] =	dma.local @!p0 [hbm:s6], $0xF7A  }
0x23: {  	s9 =	sor.u32 $0xD0000000, s2;
	s6 =	simm.s32 $0x108;
	_ =	swait.ge @!p0 [sflag:s8], $0x0  }
0x24: {  	s3 =	sadd.s32 $0x88, s3;
	s6 =	simm.s32 @!p1 $0x1082;
	[sflag:s4] =	ssyncset.s32 $0xFFFFF086  }
0x25: {  	[simem:s6], [sflag:s4] =	dma.local [hbm:s3], $0xF7A  }
0x26: {  	[smem:$0x3F93] =	sst s1;
	(tag) =	ssettag s2;
	_ =	strace s9  }
0x27: {  	s1 =	sld [smem:$0x3FA3]  }
0x28: {  	s2 =	sld [smem:$0x3FA4]  }
0x29: {  	s4 =	sld [smem:$0x3FA6]  }
0x2a: {  	p0 =	seq.s32 s5, $0x0;
	s5 =	sld [smem:$0x3FA7]  }
0x2b: {  	s6 =	sld [smem:$0x3FA8]  }
0x2c: {  	s7 =	sld [smem:$0x3FA9]  }
0x2d: {  	s3 =	simm.s32 $0x108;
	s8 =	sld [smem:$0x3FAA]  }
0x2e: {  	s3 =	simm.s32 @!p0 $0x1082;
	s9 =	sld [smem:$0x3FAB]  }
0x2f: {  	lr =	sadd.s32 s0, s3;
	s0 =	sld [smem:$0x3FA2]  }
0x30: {  	s3 =	sld [smem:$0x3FA5]  }
0x31: {  	[smem:$0x3FAE] =	sst s10  }
0x32: {  	s10 =	sld [smem:$0x3FAC];
	_ =	sdelay $0x3  }
0x33: {  	p0 =	seq.s32 s10, $0x1;
	s10 =	sld [smem:$0x3FAE];
	_ =	sdelay $0x3  }
0x34: {  	[smem:$0x3FAE] =	sst s10  }
0x35: {  	s10 =	sld [smem:$0x3FAD];
	_ =	sdelay $0x3  }
0x36: {  	p1 =	seq.s32 s10, $0x1;
	s10 =	sld [smem:$0x3FAE];
	_ =	sdelay $0x3  }
0x37: {  	[smem:$0x3FAE] =	sst s10  }
0x38: {  	s10 =	sld [smem:$0x3FAF]  }
0x39: {  	_ = 	snop;
	(pc) =	sbr.ind lr, $3  }
0x3a: {  	_ = 	snop  }
0x3b: {  	_ = 	snop  }
0x3c: {  	p2 =	seq.s32 s10, $0x1;
	s10 =	sld [smem:$0x3FAE]  }
0x3d: {  	_ =	shalt  }
0x3e: {  	_ =	shalt  }
0x3f: {  	_ =	shalt  }
0x40: {  	_ =	shalt  }
0x41: {  	_ =	shalt  }
0x42: {  	_ =	shalt  }
0x43: {  	_ =	shalt  }
0x44: {  	_ =	shalt  }
0x45: {  	_ =	shalt  }
0x46: {  	_ =	shalt  }
0x47: {  	_ =	shalt  }
0x48: {  	_ =	shalt  }
0x49: {  	_ =	shalt  }
0x4a: {  	_ =	shalt  }
0x4b: {  	_ =	shalt  }
0x4c: {  	_ =	shalt  }
0x4d: {  	_ =	shalt  }
0x4e: {  	_ =	shalt  }
0x4f: {  	_ =	shalt  }
0x50: {  	_ =	shalt  }
0x51: {  	_ =	shalt  }
0x52: {  	_ =	shalt  }
0x53: {  	_ =	shalt  }
0x54: {  	_ =	shalt  }
0x55: {  	_ =	shalt  }
0x56: {  	_ =	shalt  }
0x57: {  	_ =	shalt  }
0x58: {  	_ =	shalt  }
0x59: {  	_ =	shalt  }
0x5a: {  	_ =	shalt  }
0x5b: {  	_ =	shalt  }
0x5c: {  	_ =	shalt  }
0x5d: {  	_ =	shalt  }
0x5e: {  	_ =	shalt  }
0x5f: {  	_ =	shalt  }
0x60: {  	_ =	shalt  }
0x61: {  	_ =	shalt  }
0x62: {  	_ =	shalt  }
0x63: {  	_ =	shalt  }
0x64: {  	_ =	shalt  }
0x65: {  	_ =	shalt  }
0x66: {  	_ =	shalt  }
0x67: {  	_ =	shalt  }
0x68: {  	_ =	shalt  }
0x69: {  	_ =	shalt  }
0x6a: {  	_ =	shalt  }
0x6b: {  	_ =	shalt  }
0x6c: {  	_ =	shalt  }
0x6d: {  	_ =	shalt  }
0x6e: {  	_ =	shalt  }
0x6f: {  	_ =	shalt  }
0x70: {  	_ =	shalt  }
0x71: {  	_ =	shalt  }
0x72: {  	_ =	shalt  }
0x73: {  	_ =	shalt  }
0x74: {  	_ =	shalt  }
0x75: {  	_ =	shalt  }
0x76: {  	_ =	shalt  }
0x77: {  	_ =	shalt  }
0x78: {  	_ =	shalt  }
0x79: {  	_ =	shalt  }
0x7a: {  	_ =	shalt  }
0x7b: {  	_ =	shalt  }
0x7c: {  	_ =	shalt  }
0x7d: {  	_ =	shalt  }
0x7e: {  	_ =	shalt  }
0x7f: {  	_ =	shalt  }
0x80: {  	_ =	shalt  }
0x81: {  	_ =	shalt  }
0x82: {  	_ =	shalt  }
0x83: {  	_ =	shalt  }
0x84: {  	_ =	shalt  }
0x85: {  	_ =	shalt  }
0x86: {  	_ =	shalt  }
0x87: {  	_ =	shalt  }
.Lfunc_end0:
.L_simem_size_0:
called_computation.2_lowered:
.L_overlay_start_0:
0x88: {  	s2 =	sld [smem:$0x3FD9]  }
0x89: {  	s3 =	sld [smem:$0x3FFE];
	_ =	sdelay $0x1  }
0x8a: {  	s1 =	srdreg.scid  }
0x8b: {  	s0 =	sand.u32 $0x1, s1  }
0x8c: {  	s17 =	sshll.u32 s0, $0xA;
	s2 =	sadd.s32 s3, s2  }
0x8d: {  	s2 =	sadd.s32 s2, s17  }
0x8e: {  	[smem:$0x3FBA] =	sst s2  }
0x8f: {  	_ = 	snop  }
0x90: {  	s2 =	sld [smem:$0x3FD0];
	(tm) =	ssettm $0x1  }
0x91: {  	s18 =	sld [smem:$0x3FFB];
	_ =	sdelay $0x3  }
0x92: {  	_ =	strace s18  }
0x93: {  	s3 =	sld [smem:$0x3FFC];
	_ =	sdelay $0x3  }
0x94: {  	_ =	strace s3  }
0x95: {  	s3 =	sld [smem:$0x3FFD];
	_ =	sdelay $0x3  }
0x96: {  	_ =	strace s3  }
0x97: {  	_ =	strace $0x8FFFFFFF  }
0x98: {  	s19 =	sld [smem:$0x3FDB];
	_ =	sdelay $0x1  }
0x99: {  	s4 =	simm.s32 $_scs_section_size  }
0x9a: {  	s5 =	simm.s32 $_size__tile_overlayer_lowered;
	s6 =	simm.s32 $_tile_overlayer_lowered  }
0x9b: {  	s22 =	simm.s32 $0x1BFF;
	s21 =	sshll.u32 s6, $0x1;
	s3 =	sadd.s32 s4, s19  }
0x9c: {  	s7 =	simm.s32 $0x0;
	s20 =	sshll.u32 s5, $0x1;
	s5 =	sadd.s32 s21, s3  }
0x9d: {  	[timem:s7], [sflag:s22] =	dma.local [hbm:s5], s20  }
0x9e: {  	_ =	swait.ge [sflag:s22], s20  }
0x9f: {  	s4 =	ssub.s32 $0x0, s20;
	[sflag:s22] =	ssyncset.done $0x0  }
0xa0: {  	[sflag:s22] =	ssyncadd.s32 s4;
	_ =	sdelay $0x1  }
0xa1: {  	s23 =	simm.s32 $0x1B8B  }
0xa2: {  	_ =	swait.ge [sflag:s23], $0x1  }
0xa3: {  	[sflag:s23] =	ssyncset.done $0x0  }
0xa4: {  	s25 =	simm.s32 $0x1B8E;
	s24 =	sld [smem:$0x3FFE];
	[sflag:s23] =	ssyncadd.s32 $0xFFFFFFFF  }
0xa5: {  	s26 =	simm.s32 $execute0_lowered;
	[smem:$0x3FD2] =	sst s25  }
0xa6: {  	s5 =	sshll.u32 s26, $0x1;
	_ =	strace $0x8000004C;
	[dreg:$0x1] =	wrdreg $0xFFFFFFFF  }
0xa7: {  	s28 =	simm.s32 $_size_execute0_lowered;
	s3 =	sadd.s32 s3, s5;
	[dreg:$0x0] =	wrdreg $0x0  }
0xa8: {  	s5 =	sshll.u32 s28, $0x1;
	[dreg:$0x2] =	wrdreg s3  }
0xa9: {  	[dreg:$0x3] =	wrdreg s5  }
0xaa: {  	[dreg:$0x4] =	wrdreg $0xC0  }
0xab: {  	_ =	task [dreg:s7], $0x5FFFF  }
0xac: {  	[dreg:$0x1] =	wrdreg $0xFFFFFFFF  }
0xad: {  	[dreg:$0x0] =	wrdreg $0x60  }
0xae: {  	[dreg:$0x2] =	wrdreg s24  }
0xaf: {  	[dreg:$0x3] =	wrdreg s2  }
0xb0: {  	[dreg:$0x4] =	wrdreg $0xA5000  }
0xb1: {  	[dreg:$0x5] =	wrdreg $0x145000  }
0xb2: {  	[dreg:$0x6] =	wrdreg $0x9  }
0xb3: {  	_ =	task.clear_ibuf [dreg:s7], $0x7FFFF;
	_ =	strace $0x9000004C  }
0xb4: {  	s29 =	simm.s32 $0x9;
	_ =	strace $0x8000004E  }
0xb5: {  	_ =	swait.ge [sflag:s29], $0x1  }
0xb6: {  	[sflag:s29] =	ssyncadd.s32 $0xFFFFFFFF  }
0xb7: {  	_ =	strace $0x9000004E  }
0xb8: {  	_ =	sfence  }
0xb9: {  	s30 =	sld [smem:$0x0];
	_ =	sdelay $0x2  }
0xba: {  	s31 =	sshll.u32 s1, $0xD;
	s1 =	sshrl.u32 s1, $0x2  }
0xbb: {  	s3 =	sand.u32 $0x4000, s31;
	s1 =	sadd.s32 s1, s30  }
0xbc: {  	s0 =	sor.u32 s3, s0;
	s1 =	sshll.u32 s1, $0x11  }
0xbd: {  	s0 =	sor.u32 s1, s0  }
0xbe: {  	s0 =	sadd.s32 $0x8F2B, s0  }
0xbf: {  	[sflag:s0] =	ssyncadd.remote.s32 $0x1  }
0xc0: {  	_ =	sfence.sel $0xFFFF  }
0xc1: {  	[dreg:$0x0] =	wrdreg $0xFFFFFFFF;
	(pc) =	sbr.abs _section_cstart, $3  }
0xc2: {  	[dreg:$0x1] =	wrdreg $0xFFFFFFFF  }
0xc3: {  	_ =	task.clear_ibuf [dreg:s7], $0x2FFFF;
	_ =	strace $0x9FFFFFFF  }
0xc4: {  	(tm) =	ssettm $0x7FFFFFFF  }
0xc5: {  	_ =	shalt  }
tec
execute0_lowered:
.L_overlay_start_1:
0x0: {  	(tag) =	ssettag $0x1  }
0x1: {  	s0 =	rddreg [dreg:$0x0]  }
0x2: {  	s3 =	rddreg [dreg:$0x2]  }
0x3: {  	s4 =	rddreg [dreg:$0x3];
	s1 =	srdreg.scid  }
0x4: {  	s12 =	stileid.u32;
	s5 =	simm.s32 $0x0;
	s28 =	simm.s32 $0x100  }
0x5: {  	s29 =	simm.s32 $0x4500;
	s30 =	simm.s32 $0x6;
	s31 =	simm.s32 $0x6500  }
0x6: {  	s13 =	simm.s32 $0x0;
	s1 =	sand.u32 $0x1, s1;
	s2 =	smul.u32 $0x14000, s12  }
0x7: {  	[smem:$0x7FF] =	sst s5;
	s7 =	sadd.s32 $0xB400, s0;
	s9 =	smul.u32 $0xA000, s12  }
0x8: {  	s8 =	sadd.s32 $0x600, s0;
	s17 =	sshll.u32 s12, $0x6;
	s10 =	smul.u32 $0x5000, s12  }
0x9: {  	s21 =	smul.u32 $0xA00, s12;
	s12 =	simm.s32 $0x4;
	s6 =	sshll.u32 s1, $0x6  }
0xa: {  	_ =	strace $0x8000004D;
	s1 =	ssub.s32 $0x2, s1;
	s2 =	sor.u32 s6, s2  }
0xb: {  	s16 =	sshrl.u32 s1, $0x1;
	s11 =	sadd.s32 s9, s3;
	s6 =	sor.u32 $0x1C07, s17  }
0xc: {  	s18 =	sadd.s32 s9, s4;
	s20 =	sshrl.u32 s10, $0x3;
	s14 =	sadd.s32 s21, s7  }
0xd: {  	s10 =	simm.s32 $0x3;
	s2 =	sshrl.u32 s2, $0x3;
	s1 =	ssub.s32 s1, s16  }
0xe: {  	s22 =	sadd.s32 s7, s20;
	s23 =	sadd.s32 s8, s20;
	s9 =	sor.u32 $0x30, s20  }
0xf: {  	s17 =	sshrl.u32 s11, $0x3;
	s16 =	simm.s32 $0x7;
	s26 =	sshrl.u32 s18, $0x3  }
0x10: {  	s18 =	simm.s32 $0x1;
	s20 =	simm.s32 $0x10;
	[dreg:$0x7] =	wrdreg s22  }
0x11: {  	s11 =	simm.s32 $0x480;
	s0 =	sadd.s32 s2, s0;
	[dreg:$0x8] =	wrdreg s23  }
0x12: {  	s24 =	sadd.s32 s7, s9;
	s9 =	sadd.s32 s8, s9;
	s8 =	sadd.s32 s21, s8  }
0x13: {  	s25 =	smax.u32 s1, $0x1;
	[dreg:$0xe] =	wrdreg s26;
	s21 =	simm.s32 $0x180  }
0x14: {  	s22 =	simm.s32 $0x300;
	s23 =	simm.s32 $0x400;
	[dreg:$0xd] =	wrdreg s17  }
0x15: {  	s26 =	simm.s32 $0x2500;
	s2 =	simm.s32 $0x8500;
	[dreg:$0x9] =	wrdreg s24  }
0x16: {  	s1 =	simm.s32 $0x200;
	s7 =	simm.s32 $0x280;
	[dreg:$0xa] =	wrdreg s9  }
0x17: {  	s19 =	sadd.s32 $0x8C600, s0;
	s0 =	sadd.s32 $0x15400, s0;
	[dreg:$0xc] =	wrdreg s25  }
0x18: {  	[dreg:$0x5] =	wrdreg s8;
	s24 =	simm.s32 $0x80;
	s25 =	simm.s32 $0x500  }
0x19: {  	s8 =	simm.s32 $0x2;
	s9 =	simm.s32 $0x5;
	[dreg:$0x6] =	wrdreg s19  }
0x1a: {  	[dreg:$0xb] =	wrdreg s0;
	s19 =	simm.s32 $0x8;
	s0 =	simm.s32 $0x380  }
.LBB2_1:
0x1b: {  	s15 =	rddreg [dreg:$0x1]  }
0x1c: {  	[spmem:s17], [sflag:s6] =	dma.local [hbm:s15], $0x1400  }
0x1d: {  	_ =	swait.ge [sflag:s16], $0x1400  }
0x1e: {  	[sflag:s16] =	ssyncset.done $0x0;
	s15 =	rddreg [dreg:$0x6]  }
0x1f: {  	s17 =	rddreg [dreg:$0xe];
	[sflag:s16] =	ssyncadd.s32 $0xFFFFEC00  }
0x20: {  	[spmem:s17@s19], [sflag:s6] =	dma.strided [hbm:s15@s20], $0x1400, s18, $0x8   }
0x21: {  	_ =	swait.ge [sflag:s16], $0x1400  }
0x22: {  	[sflag:s16] =	ssyncset.done $0x0  }
0x23: {  	[sflag:s16] =	ssyncadd.s32 $0xFFFFEC00  }
0x24: {  	[bflag:$0x0] =	sbarrier.arrive $0xFFFF  }
0x25: {  	s20 =	rddreg [dreg:$0x7]  }
0x26: {  	[tilespmem:s5], [sflag:$0x7] =	stream.linear.gather [hbm4b:s20+s5], $0x180, $0x38;
	[tilespmem:$0x1E500] =	vst v63  }
0x27: {  	_ =	swait.ge [sflag:s16], $0x180  }
0x28: {  	[sflag:s16] =	ssyncset.done $0x0  }
0x29: {  	s17 =	rddreg [dreg:$0x8];
	[sflag:s16] =	ssyncadd.s32 $0xFFFFFE80  }
0x2a: {  	[tilespmem:s21], [sflag:$0x7] =	stream.linear.gather [hbm4b:s17+s5], $0x180, $0x38;
	[tilespmem:$0x1E500] =	vst v63  }
0x2b: {  	_ =	swait.ge [sflag:s16], $0x180  }
0x2c: {  	[sflag:s16] =	ssyncset.done $0x0  }
0x2d: {  	s19 =	rddreg [dreg:$0x9];
	[sflag:s16] =	ssyncadd.s32 $0xFFFFFE80  }
0x2e: {  	[tilespmem:s22], [sflag:$0x6] =	stream.linear.gather [hbm4b:s19+s5], $0x100, $0x38;
	[tilespmem:$0x1E500] =	vst v63  }
0x2f: {  	s20 =	rddreg [dreg:$0xa]  }
0x30: {  	[tilespmem:s23], [sflag:$0x6] =	stream.linear.gather [hbm4b:s20+s5], $0x100, $0x38;
	[tilespmem:$0x1E500] =	vst v63  }
0x31: {  	_ = 	snop  }
0x32: {  	[tilespmem:s25], [sflag:$0x1] =	stream.indirect.gather [spmem:s4], $0x40, s5, s24, $0xb8;
	[tilespmem:$0x1E500] =	vst v63  }
0x33: {  	_ = 	snop  }
0x34: {  	[tilespmem:s26], [sflag:$0x1] =	stream.indirect.gather [spmem:s4], $0x40, s24, s24, $0xb8;
	[tilespmem:$0x1E500] =	vst v63  }
0x35: {  	_ = 	snop  }
0x36: {  	[tilespmem:s29], [sflag:$0x1] =	stream.indirect.gather [spmem:s4], $0x40, s28, s24, $0xb8;
	[tilespmem:$0x1E500] =	vst v63  }
0x37: {  	_ =	swait.ge [sflag:s30], $0x100  }
0x38: {  	[sflag:s30] =	ssyncset.done $0x0  }
0x39: {  	[sflag:s30] =	ssyncadd.s32 $0xFFFFFF00  }
0x3a: {  	_ =	swait.ge [sflag:s30], $0x100  }
0x3b: {  	[sflag:s30] =	ssyncset.done $0x0  }
0x3c: {  	[sflag:s30] =	ssyncadd.s32 $0xFFFFFF00  }
0x3d: {  	[tilespmem:s31], [sflag:$0x3] =	stream.indirect.gather [spmem:s4], $0x40, s22, s24, $0xb8;
	[tilespmem:$0x1E500] =	vst v63  }
0x3e: {  	_ = 	snop  }
0x3f: {  	[tilespmem:s2], [sflag:$0x3] =	stream.indirect.gather [spmem:s4], $0x40, s0, s24, $0xb8;
	[tilespmem:$0x1E500] =	vst v63  }
0x40: {  	_ =	swait.ge [sflag:s18], $0x2000  }
0x41: {  	[sflag:s18] =	ssyncset.done $0x0  }
0x42: {  	[sflag:s18] =	ssyncadd.s32 $0xFFFFE000  }
0x43: {  	_ =	swait.ge [sflag:s18], $0x2000  }
0x44: {  	[sflag:s18] =	ssyncset.done $0x0  }
0x45: {  	[sflag:s18] =	ssyncadd.s32 $0xFFFFE000  }
0x46: {  	_ =	swait.ge [sflag:s18], $0x2000  }
0x47: {  	s17 =	sadd.s32 $0xFFFFF650, s14;
	[sflag:s18] =	ssyncset.done $0x0  }
0x48: {  	s15 =	sadd.s32 $0xA00, s17;
	[sflag:s18] =	ssyncadd.s32 $0xFFFFE000  }
0x49: {  	[tilespmem:s5], [sflag:$0x5] =	stream.linear.gather [hbm4b:s15+s5], $0x180, $0x38;
	[tilespmem:$0x1E500] =	vst v63  }
0x4a: {  	_ = 	snop  }
0x4b: {  	[spmem:s3] =	stream.indirect.scatter.add.f32 [tilespmem:s25], [sflag:$0x2], $0x40, s21, s24, $0xb8;
	[tilespmem:$0x1E500] =	vst v63  }
0x4c: {  	_ = 	snop  }
0x4d: {  	[spmem:s3] =	stream.indirect.scatter.add.f32 [tilespmem:s26], [sflag:$0x2], $0x40, s1, s24, $0xb8;
	[tilespmem:$0x1E500] =	vst v63  }
0x4e: {  	_ = 	snop  }
0x4f: {  	[spmem:s3] =	stream.indirect.scatter.add.f32 [tilespmem:s29], [sflag:$0x2], $0x40, s7, s24, $0xb8;
	[tilespmem:$0x1E500] =	vst v63  }
0x50: {  	_ =	swait.ge [sflag:s8], $0x2000  }
0x51: {  	[sflag:s8] =	ssyncset.done $0x0  }
0x52: {  	[sflag:s8] =	ssyncadd.s32 $0xFFFFE000  }
0x53: {  	_ =	swait.ge [sflag:s8], $0x2000  }
0x54: {  	[sflag:s8] =	ssyncset.done $0x0  }
0x55: {  	[sflag:s8] =	ssyncadd.s32 $0xFFFFE000  }
0x56: {  	_ =	swait.ge [sflag:s8], $0x2000  }
0x57: {  	s20 =	rddreg [dreg:$0x5]  }
0x58: {  	[sflag:s8] =	ssyncset.done $0x0;
	s15 =	sadd.s32 $0xFFFFF650, s20  }
0x59: {  	[sflag:s8] =	ssyncadd.s32 $0xFFFFE000;
	s19 =	sadd.s32 $0xA00, s15  }
0x5a: {  	[tilespmem:s21], [sflag:$0x5] =	stream.linear.gather [hbm4b:s19+s5], $0x180, $0x38;
	[tilespmem:$0x1E500] =	vst v63  }
0x5b: {  	_ =	swait.ge [sflag:s9], $0x180  }
0x5c: {  	[sflag:s9] =	ssyncset.done $0x0  }
0x5d: {  	[sflag:s9] =	ssyncadd.s32 $0xFFFFFE80  }
0x5e: {  	_ =	swait.ge [sflag:s9], $0x180  }
0x5f: {  	[sflag:s9] =	ssyncset.done $0x0  }
0x60: {  	[sflag:s9] =	ssyncadd.s32 $0xFFFFFE80  }
0x61: {  	[tilespmem:s25], [sflag:$0x1] =	stream.indirect.gather [spmem:s4], $0x40, s5, s24, $0xb8;
	[tilespmem:$0x1E500] =	vst v63  }
0x62: {  	_ = 	snop  }
0x63: {  	[tilespmem:s26], [sflag:$0x1] =	stream.indirect.gather [spmem:s4], $0x40, s24, s24, $0xb8;
	[tilespmem:$0x1E500] =	vst v63  }
0x64: {  	_ = 	snop  }
0x65: {  	[tilespmem:s29], [sflag:$0x1] =	stream.indirect.gather [spmem:s4], $0x40, s28, s24, $0xb8;
	[tilespmem:$0x1E500] =	vst v63  }
0x66: {  	_ =	swait.ge [sflag:s10], $0x2000  }
0x67: {  	[sflag:s10] =	ssyncset.done $0x0  }
0x68: {  	[sflag:s10] =	ssyncadd.s32 $0xFFFFE000  }
0x69: {  	_ =	swait.ge [sflag:s10], $0x2000  }
0x6a: {  	[sflag:s10] =	ssyncset.done $0x0  }
0x6b: {  	[sflag:s10] =	ssyncadd.s32 $0xFFFFE000  }
0x6c: {  	[spmem:s3] =	stream.indirect.scatter.add.f32 [tilespmem:s31], [sflag:$0x4], $0x40, s23, s24, $0xb8;
	[tilespmem:$0x1E500] =	vst v63  }
0x6d: {  	_ = 	snop  }
0x6e: {  	[spmem:s3] =	stream.indirect.scatter.add.f32 [tilespmem:s2], [sflag:$0x4], $0x40, s11, s24, $0xb8;
	[tilespmem:$0x1E500] =	vst v63  }
0x6f: {  	_ =	swait.ge [sflag:s12], $0x2000  }
0x70: {  	[sflag:s12] =	ssyncset.done $0x0  }
0x71: {  	[sflag:s12] =	ssyncadd.s32 $0xFFFFE000  }
0x72: {  	_ =	swait.ge [sflag:s12], $0x2000  }
0x73: {  	[sflag:s12] =	ssyncset.done $0x0  }
0x74: {  	s17 =	sadd.s32 $0xA30, s17;
	[sflag:s12] =	ssyncadd.s32 $0xFFFFE000  }
0x75: {  	[tilespmem:s22], [sflag:$0x6] =	stream.linear.gather [hbm4b:s17+s5], $0x100, $0x38;
	[tilespmem:$0x1E500] =	vst v63  }
0x76: {  	s19 =	simm.s32 $0xFFFFF6A0;
	s17 =	sadd.s32 $0xA30, s15  }
.LBB2_2:
0x77: {  	[tilespmem:s23], [sflag:$0x6] =	stream.linear.gather [hbm4b:s17+s5], $0x100, $0x38;
	[tilespmem:$0x1E500] =	vst v63  }
0x78: {  	_ =	swait.ge [sflag:s30], $0x100  }
0x79: {  	[sflag:s30] =	ssyncset.done $0x0  }
0x7a: {  	[sflag:s30] =	ssyncadd.s32 $0xFFFFFF00  }
0x7b: {  	_ =	swait.ge [sflag:s30], $0x100  }
0x7c: {  	[sflag:s30] =	ssyncset.done $0x0  }
0x7d: {  	[sflag:s30] =	ssyncadd.s32 $0xFFFFFF00  }
0x7e: {  	[tilespmem:s31], [sflag:$0x3] =	stream.indirect.gather [spmem:s4], $0x40, s22, s24, $0xb8;
	[tilespmem:$0x1E500] =	vst v63  }
0x7f: {  	_ = 	snop  }
0x80: {  	[tilespmem:s2], [sflag:$0x3] =	stream.indirect.gather [spmem:s4], $0x40, s0, s24, $0xb8;
	[tilespmem:$0x1E500] =	vst v63  }
0x81: {  	_ =	swait.ge [sflag:s18], $0x2000  }
0x82: {  	[sflag:s18] =	ssyncset.done $0x0  }
0x83: {  	[sflag:s18] =	ssyncadd.s32 $0xFFFFE000  }
0x84: {  	_ =	swait.ge [sflag:s18], $0x2000  }
0x85: {  	[sflag:s18] =	ssyncset.done $0x0  }
0x86: {  	[sflag:s18] =	ssyncadd.s32 $0xFFFFE000  }
0x87: {  	s17 =	smov.u32 s19;
	_ =	swait.ge [sflag:s18], $0x2000  }
0x88: {  	s20 =	sadd.s32 s17, s14;
	[sflag:s18] =	ssyncset.done $0x0  }
0x89: {  	s15 =	sadd.s32 $0xA00, s20;
	[sflag:s18] =	ssyncadd.s32 $0xFFFFE000  }
0x8a: {  	[tilespmem:s5], [sflag:$0x5] =	stream.linear.gather [hbm4b:s15+s5], $0x180, $0x38;
	[tilespmem:$0x1E500] =	vst v63  }
0x8b: {  	_ = 	snop  }
0x8c: {  	[spmem:s3] =	stream.indirect.scatter.add.f32 [tilespmem:s25], [sflag:$0x2], $0x40, s21, s24, $0xb8;
	[tilespmem:$0x1E500] =	vst v63  }
0x8d: {  	_ = 	snop  }
0x8e: {  	[spmem:s3] =	stream.indirect.scatter.add.f32 [tilespmem:s26], [sflag:$0x2], $0x40, s1, s24, $0xb8;
	[tilespmem:$0x1E500] =	vst v63  }
0x8f: {  	_ = 	snop  }
0x90: {  	[spmem:s3] =	stream.indirect.scatter.add.f32 [tilespmem:s29], [sflag:$0x2], $0x40, s7, s24, $0xb8;
	[tilespmem:$0x1E500] =	vst v63  }
0x91: {  	_ =	swait.ge [sflag:s8], $0x2000  }
0x92: {  	[sflag:s8] =	ssyncset.done $0x0  }
0x93: {  	[sflag:s8] =	ssyncadd.s32 $0xFFFFE000  }
0x94: {  	_ =	swait.ge [sflag:s8], $0x2000  }
0x95: {  	[sflag:s8] =	ssyncset.done $0x0  }
0x96: {  	[sflag:s8] =	ssyncadd.s32 $0xFFFFE000  }
0x97: {  	_ =	swait.ge [sflag:s8], $0x2000  }
0x98: {  	s15 =	rddreg [dreg:$0x5]  }
0x99: {  	[sflag:s8] =	ssyncset.done $0x0;
	s15 =	sadd.s32 s17, s15  }
0x9a: {  	[sflag:s8] =	ssyncadd.s32 $0xFFFFE000;
	s17 =	sadd.s32 $0xA00, s15  }
0x9b: {  	[tilespmem:s21], [sflag:$0x5] =	stream.linear.gather [hbm4b:s17+s5], $0x180, $0x38;
	[tilespmem:$0x1E500] =	vst v63  }
0x9c: {  	_ =	swait.ge [sflag:s9], $0x180  }
0x9d: {  	[sflag:s9] =	ssyncset.done $0x0  }
0x9e: {  	[sflag:s9] =	ssyncadd.s32 $0xFFFFFE80  }
0x9f: {  	_ =	swait.ge [sflag:s9], $0x180  }
0xa0: {  	[sflag:s9] =	ssyncset.done $0x0  }
0xa1: {  	[sflag:s9] =	ssyncadd.s32 $0xFFFFFE80  }
0xa2: {  	[tilespmem:s25], [sflag:$0x1] =	stream.indirect.gather [spmem:s4], $0x40, s5, s24, $0xb8;
	[tilespmem:$0x1E500] =	vst v63  }
0xa3: {  	_ = 	snop  }
0xa4: {  	[tilespmem:s26], [sflag:$0x1] =	stream.indirect.gather [spmem:s4], $0x40, s24, s24, $0xb8;
	[tilespmem:$0x1E500] =	vst v63  }
0xa5: {  	_ = 	snop  }
0xa6: {  	[tilespmem:s29], [sflag:$0x1] =	stream.indirect.gather [spmem:s4], $0x40, s28, s24, $0xb8;
	[tilespmem:$0x1E500] =	vst v63  }
0xa7: {  	_ =	swait.ge [sflag:s10], $0x2000  }
0xa8: {  	[sflag:s10] =	ssyncset.done $0x0  }
0xa9: {  	[sflag:s10] =	ssyncadd.s32 $0xFFFFE000  }
0xaa: {  	_ =	swait.ge [sflag:s10], $0x2000  }
0xab: {  	[sflag:s10] =	ssyncset.done $0x0  }
0xac: {  	[sflag:s10] =	ssyncadd.s32 $0xFFFFE000  }
0xad: {  	[spmem:s3] =	stream.indirect.scatter.add.f32 [tilespmem:s31], [sflag:$0x4], $0x40, s23, s24, $0xb8;
	[tilespmem:$0x1E500] =	vst v63  }
0xae: {  	_ = 	snop  }
0xaf: {  	[spmem:s3] =	stream.indirect.scatter.add.f32 [tilespmem:s2], [sflag:$0x4], $0x40, s11, s24, $0xb8;
	[tilespmem:$0x1E500] =	vst v63  }
0xb0: {  	_ =	swait.ge [sflag:s12], $0x2000  }
0xb1: {  	p0 =	sne.s32 s19, $0xFFFFFFB0;
	[sflag:s12] =	ssyncset.done $0x0  }
.Ltmp0:
0xb2: {  	[sflag:s12] =	ssyncadd.s32 $0xFFFFE000;
	(pc) =	sbr.rel @p0 .LBB2_2-.Ltmp0, $4  }
0xb3: {  	_ =	swait.ge [sflag:s12], $0x2000  }
0xb4: {  	s19 =	sadd.s32 $0x50, s19;
	[sflag:s12] =	ssyncset.done $0x0  }
0xb5: {  	s20 =	sadd.s32 $0xA30, s20;
	s17 =	sadd.s32 $0xA30, s15;
	[sflag:s12] =	ssyncadd.s32 $0xFFFFE000  }
0xb6: {  	[tilespmem:s22], [sflag:$0x6] =	stream.linear.gather [hbm4b:s20+s5], $0x100, $0x38;
	[tilespmem:$0x1E500] =	vst v63  }
0xb7: {  	[tilespmem:s23], [sflag:$0x6] =	stream.linear.gather [hbm4b:s17+s5], $0x100, $0x38;
	[tilespmem:$0x1E500] =	vst v63  }
0xb8: {  	_ =	swait.ge [sflag:s30], $0x100  }
0xb9: {  	[sflag:s30] =	ssyncset.done $0x0  }
0xba: {  	[sflag:s30] =	ssyncadd.s32 $0xFFFFFF00  }
0xbb: {  	_ =	swait.ge [sflag:s30], $0x100  }
0xbc: {  	[sflag:s30] =	ssyncset.done $0x0  }
0xbd: {  	[sflag:s30] =	ssyncadd.s32 $0xFFFFFF00  }
0xbe: {  	[tilespmem:s31], [sflag:$0x3] =	stream.indirect.gather [spmem:s4], $0x40, s22, s24, $0xb8;
	[tilespmem:$0x1E500] =	vst v63  }
0xbf: {  	_ = 	snop  }
0xc0: {  	[tilespmem:s2], [sflag:$0x3] =	stream.indirect.gather [spmem:s4], $0x40, s0, s24, $0xb8;
	[tilespmem:$0x1E500] =	vst v63  }
0xc1: {  	_ =	swait.ge [sflag:s18], $0x2000  }
0xc2: {  	[sflag:s18] =	ssyncset.done $0x0  }
0xc3: {  	[sflag:s18] =	ssyncadd.s32 $0xFFFFE000  }
0xc4: {  	_ =	swait.ge [sflag:s18], $0x2000  }
0xc5: {  	[sflag:s18] =	ssyncset.done $0x0  }
0xc6: {  	[sflag:s18] =	ssyncadd.s32 $0xFFFFE000  }
0xc7: {  	_ =	swait.ge [sflag:s18], $0x2000  }
0xc8: {  	[sflag:s18] =	ssyncset.done $0x0  }
0xc9: {  	[sflag:s18] =	ssyncadd.s32 $0xFFFFE000  }
0xca: {  	[spmem:s3] =	stream.indirect.scatter.add.f32 [tilespmem:s25], [sflag:$0x2], $0x40, s21, s24, $0xb8;
	[tilespmem:$0x1E500] =	vst v63  }
0xcb: {  	_ = 	snop  }
0xcc: {  	[spmem:s3] =	stream.indirect.scatter.add.f32 [tilespmem:s26], [sflag:$0x2], $0x40, s1, s24, $0xb8;
	[tilespmem:$0x1E500] =	vst v63  }
0xcd: {  	_ = 	snop  }
0xce: {  	[spmem:s3] =	stream.indirect.scatter.add.f32 [tilespmem:s29], [sflag:$0x2], $0x40, s7, s24, $0xb8;
	[tilespmem:$0x1E500] =	vst v63  }
0xcf: {  	_ =	swait.ge [sflag:s8], $0x2000  }
0xd0: {  	[sflag:s8] =	ssyncset.done $0x0  }
0xd1: {  	[sflag:s8] =	ssyncadd.s32 $0xFFFFE000  }
0xd2: {  	_ =	swait.ge [sflag:s8], $0x2000  }
0xd3: {  	[sflag:s8] =	ssyncset.done $0x0  }
0xd4: {  	[sflag:s8] =	ssyncadd.s32 $0xFFFFE000  }
0xd5: {  	_ =	swait.ge [sflag:s8], $0x2000  }
0xd6: {  	[sflag:s8] =	ssyncset.done $0x0  }
0xd7: {  	[sflag:s8] =	ssyncadd.s32 $0xFFFFE000  }
0xd8: {  	_ =	swait.ge [sflag:s10], $0x2000  }
0xd9: {  	[sflag:s10] =	ssyncset.done $0x0  }
0xda: {  	[sflag:s10] =	ssyncadd.s32 $0xFFFFE000  }
0xdb: {  	_ =	swait.ge [sflag:s10], $0x2000  }
0xdc: {  	[sflag:s10] =	ssyncset.done $0x0  }
0xdd: {  	[sflag:s10] =	ssyncadd.s32 $0xFFFFE000  }
0xde: {  	[spmem:s3] =	stream.indirect.scatter.add.f32 [tilespmem:s31], [sflag:$0x4], $0x40, s23, s24, $0xb8;
	[tilespmem:$0x1E500] =	vst v63  }
0xdf: {  	_ = 	snop  }
0xe0: {  	[spmem:s3] =	stream.indirect.scatter.add.f32 [tilespmem:s2], [sflag:$0x4], $0x40, s11, s24, $0xb8;
	[tilespmem:$0x1E500] =	vst v63  }
0xe1: {  	_ =	swait.ge [sflag:s12], $0x2000  }
0xe2: {  	[sflag:s12] =	ssyncset.done $0x0  }
0xe3: {  	[sflag:s12] =	ssyncadd.s32 $0xFFFFE000  }
0xe4: {  	_ =	swait.ge [sflag:s12], $0x2000  }
0xe5: {  	[sflag:s12] =	ssyncset.done $0x0  }
0xe6: {  	[sflag:s12] =	ssyncadd.s32 $0xFFFFE000  }
0xe7: {  	[bflag:$0x0] =	sbarrier.arrive $0xFFFF  }
0xe8: {  	s15 =	rddreg [dreg:$0xb]  }
0xe9: {  	s19 =	simm.s32 $0x8;
	s20 =	simm.s32 $0x10;
	s17 =	rddreg [dreg:$0xd]  }
0xea: {  	[hbm:s15@s20], [sflag:s6] =	dma.strided [spmem:s17@s19], $0x1400, s18, $0x8   }
0xeb: {  	_ =	swait.ge [sflag:s16], $0x1400  }
0xec: {  	s13 =	sadd.s32 $0x1, s13;
	s15 =	rddreg [dreg:$0xc]  }
0xed: {  	p0 =	sne.s32 s13, s15  }
.Ltmp1:
0xee: {  	_ = 	snop;
	(pc) =	sbr.rel @p0 .LBB2_1-.Ltmp1, $3  }
0xef: {  	_ =	sdelay $0x1  }
0xf0: {  	[sflag:s16] =	ssyncset.done $0x0  }
0xf1: {  	[sflag:s16] =	ssyncadd.s32 $0xFFFFEC00  }
0xf2: {  	_ =	sfence.sel $0x180000  }
0xf3: {  	[bflag:$0x0] =	sbarrier.arrive $0xFFFF  }
0xf4: {  	_ =	strace $0x9000004D  }
0xf5: {  	s0 =	stileid.u32;
	[bflag:$0x2] =	sbarrier.arrive $0xFFFF  }
0xf6: {  	p0 =	sne.s32 s0, $0x0;
	s0 =	rddreg [dreg:$0x4]  }
0xf7: {  	s0 =	sadd.s32 @!p0 $0x100000, s0  }
0xf8: {  	[sflag:s0] =	ssyncadd.tile.s32 @!p0 $0x1;
	_ =	shalt  }
.Lfunc_end2:
_tile_overlayer_lowered:
.L_overlay_start_2:
0xf9: {  	(tag) =	ssettag $0x2  }
0xfa: {  	s0 =	rddreg [dreg:$0x0];
	s2 =	stileid.u32  }
0xfb: {  	s1 =	rddreg [dreg:$0x1];
	p0 =	sne.s32 s2, $0x0  }
0xfc: {  	s3 =	rddreg [dreg:$0x2];
	[bflag:$0x3] =	sbarrier.arrive $0xFFFF;
	s2 =	simm.s32 @!p0 $0x1C07  }
0xfd: {  	[timem:s3], [sflag:s2] =	dma.local @!p0 [hbm:s0], s1  }
0xfe: {  	s0 =	simm.s32 @!p0 $0x7  }
0xff: {  	_ =	swait.ge @!p0 [sflag:s0], s1  }
0x100: {  	s1 =	ssub.s32 @!p0 $0x0, s1;
	[sflag:s0] =	ssyncset.done @!p0 $0x0  }
0x101: {  	[sflag:s0] =	ssyncadd.s32 @!p0 s1  }
0x102: {  	[bflag:$0x3] =	sbarrier.arrive $0xFFFF  }
0x103: {  	_ =	shalt  }

// kernel: kernel.9.cloned.1.call-start
scs
__scs_entry_jumppad:
0x0: {  	(pc) =	sbr.rel $0x88, $3  }
0x1: {  	(tag) =	ssettag $0x0;
	lr =	simm.s32 $0x1  }
0x2: {  	[smem:$0x3F93] =	sst lr;
	_ =	strace $0xD0000000  }
0x3: {  	_ = 	snop  }
0x4: {  	_ = 	snop  }
0x5: {  	_ = 	snop  }
0x6: {  	_ = 	snop  }
0x7: {  	_ = 	snop  }
__scs_overlays_trampoline_lowered:
0x8: {  	[smem:$0x3FA2] =	sst s0  }
0x9: {  	[smem:$0x3FA3] =	sst s1  }
0xa: {  	[smem:$0x3FA4] =	sst s2  }
0xb: {  	[smem:$0x3FA5] =	sst s3  }
0xc: {  	[smem:$0x3FA6] =	sst s4  }
0xd: {  	[smem:$0x3FA7] =	sst s5  }
0xe: {  	[smem:$0x3FA8] =	sst s6  }
0xf: {  	[smem:$0x3FA9] =	sst s7  }
0x10: {  	[smem:$0x3FAA] =	sst s8  }
0x11: {  	[smem:$0x3FAB] =	sst s9;
	s0 =	simm.s32 @!p0 $0x0  }
0x12: {  	s1 =	sld [smem:$0x3F91];
	s0 =	simm.s32 @p0 $0x1  }
0x13: {  	[smem:$0x3FAC] =	sst s0;
	s0 =	simm.s32 @!p1 $0x0  }
0x14: {  	s2 =	sld [smem:$0x3F90];
	s0 =	simm.s32 @p1 $0x1  }
0x15: {  	[smem:$0x3FAD] =	sst s0;
	s0 =	simm.s32 @!p2 $0x0  }
0x16: {  	s3 =	sld [smem:$0x3FDB];
	s0 =	simm.s32 @p2 $0x1  }
0x17: {  	s4 =	simm.s32 $0x1BF5;
	[smem:$0x3FAF] =	sst s0  }
0x18: {  	s0 =	sld [smem:$0x3F92];
	_ =	swait.ge [sflag:s4], $0x0  }
0x19: {  	s7 =	sld [smem:$0x3F93]  }
0x1a: {  	s8 =	sadd.s32 $0xFFFFE003, lr  }
0x1b: {  	s9 =	sadd.s32 $0xFFFFFEF7, lr;
	s5 =	simm.s32 $0xFFFFFFFF;
	p2 =	slt.u32 s8, $0xFFFFF086  }
0x1c: {  	p1 =	slt.u32 s9, $0xF7A;
	s5 =	simm.s32 @!p2 $0x0  }
0x1d: {  	s5 =	simm.s32 @p1 $0x1;
	p0 =	seq.s32 s7, s2  }
0x1e: {  	s7 =	smul.u32 @!p0 $0xF7A, s2;
	p2 =	seq.s32 @!p0 s5, $0x0  }
0x1f: {  	s9 =	smul.u32 $0xF7A, s1;
	s8 =	simm.s32 @!p0 $0x1BF5;
	p2 =	por !p2, p0  }
0x20: {  	[sflag:s8] =	ssyncset.s32 @!p0 $0xFFFFF086;
	s6 =	sadd.s32 @!p0 s3, s7;
	s7 =	simm.s32 @!p0 $0x108  }
0x21: {  	s3 =	sadd.s32 s3, s9;
	s6 =	sadd.s32 @!p0 $0x88, s6;
	s7 =	simm.s32 @p2 $0x1082  }
0x22: {  	[simem:s7], [sflag:s8] =	dma.local @!p0 [hbm:s6], $0xF7A  }
0x23: {  	s9 =	sor.u32 $0xD0000000, s2;
	s6 =	simm.s32 $0x108;
	_ =	swait.ge @!p0 [sflag:s8], $0x0  }
0x24: {  	s3 =	sadd.s32 $0x88, s3;
	s6 =	simm.s32 @!p1 $0x1082;
	[sflag:s4] =	ssyncset.s32 $0xFFFFF086  }
0x25: {  	[simem:s6], [sflag:s4] =	dma.local [hbm:s3], $0xF7A  }
0x26: {  	[smem:$0x3F93] =	sst s1;
	(tag) =	ssettag s2;
	_ =	strace s9  }
0x27: {  	s1 =	sld [smem:$0x3FA3]  }
0x28: {  	s2 =	sld [smem:$0x3FA4]  }
0x29: {  	s4 =	sld [smem:$0x3FA6]  }
0x2a: {  	p0 =	seq.s32 s5, $0x0;
	s5 =	sld [smem:$0x3FA7]  }
0x2b: {  	s6 =	sld [smem:$0x3FA8]  }
0x2c: {  	s7 =	sld [smem:$0x3FA9]  }
0x2d: {  	s3 =	simm.s32 $0x108;
	s8 =	sld [smem:$0x3FAA]  }
0x2e: {  	s3 =	simm.s32 @!p0 $0x1082;
	s9 =	sld [smem:$0x3FAB]  }
0x2f: {  	lr =	sadd.s32 s0, s3;
	s0 =	sld [smem:$0x3FA2]  }
0x30: {  	s3 =	sld [smem:$0x3FA5]  }
0x31: {  	[smem:$0x3FAE] =	sst s10  }
0x32: {  	s10 =	sld [smem:$0x3FAC];
	_ =	sdelay $0x3  }
0x33: {  	p0 =	seq.s32 s10, $0x1;
	s10 =	sld [smem:$0x3FAE];
	_ =	sdelay $0x3  }
0x34: {  	[smem:$0x3FAE] =	sst s10  }
0x35: {  	s10 =	sld [smem:$0x3FAD];
	_ =	sdelay $0x3  }
0x36: {  	p1 =	seq.s32 s10, $0x1;
	s10 =	sld [smem:$0x3FAE];
	_ =	sdelay $0x3  }
0x37: {  	[smem:$0x3FAE] =	sst s10  }
0x38: {  	s10 =	sld [smem:$0x3FAF]  }
0x39: {  	_ = 	snop;
	(pc) =	sbr.ind lr, $3  }
0x3a: {  	_ = 	snop  }
0x3b: {  	_ = 	snop  }
0x3c: {  	p2 =	seq.s32 s10, $0x1;
	s10 =	sld [smem:$0x3FAE]  }
0x3d: {  	_ =	shalt  }
0x3e: {  	_ =	shalt  }
0x3f: {  	_ =	shalt  }
0x40: {  	_ =	shalt  }
0x41: {  	_ =	shalt  }
0x42: {  	_ =	shalt  }
0x43: {  	_ =	shalt  }
0x44: {  	_ =	shalt  }
0x45: {  	_ =	shalt  }
0x46: {  	_ =	shalt  }
0x47: {  	_ =	shalt  }
0x48: {  	_ =	shalt  }
0x49: {  	_ =	shalt  }
0x4a: {  	_ =	shalt  }
0x4b: {  	_ =	shalt  }
0x4c: {  	_ =	shalt  }
0x4d: {  	_ =	shalt  }
0x4e: {  	_ =	shalt  }
0x4f: {  	_ =	shalt  }
0x50: {  	_ =	shalt  }
0x51: {  	_ =	shalt  }
0x52: {  	_ =	shalt  }
0x53: {  	_ =	shalt  }
0x54: {  	_ =	shalt  }
0x55: {  	_ =	shalt  }
0x56: {  	_ =	shalt  }
0x57: {  	_ =	shalt  }
0x58: {  	_ =	shalt  }
0x59: {  	_ =	shalt  }
0x5a: {  	_ =	shalt  }
0x5b: {  	_ =	shalt  }
0x5c: {  	_ =	shalt  }
0x5d: {  	_ =	shalt  }
0x5e: {  	_ =	shalt  }
0x5f: {  	_ =	shalt  }
0x60: {  	_ =	shalt  }
0x61: {  	_ =	shalt  }
0x62: {  	_ =	shalt  }
0x63: {  	_ =	shalt  }
0x64: {  	_ =	shalt  }
0x65: {  	_ =	shalt  }
0x66: {  	_ =	shalt  }
0x67: {  	_ =	shalt  }
0x68: {  	_ =	shalt  }
0x69: {  	_ =	shalt  }
0x6a: {  	_ =	shalt  }
0x6b: {  	_ =	shalt  }
0x6c: {  	_ =	shalt  }
0x6d: {  	_ =	shalt  }
0x6e: {  	_ =	shalt  }
0x6f: {  	_ =	shalt  }
0x70: {  	_ =	shalt  }
0x71: {  	_ =	shalt  }
0x72: {  	_ =	shalt  }
0x73: {  	_ =	shalt  }
0x74: {  	_ =	shalt  }
0x75: {  	_ =	shalt  }
0x76: {  	_ =	shalt  }
0x77: {  	_ =	shalt  }
0x78: {  	_ =	shalt  }
0x79: {  	_ =	shalt  }
0x7a: {  	_ =	shalt  }
0x7b: {  	_ =	shalt  }
0x7c: {  	_ =	shalt  }
0x7d: {  	_ =	shalt  }
0x7e: {  	_ =	shalt  }
0x7f: {  	_ =	shalt  }
0x80: {  	_ =	shalt  }
0x81: {  	_ =	shalt  }
0x82: {  	_ =	shalt  }
0x83: {  	_ =	shalt  }
0x84: {  	_ =	shalt  }
0x85: {  	_ =	shalt  }
0x86: {  	_ =	shalt  }
0x87: {  	_ =	shalt  }
.Lfunc_end0:
.L_simem_size_0:
called_computation_lowered:
.L_overlay_start_0:
0x88: {  	s2 =	sld [smem:$0x3FD9]  }
0x89: {  	s3 =	sld [smem:$0x3FFE];
	_ =	sdelay $0x1  }
0x8a: {  	s1 =	srdreg.scid  }
0x8b: {  	s0 =	sand.u32 $0x1, s1  }
0x8c: {  	s16 =	sshll.u32 s0, $0xA;
	s2 =	sadd.s32 s3, s2  }
0x8d: {  	s2 =	sadd.s32 s2, s16  }
0x8e: {  	[smem:$0x3FBA] =	sst s2  }
0x8f: {  	_ = 	snop  }
0x90: {  	(tm) =	ssettm $0x1  }
0x91: {  	s17 =	sld [smem:$0x3FFB];
	_ =	sdelay $0x3  }
0x92: {  	_ =	strace s17  }
0x93: {  	s2 =	sld [smem:$0x3FFC];
	_ =	sdelay $0x3  }
0x94: {  	_ =	strace s2  }
0x95: {  	s2 =	sld [smem:$0x3FFD];
	_ =	sdelay $0x3  }
0x96: {  	_ =	strace s2  }
0x97: {  	_ =	strace $0x8FFFFFFF  }
0x98: {  	s18 =	sld [smem:$0x3FDB];
	_ =	sdelay $0x1  }
0x99: {  	s19 =	simm.s32 $_scs_section_size  }
0x9a: {  	s4 =	simm.s32 $_size__tile_overlayer_lowered;
	s5 =	simm.s32 $_tile_overlayer_lowered  }
0x9b: {  	s22 =	simm.s32 $0x1BFF;
	s21 =	sshll.u32 s5, $0x1;
	s2 =	sadd.s32 s19, s18  }
0x9c: {  	s6 =	simm.s32 $0x0;
	s20 =	sshll.u32 s4, $0x1;
	s4 =	sadd.s32 s21, s2  }
0x9d: {  	[timem:s6], [sflag:s22] =	dma.local [hbm:s4], s20  }
0x9e: {  	_ =	swait.ge [sflag:s22], s20  }
0x9f: {  	s3 =	ssub.s32 $0x0, s20;
	[sflag:s22] =	ssyncset.done $0x0  }
0xa0: {  	[sflag:s22] =	ssyncadd.s32 s3;
	_ =	sdelay $0x1  }
0xa1: {  	s23 =	simm.s32 $0x1B8B  }
0xa2: {  	_ =	swait.ge [sflag:s23], $0x1  }
0xa3: {  	[sflag:s23] =	ssyncset.done $0x0  }
0xa4: {  	s25 =	simm.s32 $0x1B8E;
	s24 =	sld [smem:$0x3FFE];
	[sflag:s23] =	ssyncadd.s32 $0xFFFFFFFF  }
0xa5: {  	s26 =	simm.s32 $execute0_lowered;
	[smem:$0x3FD2] =	sst s25  }
0xa6: {  	s4 =	sshll.u32 s26, $0x1;
	_ =	strace $0x80000046;
	[dreg:$0x1] =	wrdreg $0xFFFFFFFF  }
0xa7: {  	s28 =	simm.s32 $_size_execute0_lowered;
	s2 =	sadd.s32 s2, s4;
	[dreg:$0x0] =	wrdreg $0x0  }
0xa8: {  	s4 =	sshll.u32 s28, $0x1;
	[dreg:$0x2] =	wrdreg s2  }
0xa9: {  	[dreg:$0x3] =	wrdreg s4  }
0xaa: {  	[dreg:$0x4] =	wrdreg $0xC0  }
0xab: {  	_ =	task [dreg:s6], $0x5FFFF  }
0xac: {  	[dreg:$0x1] =	wrdreg $0xFFFFFFFF  }
0xad: {  	[dreg:$0x0] =	wrdreg $0x60  }
0xae: {  	[dreg:$0x2] =	wrdreg s24  }
0xaf: {  	[dreg:$0x3] =	wrdreg $0x2B000  }
0xb0: {  	[dreg:$0x4] =	wrdreg $0x9  }
0xb1: {  	_ =	task.clear_ibuf [dreg:s6], $0x5FFFF;
	_ =	strace $0x90000046  }
0xb2: {  	s29 =	simm.s32 $0x9;
	_ =	strace $0x80000048  }
0xb3: {  	_ =	swait.ge [sflag:s29], $0x1  }
0xb4: {  	[sflag:s29] =	ssyncadd.s32 $0xFFFFFFFF  }
0xb5: {  	_ =	strace $0x90000048  }
0xb6: {  	_ =	sfence  }
0xb7: {  	s30 =	sld [smem:$0x0];
	_ =	sdelay $0x2  }
0xb8: {  	s31 =	sshll.u32 s1, $0xD;
	s1 =	sshrl.u32 s1, $0x2  }
0xb9: {  	s3 =	sand.u32 $0x4000, s31;
	s1 =	sadd.s32 s1, s30  }
0xba: {  	s0 =	sor.u32 s3, s0;
	s1 =	sshll.u32 s1, $0x11  }
0xbb: {  	s0 =	sor.u32 s1, s0  }
0xbc: {  	s0 =	sadd.s32 $0x8F2B, s0  }
0xbd: {  	[sflag:s0] =	ssyncadd.remote.s32 $0x1  }
0xbe: {  	_ =	sfence.sel $0xFFFF  }
0xbf: {  	[dreg:$0x0] =	wrdreg $0xFFFFFFFF;
	(pc) =	sbr.abs _section_cstart, $3  }
0xc0: {  	[dreg:$0x1] =	wrdreg $0xFFFFFFFF  }
0xc1: {  	_ =	task.clear_ibuf [dreg:s6], $0x2FFFF;
	_ =	strace $0x9FFFFFFF  }
0xc2: {  	(tm) =	ssettm $0x7FFFFFFF  }
0xc3: {  	_ =	shalt  }
tec
execute0_lowered:
.L_overlay_start_1:
0x0: {  	(tag) =	ssettag $0x1  }
0x1: {  	s0 =	srdreg.scid;
	s7 =	rddreg [dreg:$0x0]  }
0x2: {  	s2 =	rddreg [dreg:$0x1];
	s3 =	simm.s32 $0x0;
	s12 =	simm.s32 $0x2880  }
0x3: {  	s13 =	simm.s32 $0x80;
	s14 =	simm.s32 $0x100;
	s15 =	simm.s32 $0x0  }
0x4: {  	s6 =	sand.u32 $0x1, s0;
	s0 =	stileid.u32;
	[smem:$0x7FF] =	sst s3  }
0x5: {  	s5 =	sadd.s32 $0xA800, s7;
	s1 =	sshll.u32 s6, $0x4;
	s9 =	smul.u32 $0x500, s0  }
0x6: {  	s10 =	sshll.u32 s6, $0x7;
	s11 =	smul.u32 $0xA00, s0;
	s6 =	ssub.s32 $0x2, s6  }
0x7: {  	s4 =	sor.u32 s0, s1;
	s1 =	rddreg [dreg:$0x2];
	_ =	strace $0x80000047  }
0x8: {  	s31 =	sshrl.u32 s6, $0x1;
	s4 =	smul.u32 $0x500, s4;
	s9 =	sor.u32 s10, s9  }
0x9: {  	s11 =	sshrl.u32 s11, $0x2;
	s10 =	ssub.s32 s6, s31;
	s9 =	sshrl.u32 s9, $0x3  }
0xa: {  	s6 =	sadd.s32 s11, s2;
	s11 =	simm.s32 $0x1;
	s8 =	sadd.s32 s4, s7  }
0xb: {  	s4 =	sadd.s32 $0xA600, s7;
	s9 =	sadd.s32 s9, s7;
	s7 =	sadd.s32 $0x600, s8  }
0xc: {  	s8 =	sadd.s32 $0xAA00, s9;
	s9 =	smax.u32 s10, $0x1;
	s10 =	simm.s32 $0x2800  }
.LBB2_1:
0xd: {  	[tilespmem:s10], [sflag:$0x1] =	stream.linear.gather [hbm4b:s4+s3], $0x80, $0x38;
	[tilespmem:$0x2D80] =	vst v63  }
0xe: {  	_ =	swait.ge [sflag:s11], $0x80  }
0xf: {  	[sflag:s11] =	ssyncset.done $0x0  }
0x10: {  	[sflag:s11] =	ssyncadd.s32 $0xFFFFFF80  }
0x11: {  	[tilespmem:s12], [sflag:$0x1] =	stream.linear.gather [hbm4b:s5+s3], $0x280, $0x38;
	[tilespmem:$0x2D80] =	vst v63  }
0x12: {  	_ =	swait.ge [sflag:s11], $0x280  }
0x13: {  	[sflag:s11] =	ssyncset.done $0x0  }
0x14: {  	[sflag:s11] =	ssyncadd.s32 $0xFFFFFD80  }
0x15: {  	[spmem:s6] =	stream.linear.scatter [tilespmem:s12], [sflag:$0x1], $0x280, $0x38;
	[tilespmem:$0x2D80] =	vst v63  }
0x16: {  	_ =	swait.ge [sflag:s11], $0x280  }
0x17: {  	[sflag:s11] =	ssyncset.done $0x0  }
0x18: {  	[sflag:s11] =	ssyncadd.s32 $0xFFFFFD80  }
0x19: {  	[tilespmem:s3], [sflag:$0x1] =	stream.linear.gather [hbm4b:s7+s3], $0x2800, $0x38;
	[tilespmem:$0x2D80] =	vst v63  }
0x1a: {  	_ =	swait.ge [sflag:s11], $0x2800  }
0x1b: {  	[sflag:s11] =	ssyncset.done $0x0  }
0x1c: {  	[sflag:s11] =	ssyncadd.s32 $0xFFFFD800  }
0x1d: {  	s16 =	simm.s32 $0x0;
	[bflag:$0x0] =	sbarrier.arrive $0xFFFF  }
0x1e: {  	[spmem:s2] =	stream.indirect.scatter.add.f32 [tilespmem:s10], [sflag:$0x1], $0x1, s16, s13, $0xb8;
	[tilespmem:$0x2D80] =	vst v63  }
0x1f: {  	_ =	swait.ge [sflag:s11], $0x80  }
0x20: {  	s16 =	simm.s32 $0x200;
	[sflag:s11] =	ssyncset.done $0x0  }
.LBB2_2:
0x21: {  	s17 =	sshra.s32 s16, $0x2;
	[sflag:s11] =	ssyncadd.s32 $0xFFFFFF80;
	p0 =	sne.s32 s16, $0x9E00  }
0x22: {  	[spmem:s2] =	stream.indirect.scatter.add.f32 [tilespmem:s10], [sflag:$0x1], $0x1, s17, s13, $0xb8;
	[tilespmem:$0x2D80] =	vst v63  }
.Ltmp0:
0x23: {  	_ = 	snop;
	(pc) =	sbr.rel @p0 .LBB2_2-.Ltmp0, $4  }
0x24: {  	_ = 	snop  }
0x25: {  	s16 =	sadd.s32 $0x200, s16  }
0x26: {  	_ =	swait.ge [sflag:s11], $0x80  }
0x27: {  	[sflag:s11] =	ssyncset.done $0x0  }
0x28: {  	[sflag:s11] =	ssyncadd.s32 $0xFFFFFF80  }
0x29: {  	[bflag:$0x0] =	sbarrier.arrive $0xFFFF  }
0x2a: {  	[tilespmem:s12], [sflag:$0x1] =	stream.linear.gather [spmem:s6], $0x280, $0x38;
	[tilespmem:$0x2D80] =	vst v63  }
0x2b: {  	s15 =	sadd.s32 $0x1, s15;
	_ =	swait.ge [sflag:s11], $0x280  }
0x2c: {  	p0 =	sne.s32 s15, s9;
	[sflag:s11] =	ssyncset.done $0x0  }
.Ltmp1:
0x2d: {  	[sflag:s11] =	ssyncadd.s32 $0xFFFFFD80;
	(pc) =	sbr.rel @p0 .LBB2_1-.Ltmp1, $4  }
0x2e: {  	[hbm4b:s8+s13] =	stream.strided.scatter [tilespmem:s12], [sflag:$0x1], $0x280, s14, s13, $0x38;
	[tilespmem:$0x2D80] =	vst v63  }
0x2f: {  	_ =	swait.ge [sflag:s11], $0x280  }
0x30: {  	[sflag:s11] =	ssyncset.done $0x0  }
0x31: {  	[sflag:s11] =	ssyncadd.s32 $0xFFFFFD80  }
0x32: {  	_ =	sfence.sel $0x180000  }
0x33: {  	[bflag:$0x0] =	sbarrier.arrive $0xFFFF  }
0x34: {  	p0 =	sne.s32 s0, $0x0;
	_ =	strace $0x90000047  }
0x35: {  	s0 =	sadd.s32 @!p0 $0x100000, s1;
	[bflag:$0x2] =	sbarrier.arrive $0xFFFF  }
0x36: {  	[sflag:s0] =	ssyncadd.tile.s32 @!p0 $0x1;
	_ =	shalt  }
.Lfunc_end2:
_tile_overlayer_lowered:
.L_overlay_start_2:
0x37: {  	(tag) =	ssettag $0x2  }
0x38: {  	s0 =	rddreg [dreg:$0x0];
	s2 =	stileid.u32  }
0x39: {  	s1 =	rddreg [dreg:$0x1];
	p0 =	sne.s32 s2, $0x0  }
0x3a: {  	s3 =	rddreg [dreg:$0x2];
	[bflag:$0x3] =	sbarrier.arrive $0xFFFF;
	s2 =	simm.s32 @!p0 $0x1C01  }
0x3b: {  	[timem:s3], [sflag:s2] =	dma.local @!p0 [hbm:s0], s1  }
0x3c: {  	s0 =	simm.s32 @!p0 $0x1  }
0x3d: {  	_ =	swait.ge @!p0 [sflag:s0], s1  }
0x3e: {  	s1 =	ssub.s32 @!p0 $0x0, s1;
	[sflag:s0] =	ssyncset.done @!p0 $0x0  }
0x3f: {  	[sflag:s0] =	ssyncadd.s32 @!p0 s1  }
0x40: {  	[bflag:$0x3] =	sbarrier.arrive $0xFFFF  }
0x41: {  	_ =	shalt  }

</sc_bundles>
